<compile_context>
chip_gen: v7x
topology: tpu7x:2x2x1
jax: 0.10.2.dev20260603
libtpu: 0.0.44.dev20260713+nightly
codegen_flags: <defaults>
</compile_context>

<pallas_src>
import jax
import jax.numpy as jnp
from jax import lax
from jax.experimental import pallas as pl
from jax.experimental.pallas import tpu as pltpu
from jax.experimental.pallas import tpu_sc as plsc

N, E, D = 10000, 320000, 128
NC, NS, L = 2, 16, 16
NW = NC * NS
EPT = E // NW
C1 = 2000
NC1 = EPT // C1
K = 112
EPTP = 10080
NK = EPTP // K
NP = 10112
RPT = NP // NS

_MESH = plsc.VectorSubcoreMesh(
    core_axis_name="c", subcore_axis_name="s", num_cores=NC, num_subcores=NS)
_SC_PARAMS = pltpu.CompilerParams(needs_layout_passes=False, use_tc_tiling_on_sc=False)


def _pre_body(x_r, wg_r, asr_r, adr_r, wc_r, xw_r, as_r, ad_r, xg_r):
    xx = x_r[...]
    xw = jnp.dot(xx, wg_r[...], preferred_element_type=jnp.float32)
    xw_r[...] = xw
    as_r[...] = jnp.sum(xw * asr_r[...], axis=1, keepdims=True)
    ad_r[...] = jnp.sum(xw * adr_r[...], axis=1, keepdims=True)
    xg_r[...] = jnp.dot(xx, wc_r[...], preferred_element_type=jnp.float32)


def _tc_pre(x, W_gat, att_src, att_dst, W_gcn):
    return pl.pallas_call(
        _pre_body,
        out_shape=(
            jax.ShapeDtypeStruct((N, D), jnp.float32),
            jax.ShapeDtypeStruct((N, 1), jnp.float32),
            jax.ShapeDtypeStruct((N, 1), jnp.float32),
            jax.ShapeDtypeStruct((N, D), jnp.float32),
        ),
    )(x, W_gat, att_src.reshape(1, D), att_dst.reshape(1, D), W_gcn)


def _s1_body(src_h, dst_h, as_h, ad_h, p_h, denp_h, degp_h,
             asv, adv, den, deg, sidx, didx, pbuf):
    c = lax.axis_index("c")
    s = lax.axis_index("s")
    wid = c * NS + s
    base = wid * EPT
    pltpu.sync_copy(as_h, asv)
    pltpu.sync_copy(ad_h, adv)

    def zero(i, carry):
        den[pl.ds(i * L, L)] = jnp.zeros((L,), jnp.float32)
        deg[pl.ds(i * L, L)] = jnp.zeros((L,), jnp.float32)
        return carry

    lax.fori_loop(0, N // L, zero, 0)

    for cc in range(NC1):
        off = pl.multiple_of(base + cc * C1, 8)
        pltpu.sync_copy(src_h.at[pl.ds(off, C1)], sidx)
        pltpu.sync_copy(dst_h.at[pl.ds(off, C1)], didx)

        def work(j, carry):
            si = sidx[pl.ds(j * L, L)]
            di = didx[pl.ds(j * L, L)]
            av = plsc.load_gather(asv, [si])
            dv = plsc.load_gather(adv, [di])
            e = av + dv
            e = jnp.where(e > 0, e, 0.2 * e)
            p = jnp.exp(e)
            pbuf[pl.ds(j * L, L)] = p
            plsc.addupdate_scatter(den, [di], p)
            plsc.addupdate_scatter(deg, [di], jnp.full((L,), 1.0, jnp.float32))
            return carry

        lax.fori_loop(0, C1 // L, work, 0)
        pltpu.sync_copy(pbuf, p_h.at[pl.ds(off, C1)])

    pltpu.sync_copy(den, denp_h.at[pl.ds(wid * N, N)])
    pltpu.sync_copy(deg, degp_h.at[pl.ds(wid * N, N)])


def _sc_scalar(src, dst, a_s, a_d):
    return pl.kernel(
        _s1_body,
        out_type=(
            jax.ShapeDtypeStruct((E,), jnp.float32),
            jax.ShapeDtypeStruct((NW * N,), jnp.float32),
            jax.ShapeDtypeStruct((NW * N,), jnp.float32),
        ),
        mesh=_MESH,
        compiler_params=_SC_PARAMS,
        scratch_types=[
            pltpu.VMEM((N,), jnp.float32),
            pltpu.VMEM((N,), jnp.float32),
            pltpu.VMEM((N,), jnp.float32),
            pltpu.VMEM((N,), jnp.float32),
            pltpu.VMEM((C1,), jnp.int32),
            pltpu.VMEM((C1,), jnp.int32),
            pltpu.VMEM((C1,), jnp.float32),
        ],
    )(src, dst, a_s, a_d)


def _mid_body(denp_r, degp_r, as_r, ad_r, xg_r,
              xgd_r, den_r, dinv_r, ps_r):
    den_e = jnp.sum(denp_r[...], axis=1, keepdims=True)
    deg = jnp.sum(degp_r[...], axis=1, keepdims=True) + 1.0
    e = as_r[...] + ad_r[...]
    e = jnp.where(e > 0, e, 0.2 * e)
    ps = jnp.exp(e)
    ps_r[...] = ps
    den_r[...] = den_e + ps
    dinv = lax.rsqrt(deg)
    dinv_r[...] = dinv
    xgd_r[...] = xg_r[...] * dinv


def _tc_mid(denpT, degpT, a_s, a_d, xg):
    return pl.pallas_call(
        _mid_body,
        out_shape=(
            jax.ShapeDtypeStruct((N, D), jnp.float32),
            jax.ShapeDtypeStruct((N, 1), jnp.float32),
            jax.ShapeDtypeStruct((N, 1), jnp.float32),
            jax.ShapeDtypeStruct((N, 1), jnp.float32),
        ),
    )(denpT, degpT, a_s, a_d, xg)


def _s2_body(src_h, dst_h, p_h, xw_h, x_h, xgd_h, z_h,
             gat_h, gin_h, gcn_h,
             acc, sidxa, pca, didx0, didx1, rows0, rows1,
             sem0, sem1, msem0, msem1):
    c = lax.axis_index("c")
    s = lax.axis_index("s")
    wid = c * NS + s
    srow = s * RPT
    ebase = wid * EPTP
    sems = (sem0, sem1)
    bufs = (rows0, rows1)
    didxs = (didx0, didx1)
    msems = (msem0, msem1)

    pltpu.sync_copy(src_h.at[pl.ds(ebase, EPTP)], sidxa)
    pltpu.sync_copy(p_h.at[pl.ds(ebase, EPTP)], pca)

    def didx_start(cc, m):
        off = pl.multiple_of(ebase + cc * K, 8)
        pltpu.make_async_copy(dst_h.at[pl.ds(off, K)], didxs[m],
                              msems[m]).start()

    def didx_wait(cc, m):
        off = pl.multiple_of(ebase + cc * K, 8)
        pltpu.make_async_copy(dst_h.at[pl.ds(off, K)], didxs[m],
                              msems[m]).wait()

    def sidx_at(cc):
        return sidxa.at[pl.ds(pl.multiple_of(cc * K, 8), K)]

    for tab, out_h, scaled in ((xw_h, gat_h, True),
                               (x_h, gin_h, False),
                               (xgd_h, gcn_h, False)):
        pltpu.sync_copy(z_h, acc.at[pl.ds(srow, RPT)])
        plsc.subcore_barrier()

        didx_start(0, 0)
        didx_start(1, 1)
        pltpu.make_async_copy(tab.at[sidx_at(0)], bufs[0], sems[0]).start()

        def pair(i, carry):
            for b in range(2):
                cc = 2 * i + b
                nb = 1 - b
                rows = bufs[b]
                pltpu.make_async_copy(tab.at[sidx_at(cc)], rows,
                                      sems[b]).wait()

                @pl.when(cc + 1 < NK)
                def _():
                    pltpu.make_async_copy(tab.at[sidx_at(cc + 1)], bufs[nb],
                                          sems[nb]).start()
                if scaled:
                    def scale(e, cy):
                        psp = plsc.load_gather(
                            pca, [lax.broadcast(cc * K + e, (L,))])
                        for j in range(D // L):
                            rows[e, pl.ds(j * L, L)] = (
                                rows[e, pl.ds(j * L, L)] * psp)
                        return cy

                    lax.fori_loop(0, K, scale, 0, unroll=4)
                didx_wait(cc, b)
                pltpu.sync_copy(rows, acc.at[didxs[b]], add=True)

                @pl.when(cc + 2 < NK)
                def _():
                    didx_start(cc + 2, b)
            return carry

        lax.fori_loop(0, NK // 2, pair, 0)
        plsc.subcore_barrier()
        pltpu.sync_copy(acc.at[pl.ds(srow, RPT)], out_h.at[c, pl.ds(srow, RPT)])
        plsc.subcore_barrier()


def _sc_rows(src, dst, p, xw, x, xgd, zeros):
    return pl.kernel(
        _s2_body,
        out_type=(
            jax.ShapeDtypeStruct((NC, NP, D), jnp.float32),
            jax.ShapeDtypeStruct((NC, NP, D), jnp.float32),
            jax.ShapeDtypeStruct((NC, NP, D), jnp.float32),
        ),
        mesh=_MESH,
        compiler_params=_SC_PARAMS,
        scratch_types=[
            pltpu.VMEM_SHARED((NP, D), jnp.float32),
            pltpu.VMEM((EPTP,), jnp.int32),
            pltpu.VMEM((EPTP,), jnp.float32),
            pltpu.VMEM((K,), jnp.int32),
            pltpu.VMEM((K,), jnp.int32),
            pltpu.VMEM((K, D), jnp.float32),
            pltpu.VMEM((K, D), jnp.float32),
            pltpu.SemaphoreType.DMA,
            pltpu.SemaphoreType.DMA,
            pltpu.SemaphoreType.DMA,
            pltpu.SemaphoreType.DMA,
        ],
    )(src, dst, p, xw, x, xgd, zeros)


def _head1_body(gat_r, gin_r, gcn_r, xw_r, x_r, xg_r, ps_r, den_r, dinv_r,
                bg_r, w1_r, b1_r, w2_r, b2_r, bc_r,
                h_r, sums_r):
    ga = gat_r[0] + gat_r[1]
    xgat = (ga + ps_r[...] * xw_r[...]) / den_r[...] + bg_r[...]
    gi = gin_r[0] + gin_r[1]
    hh = x_r[...] + gi
    h1 = jnp.maximum(
        jnp.dot(hh, w1_r[...], preferred_element_type=jnp.float32) + b1_r[...],
        0.0)
    xgin = jnp.dot(h1, w2_r[...], preferred_element_type=jnp.float32) + b2_r[...]
    gc = gcn_r[0] + gcn_r[1]
    dv = dinv_r[...]
    xgcn = dv * gc + (dv * dv) * xg_r[...] + bc_r[...]
    hb = jnp.concatenate([xgat, xgin, xgcn], axis=1)
    h_r[...] = hb

    @pl.when(pl.program_id(0) == 0)
    def _():
        sums_r[...] = jnp.zeros_like(sums_r)

    s1 = jnp.sum(hb, axis=0, keepdims=True)
    s2 = jnp.sum(hb * hb, axis=0, keepdims=True)
    sums_r[...] += jnp.concatenate([s1, s2], axis=0)


def _tc_head1(gat, gin, gcn, xw, x, xg, ps, den, dinv,
              b_gat, gin_W1, gin_b1, gin_W2, gin_b2, b_gcn):
    B = 2000
    G = N // B
    full = lambda shape: pl.BlockSpec(shape, lambda i: (0,) * len(shape))
    row3 = pl.BlockSpec((NC, B, D), lambda i: (0, i, 0))
    row2 = pl.BlockSpec((B, D), lambda i: (i, 0))
    col = pl.BlockSpec((B, 1), lambda i: (i, 0))
    return pl.pallas_call(
        _head1_body,
        grid=(G,),
        in_specs=[
            row3, row3, row3, row2, row2, row2, col, col, col,
            full((1, D)), full((D, D)), full((1, D)), full((D, D)),
            full((1, D)), full((1, D)),
        ],
        out_specs=(
            pl.BlockSpec((B, 3 * D), lambda i: (i, 0)),
            pl.BlockSpec((2, 3 * D), lambda i: (0, 0)),
        ),
        out_shape=(
            jax.ShapeDtypeStruct((N, 3 * D), jnp.float32),
            jax.ShapeDtypeStruct((2, 3 * D), jnp.float32),
        ),
    )(gat, gin, gcn, xw, x, xg, ps, den, dinv,
      b_gat.reshape(1, D), gin_W1, gin_b1.reshape(1, D), gin_W2,
      gin_b2.reshape(1, D), b_gcn.reshape(1, D))


def _head2_body(h_r, sums_r, gam_r, bet_r, wl_r, bl_r, w2_r, b2_r, out_r):
    s = sums_r[...]
    mu = s[0:1] / float(N)
    var = s[1:2] / float(N) - mu * mu
    scale = gam_r[...] * lax.rsqrt(var + 1e-5)
    shift = bet_r[...] - mu * scale
    hb = jnp.maximum(h_r[...] * scale + shift, 0.0)
    h2 = jnp.maximum(
        jnp.dot(hb, wl_r[...], preferred_element_type=jnp.float32) + bl_r[...],
        0.0)
    out_r[...] = jnp.dot(h2, w2_r[...], preferred_element_type=jnp.float32) + b2_r[...]


def _tc_head2(h, sums, bn_gamma, bn_beta, W_lin, b_lin, W_lin2, b_lin2):
    B = 2000
    G = N // B
    full = lambda shape: pl.BlockSpec(shape, lambda i: (0,) * len(shape))
    return pl.pallas_call(
        _head2_body,
        grid=(G,),
        in_specs=[
            pl.BlockSpec((B, 3 * D), lambda i: (i, 0)),
            full((2, 3 * D)),
            full((1, 3 * D)), full((1, 3 * D)),
            full((3 * D, D)), full((1, D)),
            full((D, D)), full((1, D)),
        ],
        out_specs=pl.BlockSpec((B, D), lambda i: (i, 0)),
        out_shape=jax.ShapeDtypeStruct((N, D), jnp.float32),
    )(h, sums, bn_gamma.reshape(1, 3 * D), bn_beta.reshape(1, 3 * D),
      W_lin, b_lin.reshape(1, D), W_lin2, b_lin2.reshape(1, D))


def kernel(x, W_gat, att_src, att_dst, b_gat, gin_W1, gin_b1, gin_W2, gin_b2,
           W_gcn, b_gcn, bn_gamma, bn_beta, W_lin, b_lin, W_lin2, b_lin2,
           edge_index):
    src = edge_index[0]
    dst = edge_index[1]

    xw, a_s, a_d, xg = _tc_pre(x, W_gat, att_src, att_dst, W_gcn)

    p, denp, degp = _sc_scalar(src, dst,
                               a_s.reshape(N), a_d.reshape(N))

    xgd, den, dinv, ps = _tc_mid(denp.reshape(NW, N).T,
                                 degp.reshape(NW, N).T, a_s, a_d, xg)

    pad = ((0, 0), (0, EPTP - EPT))
    src_p = jnp.pad(src.reshape(NW, EPT), pad).reshape(NW * EPTP)
    dst_p = jnp.pad(dst.reshape(NW, EPT), pad,
                    constant_values=NP - 1).reshape(NW * EPTP)
    p_p = jnp.pad(p.reshape(NW, EPT), pad).reshape(NW * EPTP)
    zeros = jnp.zeros((RPT, D), jnp.float32)
    gat, gin, gcn = _sc_rows(src_p, dst_p, p_p, xw, x, xgd, zeros)

    h, sums = _tc_head1(gat, gin, gcn, xw, x, xg, ps, den, dinv,
                        b_gat, gin_W1, gin_b1, gin_W2, gin_b2, b_gcn)

    return _tc_head2(h, sums, bn_gamma, bn_beta, W_lin, b_lin, W_lin2, b_lin2)

# --- scband reference (transcript-rebuilt; emitter-appended) ---
"""Pipeline reference for scband-mixed-model-1005022347910 (READ-ONLY COPY).

The authoritative reference and input builder live on the scoring server;
editing this copy changes nothing except your own understanding.
"""

import jax, jax.numpy as jnp
import numpy as np

N, E, D, H = 10000, 320000, 128, 128

def _glorot(k, shape):
    return jax.random.normal(k, shape, dtype=jnp.float32) / jnp.sqrt(shape[0])

def setup_inputs(seed: int = 0):
    key = jax.random.key(seed)
    ks = jax.random.split(key, 24)
    x = jax.random.normal(ks[0], (N, D), dtype=jnp.float32)
    edge_index = jax.random.randint(ks[1], (2, E), 0, N, dtype=jnp.int32)
    return {
        'x': x,
        'W_gat': _glorot(ks[2], (D, H)),
        'att_src': 0.1 * jax.random.normal(ks[3], (H,), dtype=jnp.float32),
        'att_dst': 0.1 * jax.random.normal(ks[4], (H,), dtype=jnp.float32),
        'b_gat': jnp.zeros((H,), dtype=jnp.float32),
        'gin_W1': _glorot(ks[5], (D, H)),
        'gin_b1': jnp.zeros((H,), dtype=jnp.float32),
        'gin_W2': _glorot(ks[6], (H, H)),
        'gin_b2': jnp.zeros((H,), dtype=jnp.float32),
        'W_gcn': _glorot(ks[7], (D, H)),
        'b_gcn': jnp.zeros((H,), dtype=jnp.float32),
        'bn_gamma': jnp.ones((3 * H,), dtype=jnp.float32),
        'bn_beta': jnp.zeros((3 * H,), dtype=jnp.float32),
        'W_lin': _glorot(ks[8], (3 * H, H)),
        'b_lin': jnp.zeros((H,), dtype=jnp.float32),
        'W_lin2': _glorot(ks[9], (H, H)),
        'b_lin2': jnp.zeros((H,), dtype=jnp.float32),
        'edge_index': edge_index,
    }

def reference(x, W_gat, att_src, att_dst, b_gat, gin_W1, gin_b1, gin_W2, gin_b2, W_gcn, b_gcn, bn_gamma, bn_beta, W_lin, b_lin, W_lin2, b_lin2, edge_index):
    n = x.shape[0]
    src, dst = edge_index[0], edge_index[1]
    loop = jnp.arange(n, dtype=src.dtype)
    src_sl = jnp.concatenate([src, loop])
    dst_sl = jnp.concatenate([dst, loop])
    # --- GATConv (heads=1, add_self_loops=True) ---
    xw = x @ W_gat
    a_s = (xw * att_src).sum(-1)
    a_d = (xw * att_dst).sum(-1)
    e = a_s[src_sl] + a_d[dst_sl]
    e = jnp.where(e > 0, e, 0.2 * e)  # leaky_relu(0.2)
    m = jax.ops.segment_max(e, dst_sl, num_segments=n)
    ee = jnp.exp(e - m[dst_sl])
    denom = jax.ops.segment_sum(ee, dst_sl, num_segments=n)
    alpha = ee / (denom[dst_sl] + 1e-16)
    x_gat = jax.ops.segment_sum(alpha[:, None] * xw[src_sl], dst_sl, num_segments=n) + b_gat
    # --- GINConv (eps=0) ---
    agg = jax.ops.segment_sum(x[src], dst, num_segments=n)
    h = x + agg
    h = jnp.maximum(h @ gin_W1 + gin_b1, 0.0)
    x_gin = h @ gin_W2 + gin_b2
    # --- GCNConv (add_self_loops=True, sym norm) ---
    xg = x @ W_gcn
    deg = jax.ops.segment_sum(jnp.ones(src_sl.shape, dtype=x.dtype), dst_sl, num_segments=n)
    dinv = jnp.where(deg > 0, 1.0 / jnp.sqrt(deg), 0.0)
    norm = dinv[src_sl] * dinv[dst_sl]
    x_gcn = jax.ops.segment_sum(norm[:, None] * xg[src_sl], dst_sl, num_segments=n) + b_gcn
    # --- head ---
    h = jnp.concatenate([x_gat, x_gin, x_gcn], axis=1)
    mu = h.mean(0)
    var = ((h - mu) ** 2).mean(0)
    h = bn_gamma * (h - mu) / jnp.sqrt(var + 1e-5) + bn_beta
    h = jnp.maximum(h, 0.0)
    h = jnp.maximum(h @ W_lin + b_lin, 0.0)
    out = h @ W_lin2 + b_lin2
    return out

if __name__ == "__main__":
    import jax
    _d = setup_inputs()
    print(jax.jit(kernel)(*tuple(_d.values())))

</pallas_src>

<mosaic_0001>
#map = affine_map<(d0, d1) -> (0)>
module attributes {stable_mosaic.version = 14 : i64} {
  func.func @_s1_body(%arg0: i32, %arg1: i32, %arg2: memref<320000xi32, #tpu.memory_space<hbm>>, %arg3: memref<320000xi32, #tpu.memory_space<hbm>>, %arg4: memref<10000xf32, #tpu.memory_space<hbm>>, %arg5: memref<10000xf32, #tpu.memory_space<hbm>>, %arg6: memref<320000xf32, #tpu.memory_space<hbm>>, %arg7: memref<320000xf32, #tpu.memory_space<hbm>>, %arg8: memref<320000xf32, #tpu.memory_space<hbm>>, %arg9: memref<10000xf32, #tpu.memory_space<vmem>>, %arg10: memref<10000xf32, #tpu.memory_space<vmem>>, %arg11: memref<10000xf32, #tpu.memory_space<vmem>>, %arg12: memref<10000xf32, #tpu.memory_space<vmem>>, %arg13: memref<2000xi32, #tpu.memory_space<vmem>>, %arg14: memref<2000xi32, #tpu.memory_space<vmem>>, %arg15: memref<2000xf32, #tpu.memory_space<vmem>>) attributes {dimension_semantics = [#tpu.dimension_semantics<core_parallel>, #tpu.dimension_semantics<subcore_parallel>], iteration_bounds = array<i64: 2, 16>, scalar_prefetch = 0 : i64, scratch_operands = 7 : i64, tpu.core_type = #tpu.core_type<sc_vector_subcore>, window_params = [{transform_indices = #map}, {transform_indices = #map}, {transform_indices = #map}, {transform_indices = #map}, {transform_indices = #map}, {transform_indices = #map}, {transform_indices = #map}]} {
    %mul3A = arith.constant 16 : i32
    %mul3A_0 = arith.muli %arg0, %mul3A : i32
    %add3A = arith.addi %mul3A_0, %arg1 : i32
    %mul3A_1 = arith.constant 10000 : i32
    %mul3A_2 = arith.muli %add3A, %mul3A_1 : i32
    "tpu.region"() ({
      %run_scoped3A = tpu.sem_alloc : memref<!tpu.dma_semaphore, #tpu.memory_space<semaphore_mem>>
      tpu.enqueue_dma source(%arg4 : memref<10000xf32, #tpu.memory_space<hbm>>) target(%arg9 : memref<10000xf32, #tpu.memory_space<vmem>>) target_semaphore(%run_scoped3A : memref<!tpu.dma_semaphore, #tpu.memory_space<semaphore_mem>>)
      tpu.wait_dma2 semaphore(%run_scoped3A : memref<!tpu.dma_semaphore, #tpu.memory_space<semaphore_mem>>) src(%arg4 : memref<10000xf32, #tpu.memory_space<hbm>>) dst(%arg9 : memref<10000xf32, #tpu.memory_space<vmem>>)
      tpu.yield
    }) : () -> ()
    "tpu.region"() ({
      %run_scoped3A = tpu.sem_alloc : memref<!tpu.dma_semaphore, #tpu.memory_space<semaphore_mem>>
      tpu.enqueue_dma source(%arg5 : memref<10000xf32, #tpu.memory_space<hbm>>) target(%arg10 : memref<10000xf32, #tpu.memory_space<vmem>>) target_semaphore(%run_scoped3A : memref<!tpu.dma_semaphore, #tpu.memory_space<semaphore_mem>>)
      tpu.wait_dma2 semaphore(%run_scoped3A : memref<!tpu.dma_semaphore, #tpu.memory_space<semaphore_mem>>) src(%arg5 : memref<10000xf32, #tpu.memory_space<hbm>>) dst(%arg10 : memref<10000xf32, #tpu.memory_space<vmem>>)
      tpu.yield
    }) : () -> ()
    %scan3A = arith.constant 0 : i32
    %scan3A_3 = arith.constant 0 : i32
    %scan3A_4 = arith.constant 625 : i32
    %scan3A_5 = arith.addi %scan3A_3, %scan3A_4 : i32
    %scan3A_6 = arith.constant 1 : i32
    scf.for %scan3A_56 = %scan3A_3 to %scan3A_5 step %scan3A_6  : i32 {
      %broadcast_in_dim3A = arith.constant 0.000000e+00 : f32
      %broadcast_in_dim3A_57 = vector.broadcast %broadcast_in_dim3A : f32 to vector<16xf32>
      %mul3A_58 = arith.constant 16 : i32
      %mul3A_59 = arith.muli %scan3A_56, %mul3A_58 : i32
      %swap3A = arith.index_cast %mul3A_59 : i32 to index
      %swap3A_60 = tpu.vector_load %arg11[%swap3A] {strides = array<i32>} : memref<10000xf32, #tpu.memory_space<vmem>>, vector<16xf32>,
      tpu.vector_store %arg11[%swap3A], %broadcast_in_dim3A_57 {strides = array<i32>} : memref<10000xf32, #tpu.memory_space<vmem>>, vector<16xf32>,
      %broadcast_in_dim3A_61 = arith.constant 0.000000e+00 : f32
      %broadcast_in_dim3A_62 = vector.broadcast %broadcast_in_dim3A_61 : f32 to vector<16xf32>
      %mul3A_63 = arith.constant 16 : i32
      %mul3A_64 = arith.muli %scan3A_56, %mul3A_63 : i32
      %swap3A_65 = arith.index_cast %mul3A_64 : i32 to index
      %swap3A_66 = tpu.vector_load %arg12[%swap3A_65] {strides = array<i32>} : memref<10000xf32, #tpu.memory_space<vmem>>, vector<16xf32>,
      tpu.vector_store %arg12[%swap3A_65], %broadcast_in_dim3A_62 {strides = array<i32>} : memref<10000xf32, #tpu.memory_space<vmem>>, vector<16xf32>,
    }
    %scan3A_7 = arith.constant 625 : i32
    %add3A_8 = arith.constant 0 : i32
    %add3A_9 = arith.addi %mul3A_2, %add3A_8 : i32
    %multiple_of3A = tpu.assume_multiple %add3A_9, 8 : i32
    "tpu.region"() ({
      %run_scoped3A = tpu.sem_alloc : memref<!tpu.dma_semaphore, #tpu.memory_space<semaphore_mem>>
      %dma_start3A = tpu.memref_slice %arg2[%multiple_of3A] : memref<320000xi32, #tpu.memory_space<hbm>> -> memref<2000xi32, #tpu.memory_space<hbm>>
      %dma_start3A_56 = tpu.memref_slice %arg2[%multiple_of3A] : memref<320000xi32, #tpu.memory_space<hbm>> -> memref<2000xi32, #tpu.memory_space<hbm>>
      tpu.enqueue_dma source(%dma_start3A_56 : memref<2000xi32, #tpu.memory_space<hbm>>) target(%arg13 : memref<2000xi32, #tpu.memory_space<vmem>>) target_semaphore(%run_scoped3A : memref<!tpu.dma_semaphore, #tpu.memory_space<semaphore_mem>>)
      %dma_wait3A = tpu.memref_slice %arg2[%multiple_of3A] : memref<320000xi32, #tpu.memory_space<hbm>> -> memref<2000xi32, #tpu.memory_space<hbm>>
      %dma_wait3A_57 = tpu.memref_slice %arg2[%multiple_of3A] : memref<320000xi32, #tpu.memory_space<hbm>> -> memref<2000xi32, #tpu.memory_space<hbm>>
      tpu.wait_dma2 semaphore(%run_scoped3A : memref<!tpu.dma_semaphore, #tpu.memory_space<semaphore_mem>>) src(%dma_wait3A_57 : memref<2000xi32, #tpu.memory_space<hbm>>) dst(%arg13 : memref<2000xi32, #tpu.memory_space<vmem>>)
      tpu.yield
    }) : () -> ()
    "tpu.region"() ({
      %run_scoped3A = tpu.sem_alloc : memref<!tpu.dma_semaphore, #tpu.memory_space<semaphore_mem>>
      %dma_start3A = tpu.memref_slice %arg3[%multiple_of3A] : memref<320000xi32, #tpu.memory_space<hbm>> -> memref<2000xi32, #tpu.memory_space<hbm>>
      %dma_start3A_56 = tpu.memref_slice %arg3[%multiple_of3A] : memref<320000xi32, #tpu.memory_space<hbm>> -> memref<2000xi32, #tpu.memory_space<hbm>>
      tpu.enqueue_dma source(%dma_start3A_56 : memref<2000xi32, #tpu.memory_space<hbm>>) target(%arg14 : memref<2000xi32, #tpu.memory_space<vmem>>) target_semaphore(%run_scoped3A : memref<!tpu.dma_semaphore, #tpu.memory_space<semaphore_mem>>)
      %dma_wait3A = tpu.memref_slice %arg3[%multiple_of3A] : memref<320000xi32, #tpu.memory_space<hbm>> -> memref<2000xi32, #tpu.memory_space<hbm>>
      %dma_wait3A_57 = tpu.memref_slice %arg3[%multiple_of3A] : memref<320000xi32, #tpu.memory_space<hbm>> -> memref<2000xi32, #tpu.memory_space<hbm>>
      tpu.wait_dma2 semaphore(%run_scoped3A : memref<!tpu.dma_semaphore, #tpu.memory_space<semaphore_mem>>) src(%dma_wait3A_57 : memref<2000xi32, #tpu.memory_space<hbm>>) dst(%arg14 : memref<2000xi32, #tpu.memory_space<vmem>>)
      tpu.yield
    }) : () -> ()
    %scan3A_10 = arith.constant 0 : i32
    %scan3A_11 = arith.constant 0 : i32
    %scan3A_12 = arith.constant 125 : i32
    %scan3A_13 = arith.addi %scan3A_11, %scan3A_12 : i32
    %scan3A_14 = arith.constant 1 : i32
    scf.for %scan3A_56 = %scan3A_11 to %scan3A_13 step %scan3A_14  : i32 {
      %mul3A_57 = arith.constant 16 : i32
      %mul3A_58 = arith.muli %scan3A_56, %mul3A_57 : i32
      %get3A = arith.index_cast %mul3A_58 : i32 to index
      %get3A_59 = tpu.vector_load %arg13[%get3A] {strides = array<i32>} : memref<2000xi32, #tpu.memory_space<vmem>>, vector<16xi32>,
      %mul3A_60 = arith.constant 16 : i32
      %mul3A_61 = arith.muli %scan3A_56, %mul3A_60 : i32
      %get3A_62 = arith.index_cast %mul3A_61 : i32 to index
      %get3A_63 = tpu.vector_load %arg14[%get3A_62] {strides = array<i32>} : memref<2000xi32, #tpu.memory_space<vmem>>, vector<16xi32>,
      %gather3A = tpu.vector_load_idx %arg9[%get3A_59] : memref<10000xf32, #tpu.memory_space<vmem>>[vector<16xi32>], vector<16xf32>,
      %gather3A_64 = tpu.vector_load_idx %arg10[%get3A_63] : memref<10000xf32, #tpu.memory_space<vmem>>[vector<16xi32>], vector<16xf32>,
      %add3A_65 = arith.addf %gather3A, %gather3A_64 : vector<16xf32>
      %gt3A = arith.constant 0.000000e+00 : f32
      %gt3A_66 = vector.broadcast %gt3A : f32 to vector<16xf32>
      %gt3A_67 = arith.cmpf ogt, %add3A_65, %gt3A_66 : vector<16xf32>
      %mul3A_68 = arith.constant 2.000000e-01 : f32
      %mul3A_69 = vector.broadcast %mul3A_68 : f32 to vector<16xf32>
      %mul3A_70 = arith.mulf %mul3A_69, %add3A_65 : vector<16xf32>
      %select_n3A = arith.select %gt3A_67, %add3A_65, %mul3A_70 : vector<16xi1>, vector<16xf32>
      %exp3A = math.exp %select_n3A : vector<16xf32>
      %mul3A_71 = arith.constant 16 : i32
      %mul3A_72 = arith.muli %scan3A_56, %mul3A_71 : i32
      %swap3A = arith.index_cast %mul3A_72 : i32 to index
      %swap3A_73 = tpu.vector_load %arg15[%swap3A] {strides = array<i32>} : memref<2000xf32, #tpu.memory_space<vmem>>, vector<16xf32>,
      tpu.vector_store %arg15[%swap3A], %exp3A {strides = array<i32>} : memref<2000xf32, #tpu.memory_space<vmem>>, vector<16xf32>,
      tpu.vector_store_idx %arg11[%get3A_63], %exp3A {add = true} : memref<10000xf32, #tpu.memory_space<vmem>>[vector<16xi32>], vector<16xf32>,
      %broadcast_in_dim3A = arith.constant 1.000000e+00 : f32
      %broadcast_in_dim3A_74 = vector.broadcast %broadcast_in_dim3A : f32 to vector<16xf32>
      tpu.vector_store_idx %arg12[%get3A_63], %broadcast_in_dim3A_74 {add = true} : memref<10000xf32, #tpu.memory_space<vmem>>[vector<16xi32>], vector<16xf32>,
    }
    %scan3A_15 = arith.constant 125 : i32
    "tpu.region"() ({
      %run_scoped3A = tpu.sem_alloc : memref<!tpu.dma_semaphore, #tpu.memory_space<semaphore_mem>>
      %dma_start3A = tpu.memref_slice %arg6[%multiple_of3A] : memref<320000xf32, #tpu.memory_space<hbm>> -> memref<2000xf32, #tpu.memory_space<hbm>>
      %dma_start3A_56 = tpu.memref_slice %arg6[%multiple_of3A] : memref<320000xf32, #tpu.memory_space<hbm>> -> memref<2000xf32, #tpu.memory_space<hbm>>
      tpu.enqueue_dma source(%arg15 : memref<2000xf32, #tpu.memory_space<vmem>>) target(%dma_start3A_56 : memref<2000xf32, #tpu.memory_space<hbm>>) target_semaphore(%run_scoped3A : memref<!tpu.dma_semaphore, #tpu.memory_space<semaphore_mem>>)
      %dma_wait3A = tpu.memref_slice %arg6[%multiple_of3A] : memref<320000xf32, #tpu.memory_space<hbm>> -> memref<2000xf32, #tpu.memory_space<hbm>>
      %dma_wait3A_57 = tpu.memref_slice %arg6[%multiple_of3A] : memref<320000xf32, #tpu.memory_space<hbm>> -> memref<2000xf32, #tpu.memory_space<hbm>>
      tpu.wait_dma2 semaphore(%run_scoped3A : memref<!tpu.dma_semaphore, #tpu.memory_space<semaphore_mem>>) src(%arg15 : memref<2000xf32, #tpu.memory_space<vmem>>) dst(%dma_wait3A_57 : memref<2000xf32, #tpu.memory_space<hbm>>)
      tpu.yield
    }) : () -> ()
    %add3A_16 = arith.constant 2000 : i32
    %add3A_17 = arith.addi %mul3A_2, %add3A_16 : i32
    %multiple_of3A_18 = tpu.assume_multiple %add3A_17, 8 : i32
    "tpu.region"() ({
      %run_scoped3A = tpu.sem_alloc : memref<!tpu.dma_semaphore, #tpu.memory_space<semaphore_mem>>
      %dma_start3A = tpu.memref_slice %arg2[%multiple_of3A_18] : memref<320000xi32, #tpu.memory_space<hbm>> -> memref<2000xi32, #tpu.memory_space<hbm>>
      %dma_start3A_56 = tpu.memref_slice %arg2[%multiple_of3A_18] : memref<320000xi32, #tpu.memory_space<hbm>> -> memref<2000xi32, #tpu.memory_space<hbm>>
      tpu.enqueue_dma source(%dma_start3A_56 : memref<2000xi32, #tpu.memory_space<hbm>>) target(%arg13 : memref<2000xi32, #tpu.memory_space<vmem>>) target_semaphore(%run_scoped3A : memref<!tpu.dma_semaphore, #tpu.memory_space<semaphore_mem>>)
      %dma_wait3A = tpu.memref_slice %arg2[%multiple_of3A_18] : memref<320000xi32, #tpu.memory_space<hbm>> -> memref<2000xi32, #tpu.memory_space<hbm>>
      %dma_wait3A_57 = tpu.memref_slice %arg2[%multiple_of3A_18] : memref<320000xi32, #tpu.memory_space<hbm>> -> memref<2000xi32, #tpu.memory_space<hbm>>
      tpu.wait_dma2 semaphore(%run_scoped3A : memref<!tpu.dma_semaphore, #tpu.memory_space<semaphore_mem>>) src(%dma_wait3A_57 : memref<2000xi32, #tpu.memory_space<hbm>>) dst(%arg13 : memref<2000xi32, #tpu.memory_space<vmem>>)
      tpu.yield
    }) : () -> ()
    "tpu.region"() ({
      %run_scoped3A = tpu.sem_alloc : memref<!tpu.dma_semaphore, #tpu.memory_space<semaphore_mem>>
      %dma_start3A = tpu.memref_slice %arg3[%multiple_of3A_18] : memref<320000xi32, #tpu.memory_space<hbm>> -> memref<2000xi32, #tpu.memory_space<hbm>>
      %dma_start3A_56 = tpu.memref_slice %arg3[%multiple_of3A_18] : memref<320000xi32, #tpu.memory_space<hbm>> -> memref<2000xi32, #tpu.memory_space<hbm>>
      tpu.enqueue_dma source(%dma_start3A_56 : memref<2000xi32, #tpu.memory_space<hbm>>) target(%arg14 : memref<2000xi32, #tpu.memory_space<vmem>>) target_semaphore(%run_scoped3A : memref<!tpu.dma_semaphore, #tpu.memory_space<semaphore_mem>>)
      %dma_wait3A = tpu.memref_slice %arg3[%multiple_of3A_18] : memref<320000xi32, #tpu.memory_space<hbm>> -> memref<2000xi32, #tpu.memory_space<hbm>>
      %dma_wait3A_57 = tpu.memref_slice %arg3[%multiple_of3A_18] : memref<320000xi32, #tpu.memory_space<hbm>> -> memref<2000xi32, #tpu.memory_space<hbm>>
      tpu.wait_dma2 semaphore(%run_scoped3A : memref<!tpu.dma_semaphore, #tpu.memory_space<semaphore_mem>>) src(%dma_wait3A_57 : memref<2000xi32, #tpu.memory_space<hbm>>) dst(%arg14 : memref<2000xi32, #tpu.memory_space<vmem>>)
      tpu.yield
    }) : () -> ()
    %scan3A_19 = arith.constant 0 : i32
    %scan3A_20 = arith.constant 0 : i32
    %scan3A_21 = arith.constant 125 : i32
    %scan3A_22 = arith.addi %scan3A_20, %scan3A_21 : i32
    %scan3A_23 = arith.constant 1 : i32
    scf.for %scan3A_56 = %scan3A_20 to %scan3A_22 step %scan3A_23  : i32 {
      %mul3A_57 = arith.constant 16 : i32
      %mul3A_58 = arith.muli %scan3A_56, %mul3A_57 : i32
      %get3A = arith.index_cast %mul3A_58 : i32 to index
      %get3A_59 = tpu.vector_load %arg13[%get3A] {strides = array<i32>} : memref<2000xi32, #tpu.memory_space<vmem>>, vector<16xi32>,
      %mul3A_60 = arith.constant 16 : i32
      %mul3A_61 = arith.muli %scan3A_56, %mul3A_60 : i32
      %get3A_62 = arith.index_cast %mul3A_61 : i32 to index
      %get3A_63 = tpu.vector_load %arg14[%get3A_62] {strides = array<i32>} : memref<2000xi32, #tpu.memory_space<vmem>>, vector<16xi32>,
      %gather3A = tpu.vector_load_idx %arg9[%get3A_59] : memref<10000xf32, #tpu.memory_space<vmem>>[vector<16xi32>], vector<16xf32>,
      %gather3A_64 = tpu.vector_load_idx %arg10[%get3A_63] : memref<10000xf32, #tpu.memory_space<vmem>>[vector<16xi32>], vector<16xf32>,
      %add3A_65 = arith.addf %gather3A, %gather3A_64 : vector<16xf32>
      %gt3A = arith.constant 0.000000e+00 : f32
      %gt3A_66 = vector.broadcast %gt3A : f32 to vector<16xf32>
      %gt3A_67 = arith.cmpf ogt, %add3A_65, %gt3A_66 : vector<16xf32>
      %mul3A_68 = arith.constant 2.000000e-01 : f32
      %mul3A_69 = vector.broadcast %mul3A_68 : f32 to vector<16xf32>
      %mul3A_70 = arith.mulf %mul3A_69, %add3A_65 : vector<16xf32>
      %select_n3A = arith.select %gt3A_67, %add3A_65, %mul3A_70 : vector<16xi1>, vector<16xf32>
      %exp3A = math.exp %select_n3A : vector<16xf32>
      %mul3A_71 = arith.constant 16 : i32
      %mul3A_72 = arith.muli %scan3A_56, %mul3A_71 : i32
      %swap3A = arith.index_cast %mul3A_72 : i32 to index
      %swap3A_73 = tpu.vector_load %arg15[%swap3A] {strides = array<i32>} : memref<2000xf32, #tpu.memory_space<vmem>>, vector<16xf32>,
      tpu.vector_store %arg15[%swap3A], %exp3A {strides = array<i32>} : memref<2000xf32, #tpu.memory_space<vmem>>, vector<16xf32>,
      tpu.vector_store_idx %arg11[%get3A_63], %exp3A {add = true} : memref<10000xf32, #tpu.memory_space<vmem>>[vector<16xi32>], vector<16xf32>,
      %broadcast_in_dim3A = arith.constant 1.000000e+00 : f32
      %broadcast_in_dim3A_74 = vector.broadcast %broadcast_in_dim3A : f32 to vector<16xf32>
      tpu.vector_store_idx %arg12[%get3A_63], %broadcast_in_dim3A_74 {add = true} : memref<10000xf32, #tpu.memory_space<vmem>>[vector<16xi32>], vector<16xf32>,
    }
    %scan3A_24 = arith.constant 125 : i32
    "tpu.region"() ({
      %run_scoped3A = tpu.sem_alloc : memref<!tpu.dma_semaphore, #tpu.memory_space<semaphore_mem>>
      %dma_start3A = tpu.memref_slice %arg6[%multiple_of3A_18] : memref<320000xf32, #tpu.memory_space<hbm>> -> memref<2000xf32, #tpu.memory_space<hbm>>
      %dma_start3A_56 = tpu.memref_slice %arg6[%multiple_of3A_18] : memref<320000xf32, #tpu.memory_space<hbm>> -> memref<2000xf32, #tpu.memory_space<hbm>>
      tpu.enqueue_dma source(%arg15 : memref<2000xf32, #tpu.memory_space<vmem>>) target(%dma_start3A_56 : memref<2000xf32, #tpu.memory_space<hbm>>) target_semaphore(%run_scoped3A : memref<!tpu.dma_semaphore, #tpu.memory_space<semaphore_mem>>)
      %dma_wait3A = tpu.memref_slice %arg6[%multiple_of3A_18] : memref<320000xf32, #tpu.memory_space<hbm>> -> memref<2000xf32, #tpu.memory_space<hbm>>
      %dma_wait3A_57 = tpu.memref_slice %arg6[%multiple_of3A_18] : memref<320000xf32, #tpu.memory_space<hbm>> -> memref<2000xf32, #tpu.memory_space<hbm>>
      tpu.wait_dma2 semaphore(%run_scoped3A : memref<!tpu.dma_semaphore, #tpu.memory_space<semaphore_mem>>) src(%arg15 : memref<2000xf32, #tpu.memory_space<vmem>>) dst(%dma_wait3A_57 : memref<2000xf32, #tpu.memory_space<hbm>>)
      tpu.yield
    }) : () -> ()
    %add3A_25 = arith.constant 4000 : i32
    %add3A_26 = arith.addi %mul3A_2, %add3A_25 : i32
    %multiple_of3A_27 = tpu.assume_multiple %add3A_26, 8 : i32
    "tpu.region"() ({
      %run_scoped3A = tpu.sem_alloc : memref<!tpu.dma_semaphore, #tpu.memory_space<semaphore_mem>>
      %dma_start3A = tpu.memref_slice %arg2[%multiple_of3A_27] : memref<320000xi32, #tpu.memory_space<hbm>> -> memref<2000xi32, #tpu.memory_space<hbm>>
      %dma_start3A_56 = tpu.memref_slice %arg2[%multiple_of3A_27] : memref<320000xi32, #tpu.memory_space<hbm>> -> memref<2000xi32, #tpu.memory_space<hbm>>
      tpu.enqueue_dma source(%dma_start3A_56 : memref<2000xi32, #tpu.memory_space<hbm>>) target(%arg13 : memref<2000xi32, #tpu.memory_space<vmem>>) target_semaphore(%run_scoped3A : memref<!tpu.dma_semaphore, #tpu.memory_space<semaphore_mem>>)
      %dma_wait3A = tpu.memref_slice %arg2[%multiple_of3A_27] : memref<320000xi32, #tpu.memory_space<hbm>> -> memref<2000xi32, #tpu.memory_space<hbm>>
      %dma_wait3A_57 = tpu.memref_slice %arg2[%multiple_of3A_27] : memref<320000xi32, #tpu.memory_space<hbm>> -> memref<2000xi32, #tpu.memory_space<hbm>>
      tpu.wait_dma2 semaphore(%run_scoped3A : memref<!tpu.dma_semaphore, #tpu.memory_space<semaphore_mem>>) src(%dma_wait3A_57 : memref<2000xi32, #tpu.memory_space<hbm>>) dst(%arg13 : memref<2000xi32, #tpu.memory_space<vmem>>)
      tpu.yield
    }) : () -> ()
    "tpu.region"() ({
      %run_scoped3A = tpu.sem_alloc : memref<!tpu.dma_semaphore, #tpu.memory_space<semaphore_mem>>
      %dma_start3A = tpu.memref_slice %arg3[%multiple_of3A_27] : memref<320000xi32, #tpu.memory_space<hbm>> -> memref<2000xi32, #tpu.memory_space<hbm>>
      %dma_start3A_56 = tpu.memref_slice %arg3[%multiple_of3A_27] : memref<320000xi32, #tpu.memory_space<hbm>> -> memref<2000xi32, #tpu.memory_space<hbm>>
      tpu.enqueue_dma source(%dma_start3A_56 : memref<2000xi32, #tpu.memory_space<hbm>>) target(%arg14 : memref<2000xi32, #tpu.memory_space<vmem>>) target_semaphore(%run_scoped3A : memref<!tpu.dma_semaphore, #tpu.memory_space<semaphore_mem>>)
      %dma_wait3A = tpu.memref_slice %arg3[%multiple_of3A_27] : memref<320000xi32, #tpu.memory_space<hbm>> -> memref<2000xi32, #tpu.memory_space<hbm>>
      %dma_wait3A_57 = tpu.memref_slice %arg3[%multiple_of3A_27] : memref<320000xi32, #tpu.memory_space<hbm>> -> memref<2000xi32, #tpu.memory_space<hbm>>
      tpu.wait_dma2 semaphore(%run_scoped3A : memref<!tpu.dma_semaphore, #tpu.memory_space<semaphore_mem>>) src(%dma_wait3A_57 : memref<2000xi32, #tpu.memory_space<hbm>>) dst(%arg14 : memref<2000xi32, #tpu.memory_space<vmem>>)
      tpu.yield
    }) : () -> ()
    %scan3A_28 = arith.constant 0 : i32
    %scan3A_29 = arith.constant 0 : i32
    %scan3A_30 = arith.constant 125 : i32
    %scan3A_31 = arith.addi %scan3A_29, %scan3A_30 : i32
    %scan3A_32 = arith.constant 1 : i32
    scf.for %scan3A_56 = %scan3A_29 to %scan3A_31 step %scan3A_32  : i32 {
      %mul3A_57 = arith.constant 16 : i32
      %mul3A_58 = arith.muli %scan3A_56, %mul3A_57 : i32
      %get3A = arith.index_cast %mul3A_58 : i32 to index
      %get3A_59 = tpu.vector_load %arg13[%get3A] {strides = array<i32>} : memref<2000xi32, #tpu.memory_space<vmem>>, vector<16xi32>,
      %mul3A_60 = arith.constant 16 : i32
      %mul3A_61 = arith.muli %scan3A_56, %mul3A_60 : i32
      %get3A_62 = arith.index_cast %mul3A_61 : i32 to index
      %get3A_63 = tpu.vector_load %arg14[%get3A_62] {strides = array<i32>} : memref<2000xi32, #tpu.memory_space<vmem>>, vector<16xi32>,
      %gather3A = tpu.vector_load_idx %arg9[%get3A_59] : memref<10000xf32, #tpu.memory_space<vmem>>[vector<16xi32>], vector<16xf32>,
      %gather3A_64 = tpu.vector_load_idx %arg10[%get3A_63] : memref<10000xf32, #tpu.memory_space<vmem>>[vector<16xi32>], vector<16xf32>,
      %add3A_65 = arith.addf %gather3A, %gather3A_64 : vector<16xf32>
      %gt3A = arith.constant 0.000000e+00 : f32
      %gt3A_66 = vector.broadcast %gt3A : f32 to vector<16xf32>
      %gt3A_67 = arith.cmpf ogt, %add3A_65, %gt3A_66 : vector<16xf32>
      %mul3A_68 = arith.constant 2.000000e-01 : f32
      %mul3A_69 = vector.broadcast %mul3A_68 : f32 to vector<16xf32>
      %mul3A_70 = arith.mulf %mul3A_69, %add3A_65 : vector<16xf32>
      %select_n3A = arith.select %gt3A_67, %add3A_65, %mul3A_70 : vector<16xi1>, vector<16xf32>
      %exp3A = math.exp %select_n3A : vector<16xf32>
      %mul3A_71 = arith.constant 16 : i32
      %mul3A_72 = arith.muli %scan3A_56, %mul3A_71 : i32
      %swap3A = arith.index_cast %mul3A_72 : i32 to index
      %swap3A_73 = tpu.vector_load %arg15[%swap3A] {strides = array<i32>} : memref<2000xf32, #tpu.memory_space<vmem>>, vector<16xf32>,
      tpu.vector_store %arg15[%swap3A], %exp3A {strides = array<i32>} : memref<2000xf32, #tpu.memory_space<vmem>>, vector<16xf32>,
      tpu.vector_store_idx %arg11[%get3A_63], %exp3A {add = true} : memref<10000xf32, #tpu.memory_space<vmem>>[vector<16xi32>], vector<16xf32>,
      %broadcast_in_dim3A = arith.constant 1.000000e+00 : f32
      %broadcast_in_dim3A_74 = vector.broadcast %broadcast_in_dim3A : f32 to vector<16xf32>
      tpu.vector_store_idx %arg12[%get3A_63], %broadcast_in_dim3A_74 {add = true} : memref<10000xf32, #tpu.memory_space<vmem>>[vector<16xi32>], vector<16xf32>,
    }
    %scan3A_33 = arith.constant 125 : i32
    "tpu.region"() ({
      %run_scoped3A = tpu.sem_alloc : memref<!tpu.dma_semaphore, #tpu.memory_space<semaphore_mem>>
      %dma_start3A = tpu.memref_slice %arg6[%multiple_of3A_27] : memref<320000xf32, #tpu.memory_space<hbm>> -> memref<2000xf32, #tpu.memory_space<hbm>>
      %dma_start3A_56 = tpu.memref_slice %arg6[%multiple_of3A_27] : memref<320000xf32, #tpu.memory_space<hbm>> -> memref<2000xf32, #tpu.memory_space<hbm>>
      tpu.enqueue_dma source(%arg15 : memref<2000xf32, #tpu.memory_space<vmem>>) target(%dma_start3A_56 : memref<2000xf32, #tpu.memory_space<hbm>>) target_semaphore(%run_scoped3A : memref<!tpu.dma_semaphore, #tpu.memory_space<semaphore_mem>>)
      %dma_wait3A = tpu.memref_slice %arg6[%multiple_of3A_27] : memref<320000xf32, #tpu.memory_space<hbm>> -> memref<2000xf32, #tpu.memory_space<hbm>>
      %dma_wait3A_57 = tpu.memref_slice %arg6[%multiple_of3A_27] : memref<320000xf32, #tpu.memory_space<hbm>> -> memref<2000xf32, #tpu.memory_space<hbm>>
      tpu.wait_dma2 semaphore(%run_scoped3A : memref<!tpu.dma_semaphore, #tpu.memory_space<semaphore_mem>>) src(%arg15 : memref<2000xf32, #tpu.memory_space<vmem>>) dst(%dma_wait3A_57 : memref<2000xf32, #tpu.memory_space<hbm>>)
      tpu.yield
    }) : () -> ()
    %add3A_34 = arith.constant 6000 : i32
    %add3A_35 = arith.addi %mul3A_2, %add3A_34 : i32
    %multiple_of3A_36 = tpu.assume_multiple %add3A_35, 8 : i32
    "tpu.region"() ({
      %run_scoped3A = tpu.sem_alloc : memref<!tpu.dma_semaphore, #tpu.memory_space<semaphore_mem>>
      %dma_start3A = tpu.memref_slice %arg2[%multiple_of3A_36] : memref<320000xi32, #tpu.memory_space<hbm>> -> memref<2000xi32, #tpu.memory_space<hbm>>
      %dma_start3A_56 = tpu.memref_slice %arg2[%multiple_of3A_36] : memref<320000xi32, #tpu.memory_space<hbm>> -> memref<2000xi32, #tpu.memory_space<hbm>>
      tpu.enqueue_dma source(%dma_start3A_56 : memref<2000xi32, #tpu.memory_space<hbm>>) target(%arg13 : memref<2000xi32, #tpu.memory_space<vmem>>) target_semaphore(%run_scoped3A : memref<!tpu.dma_semaphore, #tpu.memory_space<semaphore_mem>>)
      %dma_wait3A = tpu.memref_slice %arg2[%multiple_of3A_36] : memref<320000xi32, #tpu.memory_space<hbm>> -> memref<2000xi32, #tpu.memory_space<hbm>>
      %dma_wait3A_57 = tpu.memref_slice %arg2[%multiple_of3A_36] : memref<320000xi32, #tpu.memory_space<hbm>> -> memref<2000xi32, #tpu.memory_space<hbm>>
      tpu.wait_dma2 semaphore(%run_scoped3A : memref<!tpu.dma_semaphore, #tpu.memory_space<semaphore_mem>>) src(%dma_wait3A_57 : memref<2000xi32, #tpu.memory_space<hbm>>) dst(%arg13 : memref<2000xi32, #tpu.memory_space<vmem>>)
      tpu.yield
    }) : () -> ()
    "tpu.region"() ({
      %run_scoped3A = tpu.sem_alloc : memref<!tpu.dma_semaphore, #tpu.memory_space<semaphore_mem>>
      %dma_start3A = tpu.memref_slice %arg3[%multiple_of3A_36] : memref<320000xi32, #tpu.memory_space<hbm>> -> memref<2000xi32, #tpu.memory_space<hbm>>
      %dma_start3A_56 = tpu.memref_slice %arg3[%multiple_of3A_36] : memref<320000xi32, #tpu.memory_space<hbm>> -> memref<2000xi32, #tpu.memory_space<hbm>>
      tpu.enqueue_dma source(%dma_start3A_56 : memref<2000xi32, #tpu.memory_space<hbm>>) target(%arg14 : memref<2000xi32, #tpu.memory_space<vmem>>) target_semaphore(%run_scoped3A : memref<!tpu.dma_semaphore, #tpu.memory_space<semaphore_mem>>)
      %dma_wait3A = tpu.memref_slice %arg3[%multiple_of3A_36] : memref<320000xi32, #tpu.memory_space<hbm>> -> memref<2000xi32, #tpu.memory_space<hbm>>
      %dma_wait3A_57 = tpu.memref_slice %arg3[%multiple_of3A_36] : memref<320000xi32, #tpu.memory_space<hbm>> -> memref<2000xi32, #tpu.memory_space<hbm>>
      tpu.wait_dma2 semaphore(%run_scoped3A : memref<!tpu.dma_semaphore, #tpu.memory_space<semaphore_mem>>) src(%dma_wait3A_57 : memref<2000xi32, #tpu.memory_space<hbm>>) dst(%arg14 : memref<2000xi32, #tpu.memory_space<vmem>>)
      tpu.yield
    }) : () -> ()
    %scan3A_37 = arith.constant 0 : i32
    %scan3A_38 = arith.constant 0 : i32
    %scan3A_39 = arith.constant 125 : i32
    %scan3A_40 = arith.addi %scan3A_38, %scan3A_39 : i32
    %scan3A_41 = arith.constant 1 : i32
    scf.for %scan3A_56 = %scan3A_38 to %scan3A_40 step %scan3A_41  : i32 {
      %mul3A_57 = arith.constant 16 : i32
      %mul3A_58 = arith.muli %scan3A_56, %mul3A_57 : i32
      %get3A = arith.index_cast %mul3A_58 : i32 to index
      %get3A_59 = tpu.vector_load %arg13[%get3A] {strides = array<i32>} : memref<2000xi32, #tpu.memory_space<vmem>>, vector<16xi32>,
      %mul3A_60 = arith.constant 16 : i32
      %mul3A_61 = arith.muli %scan3A_56, %mul3A_60 : i32
      %get3A_62 = arith.index_cast %mul3A_61 : i32 to index
      %get3A_63 = tpu.vector_load %arg14[%get3A_62] {strides = array<i32>} : memref<2000xi32, #tpu.memory_space<vmem>>, vector<16xi32>,
      %gather3A = tpu.vector_load_idx %arg9[%get3A_59] : memref<10000xf32, #tpu.memory_space<vmem>>[vector<16xi32>], vector<16xf32>,
      %gather3A_64 = tpu.vector_load_idx %arg10[%get3A_63] : memref<10000xf32, #tpu.memory_space<vmem>>[vector<16xi32>], vector<16xf32>,
      %add3A_65 = arith.addf %gather3A, %gather3A_64 : vector<16xf32>
      %gt3A = arith.constant 0.000000e+00 : f32
      %gt3A_66 = vector.broadcast %gt3A : f32 to vector<16xf32>
      %gt3A_67 = arith.cmpf ogt, %add3A_65, %gt3A_66 : vector<16xf32>
      %mul3A_68 = arith.constant 2.000000e-01 : f32
      %mul3A_69 = vector.broadcast %mul3A_68 : f32 to vector<16xf32>
      %mul3A_70 = arith.mulf %mul3A_69, %add3A_65 : vector<16xf32>
      %select_n3A = arith.select %gt3A_67, %add3A_65, %mul3A_70 : vector<16xi1>, vector<16xf32>
      %exp3A = math.exp %select_n3A : vector<16xf32>
      %mul3A_71 = arith.constant 16 : i32
      %mul3A_72 = arith.muli %scan3A_56, %mul3A_71 : i32
      %swap3A = arith.index_cast %mul3A_72 : i32 to index
      %swap3A_73 = tpu.vector_load %arg15[%swap3A] {strides = array<i32>} : memref<2000xf32, #tpu.memory_space<vmem>>, vector<16xf32>,
      tpu.vector_store %arg15[%swap3A], %exp3A {strides = array<i32>} : memref<2000xf32, #tpu.memory_space<vmem>>, vector<16xf32>,
      tpu.vector_store_idx %arg11[%get3A_63], %exp3A {add = true} : memref<10000xf32, #tpu.memory_space<vmem>>[vector<16xi32>], vector<16xf32>,
      %broadcast_in_dim3A = arith.constant 1.000000e+00 : f32
      %broadcast_in_dim3A_74 = vector.broadcast %broadcast_in_dim3A : f32 to vector<16xf32>
      tpu.vector_store_idx %arg12[%get3A_63], %broadcast_in_dim3A_74 {add = true} : memref<10000xf32, #tpu.memory_space<vmem>>[vector<16xi32>], vector<16xf32>,
    }
    %scan3A_42 = arith.constant 125 : i32
    "tpu.region"() ({
      %run_scoped3A = tpu.sem_alloc : memref<!tpu.dma_semaphore, #tpu.memory_space<semaphore_mem>>
      %dma_start3A = tpu.memref_slice %arg6[%multiple_of3A_36] : memref<320000xf32, #tpu.memory_space<hbm>> -> memref<2000xf32, #tpu.memory_space<hbm>>
      %dma_start3A_56 = tpu.memref_slice %arg6[%multiple_of3A_36] : memref<320000xf32, #tpu.memory_space<hbm>> -> memref<2000xf32, #tpu.memory_space<hbm>>
      tpu.enqueue_dma source(%arg15 : memref<2000xf32, #tpu.memory_space<vmem>>) target(%dma_start3A_56 : memref<2000xf32, #tpu.memory_space<hbm>>) target_semaphore(%run_scoped3A : memref<!tpu.dma_semaphore, #tpu.memory_space<semaphore_mem>>)
      %dma_wait3A = tpu.memref_slice %arg6[%multiple_of3A_36] : memref<320000xf32, #tpu.memory_space<hbm>> -> memref<2000xf32, #tpu.memory_space<hbm>>
      %dma_wait3A_57 = tpu.memref_slice %arg6[%multiple_of3A_36] : memref<320000xf32, #tpu.memory_space<hbm>> -> memref<2000xf32, #tpu.memory_space<hbm>>
      tpu.wait_dma2 semaphore(%run_scoped3A : memref<!tpu.dma_semaphore, #tpu.memory_space<semaphore_mem>>) src(%arg15 : memref<2000xf32, #tpu.memory_space<vmem>>) dst(%dma_wait3A_57 : memref<2000xf32, #tpu.memory_space<hbm>>)
      tpu.yield
    }) : () -> ()
    %add3A_43 = arith.constant 8000 : i32
    %add3A_44 = arith.addi %mul3A_2, %add3A_43 : i32
    %multiple_of3A_45 = tpu.assume_multiple %add3A_44, 8 : i32
    "tpu.region"() ({
      %run_scoped3A = tpu.sem_alloc : memref<!tpu.dma_semaphore, #tpu.memory_space<semaphore_mem>>
      %dma_start3A = tpu.memref_slice %arg2[%multiple_of3A_45] : memref<320000xi32, #tpu.memory_space<hbm>> -> memref<2000xi32, #tpu.memory_space<hbm>>
      %dma_start3A_56 = tpu.memref_slice %arg2[%multiple_of3A_45] : memref<320000xi32, #tpu.memory_space<hbm>> -> memref<2000xi32, #tpu.memory_space<hbm>>
      tpu.enqueue_dma source(%dma_start3A_56 : memref<2000xi32, #tpu.memory_space<hbm>>) target(%arg13 : memref<2000xi32, #tpu.memory_space<vmem>>) target_semaphore(%run_scoped3A : memref<!tpu.dma_semaphore, #tpu.memory_space<semaphore_mem>>)
      %dma_wait3A = tpu.memref_slice %arg2[%multiple_of3A_45] : memref<320000xi32, #tpu.memory_space<hbm>> -> memref<2000xi32, #tpu.memory_space<hbm>>
      %dma_wait3A_57 = tpu.memref_slice %arg2[%multiple_of3A_45] : memref<320000xi32, #tpu.memory_space<hbm>> -> memref<2000xi32, #tpu.memory_space<hbm>>
      tpu.wait_dma2 semaphore(%run_scoped3A : memref<!tpu.dma_semaphore, #tpu.memory_space<semaphore_mem>>) src(%dma_wait3A_57 : memref<2000xi32, #tpu.memory_space<hbm>>) dst(%arg13 : memref<2000xi32, #tpu.memory_space<vmem>>)
      tpu.yield
    }) : () -> ()
    "tpu.region"() ({
      %run_scoped3A = tpu.sem_alloc : memref<!tpu.dma_semaphore, #tpu.memory_space<semaphore_mem>>
      %dma_start3A = tpu.memref_slice %arg3[%multiple_of3A_45] : memref<320000xi32, #tpu.memory_space<hbm>> -> memref<2000xi32, #tpu.memory_space<hbm>>
      %dma_start3A_56 = tpu.memref_slice %arg3[%multiple_of3A_45] : memref<320000xi32, #tpu.memory_space<hbm>> -> memref<2000xi32, #tpu.memory_space<hbm>>
      tpu.enqueue_dma source(%dma_start3A_56 : memref<2000xi32, #tpu.memory_space<hbm>>) target(%arg14 : memref<2000xi32, #tpu.memory_space<vmem>>) target_semaphore(%run_scoped3A : memref<!tpu.dma_semaphore, #tpu.memory_space<semaphore_mem>>)
      %dma_wait3A = tpu.memref_slice %arg3[%multiple_of3A_45] : memref<320000xi32, #tpu.memory_space<hbm>> -> memref<2000xi32, #tpu.memory_space<hbm>>
      %dma_wait3A_57 = tpu.memref_slice %arg3[%multiple_of3A_45] : memref<320000xi32, #tpu.memory_space<hbm>> -> memref<2000xi32, #tpu.memory_space<hbm>>
      tpu.wait_dma2 semaphore(%run_scoped3A : memref<!tpu.dma_semaphore, #tpu.memory_space<semaphore_mem>>) src(%dma_wait3A_57 : memref<2000xi32, #tpu.memory_space<hbm>>) dst(%arg14 : memref<2000xi32, #tpu.memory_space<vmem>>)
      tpu.yield
    }) : () -> ()
    %scan3A_46 = arith.constant 0 : i32
    %scan3A_47 = arith.constant 0 : i32
    %scan3A_48 = arith.constant 125 : i32
    %scan3A_49 = arith.addi %scan3A_47, %scan3A_48 : i32
    %scan3A_50 = arith.constant 1 : i32
    scf.for %scan3A_56 = %scan3A_47 to %scan3A_49 step %scan3A_50  : i32 {
      %mul3A_57 = arith.constant 16 : i32
      %mul3A_58 = arith.muli %scan3A_56, %mul3A_57 : i32
      %get3A = arith.index_cast %mul3A_58 : i32 to index
      %get3A_59 = tpu.vector_load %arg13[%get3A] {strides = array<i32>} : memref<2000xi32, #tpu.memory_space<vmem>>, vector<16xi32>,
      %mul3A_60 = arith.constant 16 : i32
      %mul3A_61 = arith.muli %scan3A_56, %mul3A_60 : i32
      %get3A_62 = arith.index_cast %mul3A_61 : i32 to index
      %get3A_63 = tpu.vector_load %arg14[%get3A_62] {strides = array<i32>} : memref<2000xi32, #tpu.memory_space<vmem>>, vector<16xi32>,
      %gather3A = tpu.vector_load_idx %arg9[%get3A_59] : memref<10000xf32, #tpu.memory_space<vmem>>[vector<16xi32>], vector<16xf32>,
      %gather3A_64 = tpu.vector_load_idx %arg10[%get3A_63] : memref<10000xf32, #tpu.memory_space<vmem>>[vector<16xi32>], vector<16xf32>,
      %add3A_65 = arith.addf %gather3A, %gather3A_64 : vector<16xf32>
      %gt3A = arith.constant 0.000000e+00 : f32
      %gt3A_66 = vector.broadcast %gt3A : f32 to vector<16xf32>
      %gt3A_67 = arith.cmpf ogt, %add3A_65, %gt3A_66 : vector<16xf32>
      %mul3A_68 = arith.constant 2.000000e-01 : f32
      %mul3A_69 = vector.broadcast %mul3A_68 : f32 to vector<16xf32>
      %mul3A_70 = arith.mulf %mul3A_69, %add3A_65 : vector<16xf32>
      %select_n3A = arith.select %gt3A_67, %add3A_65, %mul3A_70 : vector<16xi1>, vector<16xf32>
      %exp3A = math.exp %select_n3A : vector<16xf32>
      %mul3A_71 = arith.constant 16 : i32
      %mul3A_72 = arith.muli %scan3A_56, %mul3A_71 : i32
      %swap3A = arith.index_cast %mul3A_72 : i32 to index
      %swap3A_73 = tpu.vector_load %arg15[%swap3A] {strides = array<i32>} : memref<2000xf32, #tpu.memory_space<vmem>>, vector<16xf32>,
      tpu.vector_store %arg15[%swap3A], %exp3A {strides = array<i32>} : memref<2000xf32, #tpu.memory_space<vmem>>, vector<16xf32>,
      tpu.vector_store_idx %arg11[%get3A_63], %exp3A {add = true} : memref<10000xf32, #tpu.memory_space<vmem>>[vector<16xi32>], vector<16xf32>,
      %broadcast_in_dim3A = arith.constant 1.000000e+00 : f32
      %broadcast_in_dim3A_74 = vector.broadcast %broadcast_in_dim3A : f32 to vector<16xf32>
      tpu.vector_store_idx %arg12[%get3A_63], %broadcast_in_dim3A_74 {add = true} : memref<10000xf32, #tpu.memory_space<vmem>>[vector<16xi32>], vector<16xf32>,
    }
    %scan3A_51 = arith.constant 125 : i32
    "tpu.region"() ({
      %run_scoped3A = tpu.sem_alloc : memref<!tpu.dma_semaphore, #tpu.memory_space<semaphore_mem>>
      %dma_start3A = tpu.memref_slice %arg6[%multiple_of3A_45] : memref<320000xf32, #tpu.memory_space<hbm>> -> memref<2000xf32, #tpu.memory_space<hbm>>
      %dma_start3A_56 = tpu.memref_slice %arg6[%multiple_of3A_45] : memref<320000xf32, #tpu.memory_space<hbm>> -> memref<2000xf32, #tpu.memory_space<hbm>>
      tpu.enqueue_dma source(%arg15 : memref<2000xf32, #tpu.memory_space<vmem>>) target(%dma_start3A_56 : memref<2000xf32, #tpu.memory_space<hbm>>) target_semaphore(%run_scoped3A : memref<!tpu.dma_semaphore, #tpu.memory_space<semaphore_mem>>)
      %dma_wait3A = tpu.memref_slice %arg6[%multiple_of3A_45] : memref<320000xf32, #tpu.memory_space<hbm>> -> memref<2000xf32, #tpu.memory_space<hbm>>
      %dma_wait3A_57 = tpu.memref_slice %arg6[%multiple_of3A_45] : memref<320000xf32, #tpu.memory_space<hbm>> -> memref<2000xf32, #tpu.memory_space<hbm>>
      tpu.wait_dma2 semaphore(%run_scoped3A : memref<!tpu.dma_semaphore, #tpu.memory_space<semaphore_mem>>) src(%arg15 : memref<2000xf32, #tpu.memory_space<vmem>>) dst(%dma_wait3A_57 : memref<2000xf32, #tpu.memory_space<hbm>>)
      tpu.yield
    }) : () -> ()
    %mul3A_52 = arith.constant 10000 : i32
    %mul3A_53 = arith.muli %add3A, %mul3A_52 : i32
    "tpu.region"() ({
      %run_scoped3A = tpu.sem_alloc : memref<!tpu.dma_semaphore, #tpu.memory_space<semaphore_mem>>
      %dma_start3A = tpu.memref_slice %arg7[%mul3A_53] : memref<320000xf32, #tpu.memory_space<hbm>> -> memref<10000xf32, #tpu.memory_space<hbm>>
      %dma_start3A_56 = tpu.memref_slice %arg7[%mul3A_53] : memref<320000xf32, #tpu.memory_space<hbm>> -> memref<10000xf32, #tpu.memory_space<hbm>>
      tpu.enqueue_dma source(%arg11 : memref<10000xf32, #tpu.memory_space<vmem>>) target(%dma_start3A_56 : memref<10000xf32, #tpu.memory_space<hbm>>) target_semaphore(%run_scoped3A : memref<!tpu.dma_semaphore, #tpu.memory_space<semaphore_mem>>)
      %dma_wait3A = tpu.memref_slice %arg7[%mul3A_53] : memref<320000xf32, #tpu.memory_space<hbm>> -> memref<10000xf32, #tpu.memory_space<hbm>>
      %dma_wait3A_57 = tpu.memref_slice %arg7[%mul3A_53] : memref<320000xf32, #tpu.memory_space<hbm>> -> memref<10000xf32, #tpu.memory_space<hbm>>
      tpu.wait_dma2 semaphore(%run_scoped3A : memref<!tpu.dma_semaphore, #tpu.memory_space<semaphore_mem>>) src(%arg11 : memref<10000xf32, #tpu.memory_space<vmem>>) dst(%dma_wait3A_57 : memref<10000xf32, #tpu.memory_space<hbm>>)
      tpu.yield
    }) : () -> ()
    %mul3A_54 = arith.constant 10000 : i32
    %mul3A_55 = arith.muli %add3A, %mul3A_54 : i32
    "tpu.region"() ({
      %run_scoped3A = tpu.sem_alloc : memref<!tpu.dma_semaphore, #tpu.memory_space<semaphore_mem>>
      %dma_start3A = tpu.memref_slice %arg8[%mul3A_55] : memref<320000xf32, #tpu.memory_space<hbm>> -> memref<10000xf32, #tpu.memory_space<hbm>>
      %dma_start3A_56 = tpu.memref_slice %arg8[%mul3A_55] : memref<320000xf32, #tpu.memory_space<hbm>> -> memref<10000xf32, #tpu.memory_space<hbm>>
      tpu.enqueue_dma source(%arg12 : memref<10000xf32, #tpu.memory_space<vmem>>) target(%dma_start3A_56 : memref<10000xf32, #tpu.memory_space<hbm>>) target_semaphore(%run_scoped3A : memref<!tpu.dma_semaphore, #tpu.memory_space<semaphore_mem>>)
      %dma_wait3A = tpu.memref_slice %arg8[%mul3A_55] : memref<320000xf32, #tpu.memory_space<hbm>> -> memref<10000xf32, #tpu.memory_space<hbm>>
      %dma_wait3A_57 = tpu.memref_slice %arg8[%mul3A_55] : memref<320000xf32, #tpu.memory_space<hbm>> -> memref<10000xf32, #tpu.memory_space<hbm>>
      tpu.wait_dma2 semaphore(%run_scoped3A : memref<!tpu.dma_semaphore, #tpu.memory_space<semaphore_mem>>) src(%arg12 : memref<10000xf32, #tpu.memory_space<vmem>>) dst(%dma_wait3A_57 : memref<10000xf32, #tpu.memory_space<hbm>>)
      tpu.yield
    }) : () -> ()
    return
  }
}

#map = affine_map<(d0, d1) -> (0)>
#map1 = affine_map<(d0, d1) -> (0, 0)>
#map2 = affine_map<(d0, d1) -> (0, 0, 0)>
module attributes {stable_mosaic.version = 14 : i64} {
  func.func @_s2_body(%arg0: i32, %arg1: i32, %arg2: memref<322560xi32, #tpu.memory_space<hbm>>, %arg3: memref<322560xi32, #tpu.memory_space<hbm>>, %arg4: memref<322560xf32, #tpu.memory_space<hbm>>, %arg5: memref<10000x128xf32, #tpu.memory_space<hbm>>, %arg6: memref<10000x128xf32, #tpu.memory_space<hbm>>, %arg7: memref<10000x128xf32, #tpu.memory_space<hbm>>, %arg8: memref<632x128xf32, #tpu.memory_space<hbm>>, %arg9: memref<2x10112x128xf32, #tpu.memory_space<hbm>>, %arg10: memref<2x10112x128xf32, #tpu.memory_space<hbm>>, %arg11: memref<2x10112x128xf32, #tpu.memory_space<hbm>>, %arg12: memref<10112x128xf32, #tpu.memory_space<vmem_shared>>, %arg13: memref<10080xi32, #tpu.memory_space<vmem>>, %arg14: memref<10080xf32, #tpu.memory_space<vmem>>, %arg15: memref<112xi32, #tpu.memory_space<vmem>>, %arg16: memref<112xi32, #tpu.memory_space<vmem>>, %arg17: memref<112x128xf32, #tpu.memory_space<vmem>>, %arg18: memref<112x128xf32, #tpu.memory_space<vmem>>, %arg19: memref<!tpu.dma_semaphore, #tpu.memory_space<semaphore_mem>>, %arg20: memref<!tpu.dma_semaphore, #tpu.memory_space<semaphore_mem>>, %arg21: memref<!tpu.dma_semaphore, #tpu.memory_space<semaphore_mem>>, %arg22: memref<!tpu.dma_semaphore, #tpu.memory_space<semaphore_mem>>) attributes {dimension_semantics = [#tpu.dimension_semantics<core_parallel>, #tpu.dimension_semantics<subcore_parallel>], iteration_bounds = array<i64: 2, 16>, scalar_prefetch = 0 : i64, scratch_operands = 11 : i64, tpu.core_type = #tpu.core_type<sc_vector_subcore>, window_params = [{transform_indices = #map}, {transform_indices = #map}, {transform_indices = #map}, {transform_indices = #map1}, {transform_indices = #map1}, {transform_indices = #map1}, {transform_indices = #map1}, {transform_indices = #map2}, {transform_indices = #map2}, {transform_indices = #map2}]} {
    %mul3A = arith.constant 16 : i32
    %mul3A_0 = arith.muli %arg0, %mul3A : i32
    %add3A = arith.addi %mul3A_0, %arg1 : i32
    %mul3A_1 = arith.constant 632 : i32
    %mul3A_2 = arith.muli %arg1, %mul3A_1 : i32
    %mul3A_3 = arith.constant 10080 : i32
    %mul3A_4 = arith.muli %add3A, %mul3A_3 : i32
    "tpu.region"() ({
      %run_scoped3A = tpu.sem_alloc : memref<!tpu.dma_semaphore, #tpu.memory_space<semaphore_mem>>
      %dma_start3A_76 = tpu.memref_slice %arg2[%mul3A_4] : memref<322560xi32, #tpu.memory_space<hbm>> -> memref<10080xi32, #tpu.memory_space<hbm>>
      %dma_start3A_77 = tpu.memref_slice %arg2[%mul3A_4] : memref<322560xi32, #tpu.memory_space<hbm>> -> memref<10080xi32, #tpu.memory_space<hbm>>
      tpu.enqueue_dma source(%dma_start3A_77 : memref<10080xi32, #tpu.memory_space<hbm>>) target(%arg13 : memref<10080xi32, #tpu.memory_space<vmem>>) target_semaphore(%run_scoped3A : memref<!tpu.dma_semaphore, #tpu.memory_space<semaphore_mem>>)
      %dma_wait3A = tpu.memref_slice %arg2[%mul3A_4] : memref<322560xi32, #tpu.memory_space<hbm>> -> memref<10080xi32, #tpu.memory_space<hbm>>
      %dma_wait3A_78 = tpu.memref_slice %arg2[%mul3A_4] : memref<322560xi32, #tpu.memory_space<hbm>> -> memref<10080xi32, #tpu.memory_space<hbm>>
      tpu.wait_dma2 semaphore(%run_scoped3A : memref<!tpu.dma_semaphore, #tpu.memory_space<semaphore_mem>>) src(%dma_wait3A_78 : memref<10080xi32, #tpu.memory_space<hbm>>) dst(%arg13 : memref<10080xi32, #tpu.memory_space<vmem>>)
      tpu.yield
    }) : () -> ()
    "tpu.region"() ({
      %run_scoped3A = tpu.sem_alloc : memref<!tpu.dma_semaphore, #tpu.memory_space<semaphore_mem>>
      %dma_start3A_76 = tpu.memref_slice %arg4[%mul3A_4] : memref<322560xf32, #tpu.memory_space<hbm>> -> memref<10080xf32, #tpu.memory_space<hbm>>
      %dma_start3A_77 = tpu.memref_slice %arg4[%mul3A_4] : memref<322560xf32, #tpu.memory_space<hbm>> -> memref<10080xf32, #tpu.memory_space<hbm>>
      tpu.enqueue_dma source(%dma_start3A_77 : memref<10080xf32, #tpu.memory_space<hbm>>) target(%arg14 : memref<10080xf32, #tpu.memory_space<vmem>>) target_semaphore(%run_scoped3A : memref<!tpu.dma_semaphore, #tpu.memory_space<semaphore_mem>>)
      %dma_wait3A = tpu.memref_slice %arg4[%mul3A_4] : memref<322560xf32, #tpu.memory_space<hbm>> -> memref<10080xf32, #tpu.memory_space<hbm>>
      %dma_wait3A_78 = tpu.memref_slice %arg4[%mul3A_4] : memref<322560xf32, #tpu.memory_space<hbm>> -> memref<10080xf32, #tpu.memory_space<hbm>>
      tpu.wait_dma2 semaphore(%run_scoped3A : memref<!tpu.dma_semaphore, #tpu.memory_space<semaphore_mem>>) src(%dma_wait3A_78 : memref<10080xf32, #tpu.memory_space<hbm>>) dst(%arg14 : memref<10080xf32, #tpu.memory_space<vmem>>)
      tpu.yield
    }) : () -> ()
    "tpu.region"() ({
      %run_scoped3A = tpu.sem_alloc : memref<!tpu.dma_semaphore, #tpu.memory_space<semaphore_mem>>
      %dma_start3A_76 = arith.constant 0 : i32
      %dma_start3A_77 = tpu.memref_slice %arg12[%mul3A_2, %dma_start3A_76] : memref<10112x128xf32, #tpu.memory_space<vmem_shared>> -> memref<632x128xf32, #tpu.memory_space<vmem_shared>>
      tpu.enqueue_dma source(%arg8 : memref<632x128xf32, #tpu.memory_space<hbm>>) target(%dma_start3A_77 : memref<632x128xf32, #tpu.memory_space<vmem_shared>>) target_semaphore(%run_scoped3A : memref<!tpu.dma_semaphore, #tpu.memory_space<semaphore_mem>>)
      %dma_wait3A = arith.constant 0 : i32
      %dma_wait3A_78 = tpu.memref_slice %arg12[%mul3A_2, %dma_wait3A] : memref<10112x128xf32, #tpu.memory_space<vmem_shared>> -> memref<632x128xf32, #tpu.memory_space<vmem_shared>>
      tpu.wait_dma2 semaphore(%run_scoped3A : memref<!tpu.dma_semaphore, #tpu.memory_space<semaphore_mem>>) src(%arg8 : memref<632x128xf32, #tpu.memory_space<hbm>>) dst(%dma_wait3A_78 : memref<632x128xf32, #tpu.memory_space<vmem_shared>>)
      tpu.yield
    }) : () -> ()
    %barrier3A = arith.constant 0 : index
    tpu.barrier barrier_id(%barrier3A)
    %add3A_5 = arith.constant 0 : i32
    %add3A_6 = arith.addi %mul3A_4, %add3A_5 : i32
    %multiple_of3A = tpu.assume_multiple %add3A_6, 8 : i32
    %dma_start3A = tpu.memref_slice %arg3[%multiple_of3A] : memref<322560xi32, #tpu.memory_space<hbm>> -> memref<112xi32, #tpu.memory_space<hbm>>
    %dma_start3A_7 = tpu.memref_slice %arg3[%multiple_of3A] : memref<322560xi32, #tpu.memory_space<hbm>> -> memref<112xi32, #tpu.memory_space<hbm>>
    tpu.enqueue_dma source(%dma_start3A_7 : memref<112xi32, #tpu.memory_space<hbm>>) target(%arg15 : memref<112xi32, #tpu.memory_space<vmem>>) target_semaphore(%arg21 : memref<!tpu.dma_semaphore, #tpu.memory_space<semaphore_mem>>)
    %add3A_8 = arith.constant 112 : i32
    %add3A_9 = arith.addi %mul3A_4, %add3A_8 : i32
    %multiple_of3A_10 = tpu.assume_multiple %add3A_9, 8 : i32
    %dma_start3A_11 = tpu.memref_slice %arg3[%multiple_of3A_10] : memref<322560xi32, #tpu.memory_space<hbm>> -> memref<112xi32, #tpu.memory_space<hbm>>
    %dma_start3A_12 = tpu.memref_slice %arg3[%multiple_of3A_10] : memref<322560xi32, #tpu.memory_space<hbm>> -> memref<112xi32, #tpu.memory_space<hbm>>
    tpu.enqueue_dma source(%dma_start3A_12 : memref<112xi32, #tpu.memory_space<hbm>>) target(%arg16 : memref<112xi32, #tpu.memory_space<vmem>>) target_semaphore(%arg22 : memref<!tpu.dma_semaphore, #tpu.memory_space<semaphore_mem>>)
    %multiple_of3A_13 = arith.constant 0 : i32
    %multiple_of3A_14 = tpu.assume_multiple %multiple_of3A_13, 8 : i32
    %dma_start3A_15 = tpu.memref_slice %arg13[%multiple_of3A_14] : memref<10080xi32, #tpu.memory_space<vmem>> -> memref<112xi32, #tpu.memory_space<vmem>>
    %dma_start3A_16 = arith.constant 0 : i32
    %dma_start3A_17 = arith.constant 0 : i32
    %dma_start3A_18 = tpu.memref_slice %arg5[%dma_start3A_16, %dma_start3A_17] : memref<10000x128xf32, #tpu.memory_space<hbm>> -> memref<10000x128xf32, #tpu.memory_space<hbm>>
    tpu.enqueue_indirect_dma source(%dma_start3A_18 : memref<10000x128xf32, #tpu.memory_space<hbm>>) target(%arg17 : memref<112x128xf32, #tpu.memory_space<vmem>>) offsets(%dma_start3A_15 : memref<112xi32, #tpu.memory_space<vmem>>) semaphore(%arg19 : memref<!tpu.dma_semaphore, #tpu.memory_space<semaphore_mem>>)
    %scan3A = arith.constant 0 : i32
    %scan3A_19 = arith.constant 0 : i32
    %scan3A_20 = arith.constant 45 : i32
    %scan3A_21 = arith.addi %scan3A_19, %scan3A_20 : i32
    %scan3A_22 = arith.constant 1 : i32
    scf.for %scan3A_76 = %scan3A_19 to %scan3A_21 step %scan3A_22  : i32 {
      %mul3A_77 = arith.constant 2 : i32
      %mul3A_78 = arith.muli %mul3A_77, %scan3A_76 : i32
      %add3A_79 = arith.constant 0 : i32
      %add3A_80 = arith.addi %mul3A_78, %add3A_79 : i32
      %mul3A_81 = arith.constant 112 : i32
      %mul3A_82 = arith.muli %add3A_80, %mul3A_81 : i32
      %multiple_of3A_83 = tpu.assume_multiple %mul3A_82, 8 : i32
      %dma_wait3A = tpu.memref_slice %arg13[%multiple_of3A_83] : memref<10080xi32, #tpu.memory_space<vmem>> -> memref<112xi32, #tpu.memory_space<vmem>>
      %dma_wait3A_84 = arith.constant 0 : i32
      %dma_wait3A_85 = arith.constant 0 : i32
      %dma_wait3A_86 = tpu.memref_slice %arg5[%dma_wait3A_84, %dma_wait3A_85] : memref<10000x128xf32, #tpu.memory_space<hbm>> -> memref<10000x128xf32, #tpu.memory_space<hbm>>
      tpu.wait_indirect_dma semaphore(%arg19 : memref<!tpu.dma_semaphore, #tpu.memory_space<semaphore_mem>>) src(%dma_wait3A_86 : memref<10000x128xf32, #tpu.memory_space<hbm>>) dst(%arg17 : memref<112x128xf32, #tpu.memory_space<vmem>>)
      %add3A_87 = arith.constant 1 : i32
      %add3A_88 = arith.addi %add3A_80, %add3A_87 : i32
      %lt3A = arith.constant 90 : i32
      %lt3A_89 = arith.cmpi slt, %add3A_88, %lt3A : i32
      %convert_element_type3A = arith.extui %lt3A_89 : i1 to i32
      %cond3A = arith.constant 0 : i32
      %cond3A_90 = arith.cmpi ne, %convert_element_type3A, %cond3A : i32
      scf.if %cond3A_90 {
        %add3A_147 = arith.constant 1 : i32
        %add3A_148 = arith.addi %add3A_80, %add3A_147 : i32
        %mul3A_149 = arith.constant 112 : i32
        %mul3A_150 = arith.muli %add3A_148, %mul3A_149 : i32
        %multiple_of3A_151 = tpu.assume_multiple %mul3A_150, 8 : i32
        %dma_start3A_152 = tpu.memref_slice %arg13[%multiple_of3A_151] : memref<10080xi32, #tpu.memory_space<vmem>> -> memref<112xi32, #tpu.memory_space<vmem>>
        %dma_start3A_153 = arith.constant 0 : i32
        %dma_start3A_154 = arith.constant 0 : i32
        %dma_start3A_155 = tpu.memref_slice %arg5[%dma_start3A_153, %dma_start3A_154] : memref<10000x128xf32, #tpu.memory_space<hbm>> -> memref<10000x128xf32, #tpu.memory_space<hbm>>
        tpu.enqueue_indirect_dma source(%dma_start3A_155 : memref<10000x128xf32, #tpu.memory_space<hbm>>) target(%arg18 : memref<112x128xf32, #tpu.memory_space<vmem>>) offsets(%dma_start3A_152 : memref<112xi32, #tpu.memory_space<vmem>>) semaphore(%arg20 : memref<!tpu.dma_semaphore, #tpu.memory_space<semaphore_mem>>)
      } else {
      }
      %scan3A_91 = arith.constant 0 : i32
      %scan3A_92 = arith.constant 0 : i32
      %scan3A_93 = arith.constant 112 : i32
      %scan3A_94 = arith.addi %scan3A_92, %scan3A_93 : i32
      %scan3A_95 = arith.constant 4 : i32
      scf.for %scan3A_147 = %scan3A_92 to %scan3A_94 step %scan3A_95  : i32 {
        %mul3A_148 = arith.constant 112 : i32
        %mul3A_149 = arith.muli %add3A_80, %mul3A_148 : i32
        %add3A_150 = arith.addi %mul3A_149, %scan3A_147 : i32
        %broadcast_in_dim3A = vector.broadcast %add3A_150 : i32 to vector<16xi32>
        %gather3A = tpu.vector_load_idx %arg14[%broadcast_in_dim3A] : memref<10080xf32, #tpu.memory_space<vmem>>[vector<16xi32>], vector<16xf32>,
        %get3A = arith.index_cast %scan3A_147 : i32 to index
        %get3A_151 = arith.constant 0 : index
        %get3A_152 = tpu.vector_load %arg17[%get3A, %get3A_151] {strides = array<i32>} : memref<112x128xf32, #tpu.memory_space<vmem>>, vector<16xf32>,
        %mul3A_153 = arith.mulf %get3A_152, %gather3A : vector<16xf32>
        %swap3A = arith.index_cast %scan3A_147 : i32 to index
        %swap3A_154 = arith.constant 0 : index
        %swap3A_155 = tpu.vector_load %arg17[%swap3A, %swap3A_154] {strides = array<i32>} : memref<112x128xf32, #tpu.memory_space<vmem>>, vector<16xf32>,
        tpu.vector_store %arg17[%swap3A, %swap3A_154], %mul3A_153 {strides = array<i32>} : memref<112x128xf32, #tpu.memory_space<vmem>>, vector<16xf32>,
        %get3A_156 = arith.index_cast %scan3A_147 : i32 to index
        %get3A_157 = arith.constant 16 : index
        %get3A_158 = tpu.vector_load %arg17[%get3A_156, %get3A_157] {strides = array<i32>} : memref<112x128xf32, #tpu.memory_space<vmem>>, vector<16xf32>,
        %mul3A_159 = arith.mulf %get3A_158, %gather3A : vector<16xf32>
        %swap3A_160 = arith.index_cast %scan3A_147 : i32 to index
        %swap3A_161 = arith.constant 16 : index
        %swap3A_162 = tpu.vector_load %arg17[%swap3A_160, %swap3A_161] {strides = array<i32>} : memref<112x128xf32, #tpu.memory_space<vmem>>, vector<16xf32>,
        tpu.vector_store %arg17[%swap3A_160, %swap3A_161], %mul3A_159 {strides = array<i32>} : memref<112x128xf32, #tpu.memory_space<vmem>>, vector<16xf32>,
        %get3A_163 = arith.index_cast %scan3A_147 : i32 to index
        %get3A_164 = arith.constant 32 : index
        %get3A_165 = tpu.vector_load %arg17[%get3A_163, %get3A_164] {strides = array<i32>} : memref<112x128xf32, #tpu.memory_space<vmem>>, vector<16xf32>,
        %mul3A_166 = arith.mulf %get3A_165, %gather3A : vector<16xf32>
        %swap3A_167 = arith.index_cast %scan3A_147 : i32 to index
        %swap3A_168 = arith.constant 32 : index
        %swap3A_169 = tpu.vector_load %arg17[%swap3A_167, %swap3A_168] {strides = array<i32>} : memref<112x128xf32, #tpu.memory_space<vmem>>, vector<16xf32>,
        tpu.vector_store %arg17[%swap3A_167, %swap3A_168], %mul3A_166 {strides = array<i32>} : memref<112x128xf32, #tpu.memory_space<vmem>>, vector<16xf32>,
        %get3A_170 = arith.index_cast %scan3A_147 : i32 to index
        %get3A_171 = arith.constant 48 : index
        %get3A_172 = tpu.vector_load %arg17[%get3A_170, %get3A_171] {strides = array<i32>} : memref<112x128xf32, #tpu.memory_space<vmem>>, vector<16xf32>,
        %mul3A_173 = arith.mulf %get3A_172, %gather3A : vector<16xf32>
        %swap3A_174 = arith.index_cast %scan3A_147 : i32 to index
        %swap3A_175 = arith.constant 48 : index
        %swap3A_176 = tpu.vector_load %arg17[%swap3A_174, %swap3A_175] {strides = array<i32>} : memref<112x128xf32, #tpu.memory_space<vmem>>, vector<16xf32>,
        tpu.vector_store %arg17[%swap3A_174, %swap3A_175], %mul3A_173 {strides = array<i32>} : memref<112x128xf32, #tpu.memory_space<vmem>>, vector<16xf32>,
        %get3A_177 = arith.index_cast %scan3A_147 : i32 to index
        %get3A_178 = arith.constant 64 : index
        %get3A_179 = tpu.vector_load %arg17[%get3A_177, %get3A_178] {strides = array<i32>} : memref<112x128xf32, #tpu.memory_space<vmem>>, vector<16xf32>,
        %mul3A_180 = arith.mulf %get3A_179, %gather3A : vector<16xf32>
        %swap3A_181 = arith.index_cast %scan3A_147 : i32 to index
        %swap3A_182 = arith.constant 64 : index
        %swap3A_183 = tpu.vector_load %arg17[%swap3A_181, %swap3A_182] {strides = array<i32>} : memref<112x128xf32, #tpu.memory_space<vmem>>, vector<16xf32>,
        tpu.vector_store %arg17[%swap3A_181, %swap3A_182], %mul3A_180 {strides = array<i32>} : memref<112x128xf32, #tpu.memory_space<vmem>>, vector<16xf32>,
        %get3A_184 = arith.index_cast %scan3A_147 : i32 to index
        %get3A_185 = arith.constant 80 : index
        %get3A_186 = tpu.vector_load %arg17[%get3A_184, %get3A_185] {strides = array<i32>} : memref<112x128xf32, #tpu.memory_space<vmem>>, vector<16xf32>,
        %mul3A_187 = arith.mulf %get3A_186, %gather3A : vector<16xf32>
        %swap3A_188 = arith.index_cast %scan3A_147 : i32 to index
        %swap3A_189 = arith.constant 80 : index
        %swap3A_190 = tpu.vector_load %arg17[%swap3A_188, %swap3A_189] {strides = array<i32>} : memref<112x128xf32, #tpu.memory_space<vmem>>, vector<16xf32>,
        tpu.vector_store %arg17[%swap3A_188, %swap3A_189], %mul3A_187 {strides = array<i32>} : memref<112x128xf32, #tpu.memory_space<vmem>>, vector<16xf32>,
        %get3A_191 = arith.index_cast %scan3A_147 : i32 to index
        %get3A_192 = arith.constant 96 : index
        %get3A_193 = tpu.vector_load %arg17[%get3A_191, %get3A_192] {strides = array<i32>} : memref<112x128xf32, #tpu.memory_space<vmem>>, vector<16xf32>,
        %mul3A_194 = arith.mulf %get3A_193, %gather3A : vector<16xf32>
        %swap3A_195 = arith.index_cast %scan3A_147 : i32 to index
        %swap3A_196 = arith.constant 96 : index
        %swap3A_197 = tpu.vector_load %arg17[%swap3A_195, %swap3A_196] {strides = array<i32>} : memref<112x128xf32, #tpu.memory_space<vmem>>, vector<16xf32>,
        tpu.vector_store %arg17[%swap3A_195, %swap3A_196], %mul3A_194 {strides = array<i32>} : memref<112x128xf32, #tpu.memory_space<vmem>>, vector<16xf32>,
        %get3A_198 = arith.index_cast %scan3A_147 : i32 to index
        %get3A_199 = arith.constant 112 : index
        %get3A_200 = tpu.vector_load %arg17[%get3A_198, %get3A_199] {strides = array<i32>} : memref<112x128xf32, #tpu.memory_space<vmem>>, vector<16xf32>,
        %mul3A_201 = arith.mulf %get3A_200, %gather3A : vector<16xf32>
        %swap3A_202 = arith.index_cast %scan3A_147 : i32 to index
        %swap3A_203 = arith.constant 112 : index
        %swap3A_204 = tpu.vector_load %arg17[%swap3A_202, %swap3A_203] {strides = array<i32>} : memref<112x128xf32, #tpu.memory_space<vmem>>, vector<16xf32>,
        tpu.vector_store %arg17[%swap3A_202, %swap3A_203], %mul3A_201 {strides = array<i32>} : memref<112x128xf32, #tpu.memory_space<vmem>>, vector<16xf32>,
        %scan3A_205 = arith.constant 1 : i32
        %scan3A_206 = arith.addi %scan3A_147, %scan3A_205 : i32
        %mul3A_207 = arith.constant 112 : i32
        %mul3A_208 = arith.muli %add3A_80, %mul3A_207 : i32
        %add3A_209 = arith.addi %mul3A_208, %scan3A_206 : i32
        %broadcast_in_dim3A_210 = vector.broadcast %add3A_209 : i32 to vector<16xi32>
        %gather3A_211 = tpu.vector_load_idx %arg14[%broadcast_in_dim3A_210] : memref<10080xf32, #tpu.memory_space<vmem>>[vector<16xi32>], vector<16xf32>,
        %get3A_212 = arith.index_cast %scan3A_206 : i32 to index
        %get3A_213 = arith.constant 0 : index
        %get3A_214 = tpu.vector_load %arg17[%get3A_212, %get3A_213] {strides = array<i32>} : memref<112x128xf32, #tpu.memory_space<vmem>>, vector<16xf32>,
        %mul3A_215 = arith.mulf %get3A_214, %gather3A_211 : vector<16xf32>
        %swap3A_216 = arith.index_cast %scan3A_206 : i32 to index
        %swap3A_217 = arith.constant 0 : index
        %swap3A_218 = tpu.vector_load %arg17[%swap3A_216, %swap3A_217] {strides = array<i32>} : memref<112x128xf32, #tpu.memory_space<vmem>>, vector<16xf32>,
        tpu.vector_store %arg17[%swap3A_216, %swap3A_217], %mul3A_215 {strides = array<i32>} : memref<112x128xf32, #tpu.memory_space<vmem>>, vector<16xf32>,
        %get3A_219 = arith.index_cast %scan3A_206 : i32 to index
        %get3A_220 = arith.constant 16 : index
        %get3A_221 = tpu.vector_load %arg17[%get3A_219, %get3A_220] {strides = array<i32>} : memref<112x128xf32, #tpu.memory_space<vmem>>, vector<16xf32>,
        %mul3A_222 = arith.mulf %get3A_221, %gather3A_211 : vector<16xf32>
        %swap3A_223 = arith.index_cast %scan3A_206 : i32 to index
        %swap3A_224 = arith.constant 16 : index
        %swap3A_225 = tpu.vector_load %arg17[%swap3A_223, %swap3A_224] {strides = array<i32>} : memref<112x128xf32, #tpu.memory_space<vmem>>, vector<16xf32>,
        tpu.vector_store %arg17[%swap3A_223, %swap3A_224], %mul3A_222 {strides = array<i32>} : memref<112x128xf32, #tpu.memory_space<vmem>>, vector<16xf32>,
        %get3A_226 = arith.index_cast %scan3A_206 : i32 to index
        %get3A_227 = arith.constant 32 : index
        %get3A_228 = tpu.vector_load %arg17[%get3A_226, %get3A_227] {strides = array<i32>} : memref<112x128xf32, #tpu.memory_space<vmem>>, vector<16xf32>,
        %mul3A_229 = arith.mulf %get3A_228, %gather3A_211 : vector<16xf32>
        %swap3A_230 = arith.index_cast %scan3A_206 : i32 to index
        %swap3A_231 = arith.constant 32 : index
        %swap3A_232 = tpu.vector_load %arg17[%swap3A_230, %swap3A_231] {strides = array<i32>} : memref<112x128xf32, #tpu.memory_space<vmem>>, vector<16xf32>,
        tpu.vector_store %arg17[%swap3A_230, %swap3A_231], %mul3A_229 {strides = array<i32>} : memref<112x128xf32, #tpu.memory_space<vmem>>, vector<16xf32>,
        %get3A_233 = arith.index_cast %scan3A_206 : i32 to index
        %get3A_234 = arith.constant 48 : index
        %get3A_235 = tpu.vector_load %arg17[%get3A_233, %get3A_234] {strides = array<i32>} : memref<112x128xf32, #tpu.memory_space<vmem>>, vector<16xf32>,
        %mul3A_236 = arith.mulf %get3A_235, %gather3A_211 : vector<16xf32>
        %swap3A_237 = arith.index_cast %scan3A_206 : i32 to index
        %swap3A_238 = arith.constant 48 : index
        %swap3A_239 = tpu.vector_load %arg17[%swap3A_237, %swap3A_238] {strides = array<i32>} : memref<112x128xf32, #tpu.memory_space<vmem>>, vector<16xf32>,
        tpu.vector_store %arg17[%swap3A_237, %swap3A_238], %mul3A_236 {strides = array<i32>} : memref<112x128xf32, #tpu.memory_space<vmem>>, vector<16xf32>,
        %get3A_240 = arith.index_cast %scan3A_206 : i32 to index
        %get3A_241 = arith.constant 64 : index
        %get3A_242 = tpu.vector_load %arg17[%get3A_240, %get3A_241] {strides = array<i32>} : memref<112x128xf32, #tpu.memory_space<vmem>>, vector<16xf32>,
        %mul3A_243 = arith.mulf %get3A_242, %gather3A_211 : vector<16xf32>
        %swap3A_244 = arith.index_cast %scan3A_206 : i32 to index
        %swap3A_245 = arith.constant 64 : index
        %swap3A_246 = tpu.vector_load %arg17[%swap3A_244, %swap3A_245] {strides = array<i32>} : memref<112x128xf32, #tpu.memory_space<vmem>>, vector<16xf32>,
        tpu.vector_store %arg17[%swap3A_244, %swap3A_245], %mul3A_243 {strides = array<i32>} : memref<112x128xf32, #tpu.memory_space<vmem>>, vector<16xf32>,
        %get3A_247 = arith.index_cast %scan3A_206 : i32 to index
        %get3A_248 = arith.constant 80 : index
        %get3A_249 = tpu.vector_load %arg17[%get3A_247, %get3A_248] {strides = array<i32>} : memref<112x128xf32, #tpu.memory_space<vmem>>, vector<16xf32>,
        %mul3A_250 = arith.mulf %get3A_249, %gather3A_211 : vector<16xf32>
        %swap3A_251 = arith.index_cast %scan3A_206 : i32 to index
        %swap3A_252 = arith.constant 80 : index
        %swap3A_253 = tpu.vector_load %arg17[%swap3A_251, %swap3A_252] {strides = array<i32>} : memref<112x128xf32, #tpu.memory_space<vmem>>, vector<16xf32>,
        tpu.vector_store %arg17[%swap3A_251, %swap3A_252], %mul3A_250 {strides = array<i32>} : memref<112x128xf32, #tpu.memory_space<vmem>>, vector<16xf32>,
        %get3A_254 = arith.index_cast %scan3A_206 : i32 to index
        %get3A_255 = arith.constant 96 : index
        %get3A_256 = tpu.vector_load %arg17[%get3A_254, %get3A_255] {strides = array<i32>} : memref<112x128xf32, #tpu.memory_space<vmem>>, vector<16xf32>,
        %mul3A_257 = arith.mulf %get3A_256, %gather3A_211 : vector<16xf32>
        %swap3A_258 = arith.index_cast %scan3A_206 : i32 to index
        %swap3A_259 = arith.constant 96 : index
        %swap3A_260 = tpu.vector_load %arg17[%swap3A_258, %swap3A_259] {strides = array<i32>} : memref<112x128xf32, #tpu.memory_space<vmem>>, vector<16xf32>,
        tpu.vector_store %arg17[%swap3A_258, %swap3A_259], %mul3A_257 {strides = array<i32>} : memref<112x128xf32, #tpu.memory_space<vmem>>, vector<16xf32>,
        %get3A_261 = arith.index_cast %scan3A_206 : i32 to index
        %get3A_262 = arith.constant 112 : index
        %get3A_263 = tpu.vector_load %arg17[%get3A_261, %get3A_262] {strides = array<i32>} : memref<112x128xf32, #tpu.memory_space<vmem>>, vector<16xf32>,
        %mul3A_264 = arith.mulf %get3A_263, %gather3A_211 : vector<16xf32>
        %swap3A_265 = arith.index_cast %scan3A_206 : i32 to index
        %swap3A_266 = arith.constant 112 : index
        %swap3A_267 = tpu.vector_load %arg17[%swap3A_265, %swap3A_266] {strides = array<i32>} : memref<112x128xf32, #tpu.memory_space<vmem>>, vector<16xf32>,
        tpu.vector_store %arg17[%swap3A_265, %swap3A_266], %mul3A_264 {strides = array<i32>} : memref<112x128xf32, #tpu.memory_space<vmem>>, vector<16xf32>,
        %scan3A_268 = arith.constant 2 : i32
        %scan3A_269 = arith.addi %scan3A_147, %scan3A_268 : i32
        %mul3A_270 = arith.constant 112 : i32
        %mul3A_271 = arith.muli %add3A_80, %mul3A_270 : i32
        %add3A_272 = arith.addi %mul3A_271, %scan3A_269 : i32
        %broadcast_in_dim3A_273 = vector.broadcast %add3A_272 : i32 to vector<16xi32>
        %gather3A_274 = tpu.vector_load_idx %arg14[%broadcast_in_dim3A_273] : memref<10080xf32, #tpu.memory_space<vmem>>[vector<16xi32>], vector<16xf32>,
        %get3A_275 = arith.index_cast %scan3A_269 : i32 to index
        %get3A_276 = arith.constant 0 : index
        %get3A_277 = tpu.vector_load %arg17[%get3A_275, %get3A_276] {strides = array<i32>} : memref<112x128xf32, #tpu.memory_space<vmem>>, vector<16xf32>,
        %mul3A_278 = arith.mulf %get3A_277, %gather3A_274 : vector<16xf32>
        %swap3A_279 = arith.index_cast %scan3A_269 : i32 to index
        %swap3A_280 = arith.constant 0 : index
        %swap3A_281 = tpu.vector_load %arg17[%swap3A_279, %swap3A_280] {strides = array<i32>} : memref<112x128xf32, #tpu.memory_space<vmem>>, vector<16xf32>,
        tpu.vector_store %arg17[%swap3A_279, %swap3A_280], %mul3A_278 {strides = array<i32>} : memref<112x128xf32, #tpu.memory_space<vmem>>, vector<16xf32>,
        %get3A_282 = arith.index_cast %scan3A_269 : i32 to index
        %get3A_283 = arith.constant 16 : index
        %get3A_284 = tpu.vector_load %arg17[%get3A_282, %get3A_283] {strides = array<i32>} : memref<112x128xf32, #tpu.memory_space<vmem>>, vector<16xf32>,
        %mul3A_285 = arith.mulf %get3A_284, %gather3A_274 : vector<16xf32>
        %swap3A_286 = arith.index_cast %scan3A_269 : i32 to index
        %swap3A_287 = arith.constant 16 : index
        %swap3A_288 = tpu.vector_load %arg17[%swap3A_286, %swap3A_287] {strides = array<i32>} : memref<112x128xf32, #tpu.memory_space<vmem>>, vector<16xf32>,
        tpu.vector_store %arg17[%swap3A_286, %swap3A_287], %mul3A_285 {strides = array<i32>} : memref<112x128xf32, #tpu.memory_space<vmem>>, vector<16xf32>,
        %get3A_289 = arith.index_cast %scan3A_269 : i32 to index
        %get3A_290 = arith.constant 32 : index
        %get3A_291 = tpu.vector_load %arg17[%get3A_289, %get3A_290] {strides = array<i32>} : memref<112x128xf32, #tpu.memory_space<vmem>>, vector<16xf32>,
        %mul3A_292 = arith.mulf %get3A_291, %gather3A_274 : vector<16xf32>
        %swap3A_293 = arith.index_cast %scan3A_269 : i32 to index
        %swap3A_294 = arith.constant 32 : index
        %swap3A_295 = tpu.vector_load %arg17[%swap3A_293, %swap3A_294] {strides = array<i32>} : memref<112x128xf32, #tpu.memory_space<vmem>>, vector<16xf32>,
        tpu.vector_store %arg17[%swap3A_293, %swap3A_294], %mul3A_292 {strides = array<i32>} : memref<112x128xf32, #tpu.memory_space<vmem>>, vector<16xf32>,
        %get3A_296 = arith.index_cast %scan3A_269 : i32 to index
        %get3A_297 = arith.constant 48 : index
        %get3A_298 = tpu.vector_load %arg17[%get3A_296, %get3A_297] {strides = array<i32>} : memref<112x128xf32, #tpu.memory_space<vmem>>, vector<16xf32>,
        %mul3A_299 = arith.mulf %get3A_298, %gather3A_274 : vector<16xf32>
        %swap3A_300 = arith.index_cast %scan3A_269 : i32 to index
        %swap3A_301 = arith.constant 48 : index
        %swap3A_302 = tpu.vector_load %arg17[%swap3A_300, %swap3A_301] {strides = array<i32>} : memref<112x128xf32, #tpu.memory_space<vmem>>, vector<16xf32>,
        tpu.vector_store %arg17[%swap3A_300, %swap3A_301], %mul3A_299 {strides = array<i32>} : memref<112x128xf32, #tpu.memory_space<vmem>>, vector<16xf32>,
        %get3A_303 = arith.index_cast %scan3A_269 : i32 to index
        %get3A_304 = arith.constant 64 : index
        %get3A_305 = tpu.vector_load %arg17[%get3A_303, %get3A_304] {strides = array<i32>} : memref<112x128xf32, #tpu.memory_space<vmem>>, vector<16xf32>,
        %mul3A_306 = arith.mulf %get3A_305, %gather3A_274 : vector<16xf32>
        %swap3A_307 = arith.index_cast %scan3A_269 : i32 to index
        %swap3A_308 = arith.constant 64 : index
        %swap3A_309 = tpu.vector_load %arg17[%swap3A_307, %swap3A_308] {strides = array<i32>} : memref<112x128xf32, #tpu.memory_space<vmem>>, vector<16xf32>,
        tpu.vector_store %arg17[%swap3A_307, %swap3A_308], %mul3A_306 {strides = array<i32>} : memref<112x128xf32, #tpu.memory_space<vmem>>, vector<16xf32>,
        %get3A_310 = arith.index_cast %scan3A_269 : i32 to index
        %get3A_311 = arith.constant 80 : index
        %get3A_312 = tpu.vector_load %arg17[%get3A_310, %get3A_311] {strides = array<i32>} : memref<112x128xf32, #tpu.memory_space<vmem>>, vector<16xf32>,
        %mul3A_313 = arith.mulf %get3A_312, %gather3A_274 : vector<16xf32>
        %swap3A_314 = arith.index_cast %scan3A_269 : i32 to index
        %swap3A_315 = arith.constant 80 : index
        %swap3A_316 = tpu.vector_load %arg17[%swap3A_314, %swap3A_315] {strides = array<i32>} : memref<112x128xf32, #tpu.memory_space<vmem>>, vector<16xf32>,
        tpu.vector_store %arg17[%swap3A_314, %swap3A_315], %mul3A_313 {strides = array<i32>} : memref<112x128xf32, #tpu.memory_space<vmem>>, vector<16xf32>,
        %get3A_317 = arith.index_cast %scan3A_269 : i32 to index
        %get3A_318 = arith.constant 96 : index
        %get3A_319 = tpu.vector_load %arg17[%get3A_317, %get3A_318] {strides = array<i32>} : memref<112x128xf32, #tpu.memory_space<vmem>>, vector<16xf32>,
        %mul3A_320 = arith.mulf %get3A_319, %gather3A_274 : vector<16xf32>
        %swap3A_321 = arith.index_cast %scan3A_269 : i32 to index
        %swap3A_322 = arith.constant 96 : index
        %swap3A_323 = tpu.vector_load %arg17[%swap3A_321, %swap3A_322] {strides = array<i32>} : memref<112x128xf32, #tpu.memory_space<vmem>>, vector<16xf32>,
        tpu.vector_store %arg17[%swap3A_321, %swap3A_322], %mul3A_320 {strides = array<i32>} : memref<112x128xf32, #tpu.memory_space<vmem>>, vector<16xf32>,
        %get3A_324 = arith.index_cast %scan3A_269 : i32 to index
        %get3A_325 = arith.constant 112 : index
        %get3A_326 = tpu.vector_load %arg17[%get3A_324, %get3A_325] {strides = array<i32>} : memref<112x128xf32, #tpu.memory_space<vmem>>, vector<16xf32>,
        %mul3A_327 = arith.mulf %get3A_326, %gather3A_274 : vector<16xf32>
        %swap3A_328 = arith.index_cast %scan3A_269 : i32 to index
        %swap3A_329 = arith.constant 112 : index
        %swap3A_330 = tpu.vector_load %arg17[%swap3A_328, %swap3A_329] {strides = array<i32>} : memref<112x128xf32, #tpu.memory_space<vmem>>, vector<16xf32>,
        tpu.vector_store %arg17[%swap3A_328, %swap3A_329], %mul3A_327 {strides = array<i32>} : memref<112x128xf32, #tpu.memory_space<vmem>>, vector<16xf32>,
        %scan3A_331 = arith.constant 3 : i32
        %scan3A_332 = arith.addi %scan3A_147, %scan3A_331 : i32
        %mul3A_333 = arith.constant 112 : i32
        %mul3A_334 = arith.muli %add3A_80, %mul3A_333 : i32
        %add3A_335 = arith.addi %mul3A_334, %scan3A_332 : i32
        %broadcast_in_dim3A_336 = vector.broadcast %add3A_335 : i32 to vector<16xi32>
        %gather3A_337 = tpu.vector_load_idx %arg14[%broadcast_in_dim3A_336] : memref<10080xf32, #tpu.memory_space<vmem>>[vector<16xi32>], vector<16xf32>,
        %get3A_338 = arith.index_cast %scan3A_332 : i32 to index
        %get3A_339 = arith.constant 0 : index
        %get3A_340 = tpu.vector_load %arg17[%get3A_338, %get3A_339] {strides = array<i32>} : memref<112x128xf32, #tpu.memory_space<vmem>>, vector<16xf32>,
        %mul3A_341 = arith.mulf %get3A_340, %gather3A_337 : vector<16xf32>
        %swap3A_342 = arith.index_cast %scan3A_332 : i32 to index
        %swap3A_343 = arith.constant 0 : index
        %swap3A_344 = tpu.vector_load %arg17[%swap3A_342, %swap3A_343] {strides = array<i32>} : memref<112x128xf32, #tpu.memory_space<vmem>>, vector<16xf32>,
        tpu.vector_store %arg17[%swap3A_342, %swap3A_343], %mul3A_341 {strides = array<i32>} : memref<112x128xf32, #tpu.memory_space<vmem>>, vector<16xf32>,
        %get3A_345 = arith.index_cast %scan3A_332 : i32 to index
        %get3A_346 = arith.constant 16 : index
        %get3A_347 = tpu.vector_load %arg17[%get3A_345, %get3A_346] {strides = array<i32>} : memref<112x128xf32, #tpu.memory_space<vmem>>, vector<16xf32>,
        %mul3A_348 = arith.mulf %get3A_347, %gather3A_337 : vector<16xf32>
        %swap3A_349 = arith.index_cast %scan3A_332 : i32 to index
        %swap3A_350 = arith.constant 16 : index
        %swap3A_351 = tpu.vector_load %arg17[%swap3A_349, %swap3A_350] {strides = array<i32>} : memref<112x128xf32, #tpu.memory_space<vmem>>, vector<16xf32>,
        tpu.vector_store %arg17[%swap3A_349, %swap3A_350], %mul3A_348 {strides = array<i32>} : memref<112x128xf32, #tpu.memory_space<vmem>>, vector<16xf32>,
        %get3A_352 = arith.index_cast %scan3A_332 : i32 to index
        %get3A_353 = arith.constant 32 : index
        %get3A_354 = tpu.vector_load %arg17[%get3A_352, %get3A_353] {strides = array<i32>} : memref<112x128xf32, #tpu.memory_space<vmem>>, vector<16xf32>,
        %mul3A_355 = arith.mulf %get3A_354, %gather3A_337 : vector<16xf32>
        %swap3A_356 = arith.index_cast %scan3A_332 : i32 to index
        %swap3A_357 = arith.constant 32 : index
        %swap3A_358 = tpu.vector_load %arg17[%swap3A_356, %swap3A_357] {strides = array<i32>} : memref<112x128xf32, #tpu.memory_space<vmem>>, vector<16xf32>,
        tpu.vector_store %arg17[%swap3A_356, %swap3A_357], %mul3A_355 {strides = array<i32>} : memref<112x128xf32, #tpu.memory_space<vmem>>, vector<16xf32>,
        %get3A_359 = arith.index_cast %scan3A_332 : i32 to index
        %get3A_360 = arith.constant 48 : index
        %get3A_361 = tpu.vector_load %arg17[%get3A_359, %get3A_360] {strides = array<i32>} : memref<112x128xf32, #tpu.memory_space<vmem>>, vector<16xf32>,
        %mul3A_362 = arith.mulf %get3A_361, %gather3A_337 : vector<16xf32>
        %swap3A_363 = arith.index_cast %scan3A_332 : i32 to index
        %swap3A_364 = arith.constant 48 : index
        %swap3A_365 = tpu.vector_load %arg17[%swap3A_363, %swap3A_364] {strides = array<i32>} : memref<112x128xf32, #tpu.memory_space<vmem>>, vector<16xf32>,
        tpu.vector_store %arg17[%swap3A_363, %swap3A_364], %mul3A_362 {strides = array<i32>} : memref<112x128xf32, #tpu.memory_space<vmem>>, vector<16xf32>,
        %get3A_366 = arith.index_cast %scan3A_332 : i32 to index
        %get3A_367 = arith.constant 64 : index
        %get3A_368 = tpu.vector_load %arg17[%get3A_366, %get3A_367] {strides = array<i32>} : memref<112x128xf32, #tpu.memory_space<vmem>>, vector<16xf32>,
        %mul3A_369 = arith.mulf %get3A_368, %gather3A_337 : vector<16xf32>
        %swap3A_370 = arith.index_cast %scan3A_332 : i32 to index
        %swap3A_371 = arith.constant 64 : index
        %swap3A_372 = tpu.vector_load %arg17[%swap3A_370, %swap3A_371] {strides = array<i32>} : memref<112x128xf32, #tpu.memory_space<vmem>>, vector<16xf32>,
        tpu.vector_store %arg17[%swap3A_370, %swap3A_371], %mul3A_369 {strides = array<i32>} : memref<112x128xf32, #tpu.memory_space<vmem>>, vector<16xf32>,
        %get3A_373 = arith.index_cast %scan3A_332 : i32 to index
        %get3A_374 = arith.constant 80 : index
        %get3A_375 = tpu.vector_load %arg17[%get3A_373, %get3A_374] {strides = array<i32>} : memref<112x128xf32, #tpu.memory_space<vmem>>, vector<16xf32>,
        %mul3A_376 = arith.mulf %get3A_375, %gather3A_337 : vector<16xf32>
        %swap3A_377 = arith.index_cast %scan3A_332 : i32 to index
        %swap3A_378 = arith.constant 80 : index
        %swap3A_379 = tpu.vector_load %arg17[%swap3A_377, %swap3A_378] {strides = array<i32>} : memref<112x128xf32, #tpu.memory_space<vmem>>, vector<16xf32>,
        tpu.vector_store %arg17[%swap3A_377, %swap3A_378], %mul3A_376 {strides = array<i32>} : memref<112x128xf32, #tpu.memory_space<vmem>>, vector<16xf32>,
        %get3A_380 = arith.index_cast %scan3A_332 : i32 to index
        %get3A_381 = arith.constant 96 : index
        %get3A_382 = tpu.vector_load %arg17[%get3A_380, %get3A_381] {strides = array<i32>} : memref<112x128xf32, #tpu.memory_space<vmem>>, vector<16xf32>,
        %mul3A_383 = arith.mulf %get3A_382, %gather3A_337 : vector<16xf32>
        %swap3A_384 = arith.index_cast %scan3A_332 : i32 to index
        %swap3A_385 = arith.constant 96 : index
        %swap3A_386 = tpu.vector_load %arg17[%swap3A_384, %swap3A_385] {strides = array<i32>} : memref<112x128xf32, #tpu.memory_space<vmem>>, vector<16xf32>,
        tpu.vector_store %arg17[%swap3A_384, %swap3A_385], %mul3A_383 {strides = array<i32>} : memref<112x128xf32, #tpu.memory_space<vmem>>, vector<16xf32>,
        %get3A_387 = arith.index_cast %scan3A_332 : i32 to index
        %get3A_388 = arith.constant 112 : index
        %get3A_389 = tpu.vector_load %arg17[%get3A_387, %get3A_388] {strides = array<i32>} : memref<112x128xf32, #tpu.memory_space<vmem>>, vector<16xf32>,
        %mul3A_390 = arith.mulf %get3A_389, %gather3A_337 : vector<16xf32>
        %swap3A_391 = arith.index_cast %scan3A_332 : i32 to index
        %swap3A_392 = arith.constant 112 : index
        %swap3A_393 = tpu.vector_load %arg17[%swap3A_391, %swap3A_392] {strides = array<i32>} : memref<112x128xf32, #tpu.memory_space<vmem>>, vector<16xf32>,
        tpu.vector_store %arg17[%swap3A_391, %swap3A_392], %mul3A_390 {strides = array<i32>} : memref<112x128xf32, #tpu.memory_space<vmem>>, vector<16xf32>,
      }
      %scan3A_96 = arith.constant 112 : i32
      %mul3A_97 = arith.constant 112 : i32
      %mul3A_98 = arith.muli %add3A_80, %mul3A_97 : i32
      %add3A_99 = arith.addi %mul3A_4, %mul3A_98 : i32
      %multiple_of3A_100 = tpu.assume_multiple %add3A_99, 8 : i32
      %dma_wait3A_101 = tpu.memref_slice %arg3[%multiple_of3A_100] : memref<322560xi32, #tpu.memory_space<hbm>> -> memref<112xi32, #tpu.memory_space<hbm>>
      %dma_wait3A_102 = tpu.memref_slice %arg3[%multiple_of3A_100] : memref<322560xi32, #tpu.memory_space<hbm>> -> memref<112xi32, #tpu.memory_space<hbm>>
      tpu.wait_dma2 semaphore(%arg21 : memref<!tpu.dma_semaphore, #tpu.memory_space<semaphore_mem>>) src(%dma_wait3A_102 : memref<112xi32, #tpu.memory_space<hbm>>) dst(%arg15 : memref<112xi32, #tpu.memory_space<vmem>>)
      "tpu.region"() ({
        %run_scoped3A = tpu.sem_alloc : memref<!tpu.dma_semaphore, #tpu.memory_space<semaphore_mem>>
        %dma_start3A_147 = arith.constant 0 : i32
        %dma_start3A_148 = arith.constant 0 : i32
        %dma_start3A_149 = tpu.memref_slice %arg12[%dma_start3A_147, %dma_start3A_148] : memref<10112x128xf32, #tpu.memory_space<vmem_shared>> -> memref<10112x128xf32, #tpu.memory_space<vmem_shared>>
        tpu.enqueue_indirect_dma source(%arg17 : memref<112x128xf32, #tpu.memory_space<vmem>>) target(%dma_start3A_149 : memref<10112x128xf32, #tpu.memory_space<vmem_shared>>) offsets(%arg15 : memref<112xi32, #tpu.memory_space<vmem>>) semaphore(%run_scoped3A : memref<!tpu.dma_semaphore, #tpu.memory_space<semaphore_mem>>) {add = true}
        %dma_wait3A_150 = arith.constant 0 : i32
        %dma_wait3A_151 = arith.constant 0 : i32
        %dma_wait3A_152 = tpu.memref_slice %arg12[%dma_wait3A_150, %dma_wait3A_151] : memref<10112x128xf32, #tpu.memory_space<vmem_shared>> -> memref<10112x128xf32, #tpu.memory_space<vmem_shared>>
        tpu.wait_indirect_dma semaphore(%run_scoped3A : memref<!tpu.dma_semaphore, #tpu.memory_space<semaphore_mem>>) src(%arg17 : memref<112x128xf32, #tpu.memory_space<vmem>>) dst(%dma_wait3A_152 : memref<10112x128xf32, #tpu.memory_space<vmem_shared>>)
        tpu.yield
      }) : () -> ()
      %add3A_103 = arith.constant 2 : i32
      %add3A_104 = arith.addi %add3A_80, %add3A_103 : i32
      %lt3A_105 = arith.constant 90 : i32
      %lt3A_106 = arith.cmpi slt, %add3A_104, %lt3A_105 : i32
      %convert_element_type3A_107 = arith.extui %lt3A_106 : i1 to i32
      %cond3A_108 = arith.constant 0 : i32
      %cond3A_109 = arith.cmpi ne, %convert_element_type3A_107, %cond3A_108 : i32
      scf.if %cond3A_109 {
        %add3A_147 = arith.constant 2 : i32
        %add3A_148 = arith.addi %add3A_80, %add3A_147 : i32
        %mul3A_149 = arith.constant 112 : i32
        %mul3A_150 = arith.muli %add3A_148, %mul3A_149 : i32
        %add3A_151 = arith.addi %mul3A_4, %mul3A_150 : i32
        %multiple_of3A_152 = tpu.assume_multiple %add3A_151, 8 : i32
        %dma_start3A_153 = tpu.memref_slice %arg3[%multiple_of3A_152] : memref<322560xi32, #tpu.memory_space<hbm>> -> memref<112xi32, #tpu.memory_space<hbm>>
        %dma_start3A_154 = tpu.memref_slice %arg3[%multiple_of3A_152] : memref<322560xi32, #tpu.memory_space<hbm>> -> memref<112xi32, #tpu.memory_space<hbm>>
        tpu.enqueue_dma source(%dma_start3A_154 : memref<112xi32, #tpu.memory_space<hbm>>) target(%arg15 : memref<112xi32, #tpu.memory_space<vmem>>) target_semaphore(%arg21 : memref<!tpu.dma_semaphore, #tpu.memory_space<semaphore_mem>>)
      } else {
      }
      %mul3A_110 = arith.constant 2 : i32
      %mul3A_111 = arith.muli %mul3A_110, %scan3A_76 : i32
      %add3A_112 = arith.constant 1 : i32
      %add3A_113 = arith.addi %mul3A_111, %add3A_112 : i32
      %mul3A_114 = arith.constant 112 : i32
      %mul3A_115 = arith.muli %add3A_113, %mul3A_114 : i32
      %multiple_of3A_116 = tpu.assume_multiple %mul3A_115, 8 : i32
      %dma_wait3A_117 = tpu.memref_slice %arg13[%multiple_of3A_116] : memref<10080xi32, #tpu.memory_space<vmem>> -> memref<112xi32, #tpu.memory_space<vmem>>
      %dma_wait3A_118 = arith.constant 0 : i32
      %dma_wait3A_119 = arith.constant 0 : i32
      %dma_wait3A_120 = tpu.memref_slice %arg5[%dma_wait3A_118, %dma_wait3A_119] : memref<10000x128xf32, #tpu.memory_space<hbm>> -> memref<10000x128xf32, #tpu.memory_space<hbm>>
      tpu.wait_indirect_dma semaphore(%arg20 : memref<!tpu.dma_semaphore, #tpu.memory_space<semaphore_mem>>) src(%dma_wait3A_120 : memref<10000x128xf32, #tpu.memory_space<hbm>>) dst(%arg18 : memref<112x128xf32, #tpu.memory_space<vmem>>)
      %add3A_121 = arith.constant 1 : i32
      %add3A_122 = arith.addi %add3A_113, %add3A_121 : i32
      %lt3A_123 = arith.constant 90 : i32
      %lt3A_124 = arith.cmpi slt, %add3A_122, %lt3A_123 : i32
      %convert_element_type3A_125 = arith.extui %lt3A_124 : i1 to i32
      %cond3A_126 = arith.constant 0 : i32
      %cond3A_127 = arith.cmpi ne, %convert_element_type3A_125, %cond3A_126 : i32
      scf.if %cond3A_127 {
        %add3A_147 = arith.constant 1 : i32
        %add3A_148 = arith.addi %add3A_113, %add3A_147 : i32
        %mul3A_149 = arith.constant 112 : i32
        %mul3A_150 = arith.muli %add3A_148, %mul3A_149 : i32
        %multiple_of3A_151 = tpu.assume_multiple %mul3A_150, 8 : i32
        %dma_start3A_152 = tpu.memref_slice %arg13[%multiple_of3A_151] : memref<10080xi32, #tpu.memory_space<vmem>> -> memref<112xi32, #tpu.memory_space<vmem>>
        %dma_start3A_153 = arith.constant 0 : i32
        %dma_start3A_154 = arith.constant 0 : i32
        %dma_start3A_155 = tpu.memref_slice %arg5[%dma_start3A_153, %dma_start3A_154] : memref<10000x128xf32, #tpu.memory_space<hbm>> -> memref<10000x128xf32, #tpu.memory_space<hbm>>
        tpu.enqueue_indirect_dma source(%dma_start3A_155 : memref<10000x128xf32, #tpu.memory_space<hbm>>) target(%arg17 : memref<112x128xf32, #tpu.memory_space<vmem>>) offsets(%dma_start3A_152 : memref<112xi32, #tpu.memory_space<vmem>>) semaphore(%arg19 : memref<!tpu.dma_semaphore, #tpu.memory_space<semaphore_mem>>)
      } else {
      }
      %scan3A_128 = arith.constant 0 : i32
      %scan3A_129 = arith.constant 0 : i32
      %scan3A_130 = arith.constant 112 : i32
      %scan3A_131 = arith.addi %scan3A_129, %scan3A_130 : i32
      %scan3A_132 = arith.constant 4 : i32
      scf.for %scan3A_147 = %scan3A_129 to %scan3A_131 step %scan3A_132  : i32 {
        %mul3A_148 = arith.constant 112 : i32
        %mul3A_149 = arith.muli %add3A_113, %mul3A_148 : i32
        %add3A_150 = arith.addi %mul3A_149, %scan3A_147 : i32
        %broadcast_in_dim3A = vector.broadcast %add3A_150 : i32 to vector<16xi32>
        %gather3A = tpu.vector_load_idx %arg14[%broadcast_in_dim3A] : memref<10080xf32, #tpu.memory_space<vmem>>[vector<16xi32>], vector<16xf32>,
        %get3A = arith.index_cast %scan3A_147 : i32 to index
        %get3A_151 = arith.constant 0 : index
        %get3A_152 = tpu.vector_load %arg18[%get3A, %get3A_151] {strides = array<i32>} : memref<112x128xf32, #tpu.memory_space<vmem>>, vector<16xf32>,
        %mul3A_153 = arith.mulf %get3A_152, %gather3A : vector<16xf32>
        %swap3A = arith.index_cast %scan3A_147 : i32 to index
        %swap3A_154 = arith.constant 0 : index
        %swap3A_155 = tpu.vector_load %arg18[%swap3A, %swap3A_154] {strides = array<i32>} : memref<112x128xf32, #tpu.memory_space<vmem>>, vector<16xf32>,
        tpu.vector_store %arg18[%swap3A, %swap3A_154], %mul3A_153 {strides = array<i32>} : memref<112x128xf32, #tpu.memory_space<vmem>>, vector<16xf32>,
        %get3A_156 = arith.index_cast %scan3A_147 : i32 to index
        %get3A_157 = arith.constant 16 : index
        %get3A_158 = tpu.vector_load %arg18[%get3A_156, %get3A_157] {strides = array<i32>} : memref<112x128xf32, #tpu.memory_space<vmem>>, vector<16xf32>,
        %mul3A_159 = arith.mulf %get3A_158, %gather3A : vector<16xf32>
        %swap3A_160 = arith.index_cast %scan3A_147 : i32 to index
        %swap3A_161 = arith.constant 16 : index
        %swap3A_162 = tpu.vector_load %arg18[%swap3A_160, %swap3A_161] {strides = array<i32>} : memref<112x128xf32, #tpu.memory_space<vmem>>, vector<16xf32>,
        tpu.vector_store %arg18[%swap3A_160, %swap3A_161], %mul3A_159 {strides = array<i32>} : memref<112x128xf32, #tpu.memory_space<vmem>>, vector<16xf32>,
        %get3A_163 = arith.index_cast %scan3A_147 : i32 to index
        %get3A_164 = arith.constant 32 : index
        %get3A_165 = tpu.vector_load %arg18[%get3A_163, %get3A_164] {strides = array<i32>} : memref<112x128xf32, #tpu.memory_space<vmem>>, vector<16xf32>,
        %mul3A_166 = arith.mulf %get3A_165, %gather3A : vector<16xf32>
        %swap3A_167 = arith.index_cast %scan3A_147 : i32 to index
        %swap3A_168 = arith.constant 32 : index
        %swap3A_169 = tpu.vector_load %arg18[%swap3A_167, %swap3A_168] {strides = array<i32>} : memref<112x128xf32, #tpu.memory_space<vmem>>, vector<16xf32>,
        tpu.vector_store %arg18[%swap3A_167, %swap3A_168], %mul3A_166 {strides = array<i32>} : memref<112x128xf32, #tpu.memory_space<vmem>>, vector<16xf32>,
        %get3A_170 = arith.index_cast %scan3A_147 : i32 to index
        %get3A_171 = arith.constant 48 : index
        %get3A_172 = tpu.vector_load %arg18[%get3A_170, %get3A_171] {strides = array<i32>} : memref<112x128xf32, #tpu.memory_space<vmem>>, vector<16xf32>,
        %mul3A_173 = arith.mulf %get3A_172, %gather3A : vector<16xf32>
        %swap3A_174 = arith.index_cast %scan3A_147 : i32 to index
        %swap3A_175 = arith.constant 48 : index
        %swap3A_176 = tpu.vector_load %arg18[%swap3A_174, %swap3A_175] {strides = array<i32>} : memref<112x128xf32, #tpu.memory_space<vmem>>, vector<16xf32>,
        tpu.vector_store %arg18[%swap3A_174, %swap3A_175], %mul3A_173 {strides = array<i32>} : memref<112x128xf32, #tpu.memory_space<vmem>>, vector<16xf32>,
        %get3A_177 = arith.index_cast %scan3A_147 : i32 to index
        %get3A_178 = arith.constant 64 : index
        %get3A_179 = tpu.vector_load %arg18[%get3A_177, %get3A_178] {strides = array<i32>} : memref<112x128xf32, #tpu.memory_space<vmem>>, vector<16xf32>,
        %mul3A_180 = arith.mulf %get3A_179, %gather3A : vector<16xf32>
        %swap3A_181 = arith.index_cast %scan3A_147 : i32 to index
        %swap3A_182 = arith.constant 64 : index
        %swap3A_183 = tpu.vector_load %arg18[%swap3A_181, %swap3A_182] {strides = array<i32>} : memref<112x128xf32, #tpu.memory_space<vmem>>, vector<16xf32>,
        tpu.vector_store %arg18[%swap3A_181, %swap3A_182], %mul3A_180 {strides = array<i32>} : memref<112x128xf32, #tpu.memory_space<vmem>>, vector<16xf32>,
        %get3A_184 = arith.index_cast %scan3A_147 : i32 to index
        %get3A_185 = arith.constant 80 : index
        %get3A_186 = tpu.vector_load %arg18[%get3A_184, %get3A_185] {strides = array<i32>} : memref<112x128xf32, #tpu.memory_space<vmem>>, vector<16xf32>,
        %mul3A_187 = arith.mulf %get3A_186, %gather3A : vector<16xf32>
        %swap3A_188 = arith.index_cast %scan3A_147 : i32 to index
        %swap3A_189 = arith.constant 80 : index
        %swap3A_190 = tpu.vector_load %arg18[%swap3A_188, %swap3A_189] {strides = array<i32>} : memref<112x128xf32, #tpu.memory_space<vmem>>, vector<16xf32>,
        tpu.vector_store %arg18[%swap3A_188, %swap3A_189], %mul3A_187 {strides = array<i32>} : memref<112x128xf32, #tpu.memory_space<vmem>>, vector<16xf32>,
        %get3A_191 = arith.index_cast %scan3A_147 : i32 to index
        %get3A_192 = arith.constant 96 : index
        %get3A_193 = tpu.vector_load %arg18[%get3A_191, %get3A_192] {strides = array<i32>} : memref<112x128xf32, #tpu.memory_space<vmem>>, vector<16xf32>,
        %mul3A_194 = arith.mulf %get3A_193, %gather3A : vector<16xf32>
        %swap3A_195 = arith.index_cast %scan3A_147 : i32 to index
        %swap3A_196 = arith.constant 96 : index
        %swap3A_197 = tpu.vector_load %arg18[%swap3A_195, %swap3A_196] {strides = array<i32>} : memref<112x128xf32, #tpu.memory_space<vmem>>, vector<16xf32>,
        tpu.vector_store %arg18[%swap3A_195, %swap3A_196], %mul3A_194 {strides = array<i32>} : memref<112x128xf32, #tpu.memory_space<vmem>>, vector<16xf32>,
        %get3A_198 = arith.index_cast %scan3A_147 : i32 to index
        %get3A_199 = arith.constant 112 : index
        %get3A_200 = tpu.vector_load %arg18[%get3A_198, %get3A_199] {strides = array<i32>} : memref<112x128xf32, #tpu.memory_space<vmem>>, vector<16xf32>,
        %mul3A_201 = arith.mulf %get3A_200, %gather3A : vector<16xf32>
        %swap3A_202 = arith.index_cast %scan3A_147 : i32 to index
        %swap3A_203 = arith.constant 112 : index
        %swap3A_204 = tpu.vector_load %arg18[%swap3A_202, %swap3A_203] {strides = array<i32>} : memref<112x128xf32, #tpu.memory_space<vmem>>, vector<16xf32>,
        tpu.vector_store %arg18[%swap3A_202, %swap3A_203], %mul3A_201 {strides = array<i32>} : memref<112x128xf32, #tpu.memory_space<vmem>>, vector<16xf32>,
        %scan3A_205 = arith.constant 1 : i32
        %scan3A_206 = arith.addi %scan3A_147, %scan3A_205 : i32
        %mul3A_207 = arith.constant 112 : i32
        %mul3A_208 = arith.muli %add3A_113, %mul3A_207 : i32
        %add3A_209 = arith.addi %mul3A_208, %scan3A_206 : i32
        %broadcast_in_dim3A_210 = vector.broadcast %add3A_209 : i32 to vector<16xi32>
        %gather3A_211 = tpu.vector_load_idx %arg14[%broadcast_in_dim3A_210] : memref<10080xf32, #tpu.memory_space<vmem>>[vector<16xi32>], vector<16xf32>,
        %get3A_212 = arith.index_cast %scan3A_206 : i32 to index
        %get3A_213 = arith.constant 0 : index
        %get3A_214 = tpu.vector_load %arg18[%get3A_212, %get3A_213] {strides = array<i32>} : memref<112x128xf32, #tpu.memory_space<vmem>>, vector<16xf32>,
        %mul3A_215 = arith.mulf %get3A_214, %gather3A_211 : vector<16xf32>
        %swap3A_216 = arith.index_cast %scan3A_206 : i32 to index
        %swap3A_217 = arith.constant 0 : index
        %swap3A_218 = tpu.vector_load %arg18[%swap3A_216, %swap3A_217] {strides = array<i32>} : memref<112x128xf32, #tpu.memory_space<vmem>>, vector<16xf32>,
        tpu.vector_store %arg18[%swap3A_216, %swap3A_217], %mul3A_215 {strides = array<i32>} : memref<112x128xf32, #tpu.memory_space<vmem>>, vector<16xf32>,
        %get3A_219 = arith.index_cast %scan3A_206 : i32 to index
        %get3A_220 = arith.constant 16 : index
        %get3A_221 = tpu.vector_load %arg18[%get3A_219, %get3A_220] {strides = array<i32>} : memref<112x128xf32, #tpu.memory_space<vmem>>, vector<16xf32>,
        %mul3A_222 = arith.mulf %get3A_221, %gather3A_211 : vector<16xf32>
        %swap3A_223 = arith.index_cast %scan3A_206 : i32 to index
        %swap3A_224 = arith.constant 16 : index
        %swap3A_225 = tpu.vector_load %arg18[%swap3A_223, %swap3A_224] {strides = array<i32>} : memref<112x128xf32, #tpu.memory_space<vmem>>, vector<16xf32>,
        tpu.vector_store %arg18[%swap3A_223, %swap3A_224], %mul3A_222 {strides = array<i32>} : memref<112x128xf32, #tpu.memory_space<vmem>>, vector<16xf32>,
        %get3A_226 = arith.index_cast %scan3A_206 : i32 to index
        %get3A_227 = arith.constant 32 : index
        %get3A_228 = tpu.vector_load %arg18[%get3A_226, %get3A_227] {strides = array<i32>} : memref<112x128xf32, #tpu.memory_space<vmem>>, vector<16xf32>,
        %mul3A_229 = arith.mulf %get3A_228, %gather3A_211 : vector<16xf32>
        %swap3A_230 = arith.index_cast %scan3A_206 : i32 to index
        %swap3A_231 = arith.constant 32 : index
        %swap3A_232 = tpu.vector_load %arg18[%swap3A_230, %swap3A_231] {strides = array<i32>} : memref<112x128xf32, #tpu.memory_space<vmem>>, vector<16xf32>,
        tpu.vector_store %arg18[%swap3A_230, %swap3A_231], %mul3A_229 {strides = array<i32>} : memref<112x128xf32, #tpu.memory_space<vmem>>, vector<16xf32>,
        %get3A_233 = arith.index_cast %scan3A_206 : i32 to index
        %get3A_234 = arith.constant 48 : index
        %get3A_235 = tpu.vector_load %arg18[%get3A_233, %get3A_234] {strides = array<i32>} : memref<112x128xf32, #tpu.memory_space<vmem>>, vector<16xf32>,
        %mul3A_236 = arith.mulf %get3A_235, %gather3A_211 : vector<16xf32>
        %swap3A_237 = arith.index_cast %scan3A_206 : i32 to index
        %swap3A_238 = arith.constant 48 : index
        %swap3A_239 = tpu.vector_load %arg18[%swap3A_237, %swap3A_238] {strides = array<i32>} : memref<112x128xf32, #tpu.memory_space<vmem>>, vector<16xf32>,
        tpu.vector_store %arg18[%swap3A_237, %swap3A_238], %mul3A_236 {strides = array<i32>} : memref<112x128xf32, #tpu.memory_space<vmem>>, vector<16xf32>,
        %get3A_240 = arith.index_cast %scan3A_206 : i32 to index
        %get3A_241 = arith.constant 64 : index
        %get3A_242 = tpu.vector_load %arg18[%get3A_240, %get3A_241] {strides = array<i32>} : memref<112x128xf32, #tpu.memory_space<vmem>>, vector<16xf32>,
        %mul3A_243 = arith.mulf %get3A_242, %gather3A_211 : vector<16xf32>
        %swap3A_244 = arith.index_cast %scan3A_206 : i32 to index
        %swap3A_245 = arith.constant 64 : index
        %swap3A_246 = tpu.vector_load %arg18[%swap3A_244, %swap3A_245] {strides = array<i32>} : memref<112x128xf32, #tpu.memory_space<vmem>>, vector<16xf32>,
        tpu.vector_store %arg18[%swap3A_244, %swap3A_245], %mul3A_243 {strides = array<i32>} : memref<112x128xf32, #tpu.memory_space<vmem>>, vector<16xf32>,
        %get3A_247 = arith.index_cast %scan3A_206 : i32 to index
        %get3A_248 = arith.constant 80 : index
        %get3A_249 = tpu.vector_load %arg18[%get3A_247, %get3A_248] {strides = array<i32>} : memref<112x128xf32, #tpu.memory_space<vmem>>, vector<16xf32>,
        %mul3A_250 = arith.mulf %get3A_249, %gather3A_211 : vector<16xf32>
        %swap3A_251 = arith.index_cast %scan3A_206 : i32 to index
        %swap3A_252 = arith.constant 80 : index
        %swap3A_253 = tpu.vector_load %arg18[%swap3A_251, %swap3A_252] {strides = array<i32>} : memref<112x128xf32, #tpu.memory_space<vmem>>, vector<16xf32>,
        tpu.vector_store %arg18[%swap3A_251, %swap3A_252], %mul3A_250 {strides = array<i32>} : memref<112x128xf32, #tpu.memory_space<vmem>>, vector<16xf32>,
        %get3A_254 = arith.index_cast %scan3A_206 : i32 to index
        %get3A_255 = arith.constant 96 : index
        %get3A_256 = tpu.vector_load %arg18[%get3A_254, %get3A_255] {strides = array<i32>} : memref<112x128xf32, #tpu.memory_space<vmem>>, vector<16xf32>,
        %mul3A_257 = arith.mulf %get3A_256, %gather3A_211 : vector<16xf32>
        %swap3A_258 = arith.index_cast %scan3A_206 : i32 to index
        %swap3A_259 = arith.constant 96 : index
        %swap3A_260 = tpu.vector_load %arg18[%swap3A_258, %swap3A_259] {strides = array<i32>} : memref<112x128xf32, #tpu.memory_space<vmem>>, vector<16xf32>,
        tpu.vector_store %arg18[%swap3A_258, %swap3A_259], %mul3A_257 {strides = array<i32>} : memref<112x128xf32, #tpu.memory_space<vmem>>, vector<16xf32>,
        %get3A_261 = arith.index_cast %scan3A_206 : i32 to index
        %get3A_262 = arith.constant 112 : index
        %get3A_263 = tpu.vector_load %arg18[%get3A_261, %get3A_262] {strides = array<i32>} : memref<112x128xf32, #tpu.memory_space<vmem>>, vector<16xf32>,
        %mul3A_264 = arith.mulf %get3A_263, %gather3A_211 : vector<16xf32>
        %swap3A_265 = arith.index_cast %scan3A_206 : i32 to index
        %swap3A_266 = arith.constant 112 : index
        %swap3A_267 = tpu.vector_load %arg18[%swap3A_265, %swap3A_266] {strides = array<i32>} : memref<112x128xf32, #tpu.memory_space<vmem>>, vector<16xf32>,
        tpu.vector_store %arg18[%swap3A_265, %swap3A_266], %mul3A_264 {strides = array<i32>} : memref<112x128xf32, #tpu.memory_space<vmem>>, vector<16xf32>,
        %scan3A_268 = arith.constant 2 : i32
        %scan3A_269 = arith.addi %scan3A_147, %scan3A_268 : i32
        %mul3A_270 = arith.constant 112 : i32
        %mul3A_271 = arith.muli %add3A_113, %mul3A_270 : i32
        %add3A_272 = arith.addi %mul3A_271, %scan3A_269 : i32
        %broadcast_in_dim3A_273 = vector.broadcast %add3A_272 : i32 to vector<16xi32>
        %gather3A_274 = tpu.vector_load_idx %arg14[%broadcast_in_dim3A_273] : memref<10080xf32, #tpu.memory_space<vmem>>[vector<16xi32>], vector<16xf32>,
        %get3A_275 = arith.index_cast %scan3A_269 : i32 to index
        %get3A_276 = arith.constant 0 : index
        %get3A_277 = tpu.vector_load %arg18[%get3A_275, %get3A_276] {strides = array<i32>} : memref<112x128xf32, #tpu.memory_space<vmem>>, vector<16xf32>,
        %mul3A_278 = arith.mulf %get3A_277, %gather3A_274 : vector<16xf32>
        %swap3A_279 = arith.index_cast %scan3A_269 : i32 to index
        %swap3A_280 = arith.constant 0 : index
        %swap3A_281 = tpu.vector_load %arg18[%swap3A_279, %swap3A_280] {strides = array<i32>} : memref<112x128xf32, #tpu.memory_space<vmem>>, vector<16xf32>,
        tpu.vector_store %arg18[%swap3A_279, %swap3A_280], %mul3A_278 {strides = array<i32>} : memref<112x128xf32, #tpu.memory_space<vmem>>, vector<16xf32>,
        %get3A_282 = arith.index_cast %scan3A_269 : i32 to index
        %get3A_283 = arith.constant 16 : index
        %get3A_284 = tpu.vector_load %arg18[%get3A_282, %get3A_283] {strides = array<i32>} : memref<112x128xf32, #tpu.memory_space<vmem>>, vector<16xf32>,
        %mul3A_285 = arith.mulf %get3A_284, %gather3A_274 : vector<16xf32>
        %swap3A_286 = arith.index_cast %scan3A_269 : i32 to index
        %swap3A_287 = arith.constant 16 : index
        %swap3A_288 = tpu.vector_load %arg18[%swap3A_286, %swap3A_287] {strides = array<i32>} : memref<112x128xf32, #tpu.memory_space<vmem>>, vector<16xf32>,
        tpu.vector_store %arg18[%swap3A_286, %swap3A_287], %mul3A_285 {strides = array<i32>} : memref<112x128xf32, #tpu.memory_space<vmem>>, vector<16xf32>,
        %get3A_289 = arith.index_cast %scan3A_269 : i32 to index
        %get3A_290 = arith.constant 32 : index
        %get3A_291 = tpu.vector_load %arg18[%get3A_289, %get3A_290] {strides = array<i32>} : memref<112x128xf32, #tpu.memory_space<vmem>>, vector<16xf32>,
        %mul3A_292 = arith.mulf %get3A_291, %gather3A_274 : vector<16xf32>
        %swap3A_293 = arith.index_cast %scan3A_269 : i32 to index
        %swap3A_294 = arith.constant 32 : index
        %swap3A_295 = tpu.vector_load %arg18[%swap3A_293, %swap3A_294] {strides = array<i32>} : memref<112x128xf32, #tpu.memory_space<vmem>>, vector<16xf32>,
        tpu.vector_store %arg18[%swap3A_293, %swap3A_294], %mul3A_292 {strides = array<i32>} : memref<112x128xf32, #tpu.memory_space<vmem>>, vector<16xf32>,
        %get3A_296 = arith.index_cast %scan3A_269 : i32 to index
        %get3A_297 = arith.constant 48 : index
        %get3A_298 = tpu.vector_load %arg18[%get3A_296, %get3A_297] {strides = array<i32>} : memref<112x128xf32, #tpu.memory_space<vmem>>, vector<16xf32>,
        %mul3A_299 = arith.mulf %get3A_298, %gather3A_274 : vector<16xf32>
        %swap3A_300 = arith.index_cast %scan3A_269 : i32 to index
        %swap3A_301 = arith.constant 48 : index
        %swap3A_302 = tpu.vector_load %arg18[%swap3A_300, %swap3A_301] {strides = array<i32>} : memref<112x128xf32, #tpu.memory_space<vmem>>, vector<16xf32>,
        tpu.vector_store %arg18[%swap3A_300, %swap3A_301], %mul3A_299 {strides = array<i32>} : memref<112x128xf32, #tpu.memory_space<vmem>>, vector<16xf32>,
        %get3A_303 = arith.index_cast %scan3A_269 : i32 to index
        %get3A_304 = arith.constant 64 : index
        %get3A_305 = tpu.vector_load %arg18[%get3A_303, %get3A_304] {strides = array<i32>} : memref<112x128xf32, #tpu.memory_space<vmem>>, vector<16xf32>,
        %mul3A_306 = arith.mulf %get3A_305, %gather3A_274 : vector<16xf32>
        %swap3A_307 = arith.index_cast %scan3A_269 : i32 to index
        %swap3A_308 = arith.constant 64 : index
        %swap3A_309 = tpu.vector_load %arg18[%swap3A_307, %swap3A_308] {strides = array<i32>} : memref<112x128xf32, #tpu.memory_space<vmem>>, vector<16xf32>,
        tpu.vector_store %arg18[%swap3A_307, %swap3A_308], %mul3A_306 {strides = array<i32>} : memref<112x128xf32, #tpu.memory_space<vmem>>, vector<16xf32>,
        %get3A_310 = arith.index_cast %scan3A_269 : i32 to index
        %get3A_311 = arith.constant 80 : index
        %get3A_312 = tpu.vector_load %arg18[%get3A_310, %get3A_311] {strides = array<i32>} : memref<112x128xf32, #tpu.memory_space<vmem>>, vector<16xf32>,
        %mul3A_313 = arith.mulf %get3A_312, %gather3A_274 : vector<16xf32>
        %swap3A_314 = arith.index_cast %scan3A_269 : i32 to index
        %swap3A_315 = arith.constant 80 : index
        %swap3A_316 = tpu.vector_load %arg18[%swap3A_314, %swap3A_315] {strides = array<i32>} : memref<112x128xf32, #tpu.memory_space<vmem>>, vector<16xf32>,
        tpu.vector_store %arg18[%swap3A_314, %swap3A_315], %mul3A_313 {strides = array<i32>} : memref<112x128xf32, #tpu.memory_space<vmem>>, vector<16xf32>,
        %get3A_317 = arith.index_cast %scan3A_269 : i32 to index
        %get3A_318 = arith.constant 96 : index
        %get3A_319 = tpu.vector_load %arg18[%get3A_317, %get3A_318] {strides = array<i32>} : memref<112x128xf32, #tpu.memory_space<vmem>>, vector<16xf32>,
        %mul3A_320 = arith.mulf %get3A_319, %gather3A_274 : vector<16xf32>
        %swap3A_321 = arith.index_cast %scan3A_269 : i32 to index
        %swap3A_322 = arith.constant 96 : index
        %swap3A_323 = tpu.vector_load %arg18[%swap3A_321, %swap3A_322] {strides = array<i32>} : memref<112x128xf32, #tpu.memory_space<vmem>>, vector<16xf32>,
        tpu.vector_store %arg18[%swap3A_321, %swap3A_322], %mul3A_320 {strides = array<i32>} : memref<112x128xf32, #tpu.memory_space<vmem>>, vector<16xf32>,
        %get3A_324 = arith.index_cast %scan3A_269 : i32 to index
        %get3A_325 = arith.constant 112 : index
        %get3A_326 = tpu.vector_load %arg18[%get3A_324, %get3A_325] {strides = array<i32>} : memref<112x128xf32, #tpu.memory_space<vmem>>, vector<16xf32>,
        %mul3A_327 = arith.mulf %get3A_326, %gather3A_274 : vector<16xf32>
        %swap3A_328 = arith.index_cast %scan3A_269 : i32 to index
        %swap3A_329 = arith.constant 112 : index
        %swap3A_330 = tpu.vector_load %arg18[%swap3A_328, %swap3A_329] {strides = array<i32>} : memref<112x128xf32, #tpu.memory_space<vmem>>, vector<16xf32>,
        tpu.vector_store %arg18[%swap3A_328, %swap3A_329], %mul3A_327 {strides = array<i32>} : memref<112x128xf32, #tpu.memory_space<vmem>>, vector<16xf32>,
        %scan3A_331 = arith.constant 3 : i32
        %scan3A_332 = arith.addi %scan3A_147, %scan3A_331 : i32
        %mul3A_333 = arith.constant 112 : i32
        %mul3A_334 = arith.muli %add3A_113, %mul3A_333 : i32
        %add3A_335 = arith.addi %mul3A_334, %scan3A_332 : i32
        %broadcast_in_dim3A_336 = vector.broadcast %add3A_335 : i32 to vector<16xi32>
        %gather3A_337 = tpu.vector_load_idx %arg14[%broadcast_in_dim3A_336] : memref<10080xf32, #tpu.memory_space<vmem>>[vector<16xi32>], vector<16xf32>,
        %get3A_338 = arith.index_cast %scan3A_332 : i32 to index
        %get3A_339 = arith.constant 0 : index
        %get3A_340 = tpu.vector_load %arg18[%get3A_338, %get3A_339] {strides = array<i32>} : memref<112x128xf32, #tpu.memory_space<vmem>>, vector<16xf32>,
        %mul3A_341 = arith.mulf %get3A_340, %gather3A_337 : vector<16xf32>
        %swap3A_342 = arith.index_cast %scan3A_332 : i32 to index
        %swap3A_343 = arith.constant 0 : index
        %swap3A_344 = tpu.vector_load %arg18[%swap3A_342, %swap3A_343] {strides = array<i32>} : memref<112x128xf32, #tpu.memory_space<vmem>>, vector<16xf32>,
        tpu.vector_store %arg18[%swap3A_342, %swap3A_343], %mul3A_341 {strides = array<i32>} : memref<112x128xf32, #tpu.memory_space<vmem>>, vector<16xf32>,
        %get3A_345 = arith.index_cast %scan3A_332 : i32 to index
        %get3A_346 = arith.constant 16 : index
        %get3A_347 = tpu.vector_load %arg18[%get3A_345, %get3A_346] {strides = array<i32>} : memref<112x128xf32, #tpu.memory_space<vmem>>, vector<16xf32>,
        %mul3A_348 = arith.mulf %get3A_347, %gather3A_337 : vector<16xf32>
        %swap3A_349 = arith.index_cast %scan3A_332 : i32 to index
        %swap3A_350 = arith.constant 16 : index
        %swap3A_351 = tpu.vector_load %arg18[%swap3A_349, %swap3A_350] {strides = array<i32>} : memref<112x128xf32, #tpu.memory_space<vmem>>, vector<16xf32>,
        tpu.vector_store %arg18[%swap3A_349, %swap3A_350], %mul3A_348 {strides = array<i32>} : memref<112x128xf32, #tpu.memory_space<vmem>>, vector<16xf32>,
        %get3A_352 = arith.index_cast %scan3A_332 : i32 to index
        %get3A_353 = arith.constant 32 : index
        %get3A_354 = tpu.vector_load %arg18[%get3A_352, %get3A_353] {strides = array<i32>} : memref<112x128xf32, #tpu.memory_space<vmem>>, vector<16xf32>,
        %mul3A_355 = arith.mulf %get3A_354, %gather3A_337 : vector<16xf32>
        %swap3A_356 = arith.index_cast %scan3A_332 : i32 to index
        %swap3A_357 = arith.constant 32 : index
        %swap3A_358 = tpu.vector_load %arg18[%swap3A_356, %swap3A_357] {strides = array<i32>} : memref<112x128xf32, #tpu.memory_space<vmem>>, vector<16xf32>,
        tpu.vector_store %arg18[%swap3A_356, %swap3A_357], %mul3A_355 {strides = array<i32>} : memref<112x128xf32, #tpu.memory_space<vmem>>, vector<16xf32>,
        %get3A_359 = arith.index_cast %scan3A_332 : i32 to index
        %get3A_360 = arith.constant 48 : index
        %get3A_361 = tpu.vector_load %arg18[%get3A_359, %get3A_360] {strides = array<i32>} : memref<112x128xf32, #tpu.memory_space<vmem>>, vector<16xf32>,
        %mul3A_362 = arith.mulf %get3A_361, %gather3A_337 : vector<16xf32>
        %swap3A_363 = arith.index_cast %scan3A_332 : i32 to index
        %swap3A_364 = arith.constant 48 : index
        %swap3A_365 = tpu.vector_load %arg18[%swap3A_363, %swap3A_364] {strides = array<i32>} : memref<112x128xf32, #tpu.memory_space<vmem>>, vector<16xf32>,
        tpu.vector_store %arg18[%swap3A_363, %swap3A_364], %mul3A_362 {strides = array<i32>} : memref<112x128xf32, #tpu.memory_space<vmem>>, vector<16xf32>,
        %get3A_366 = arith.index_cast %scan3A_332 : i32 to index
        %get3A_367 = arith.constant 64 : index
        %get3A_368 = tpu.vector_load %arg18[%get3A_366, %get3A_367] {strides = array<i32>} : memref<112x128xf32, #tpu.memory_space<vmem>>, vector<16xf32>,
        %mul3A_369 = arith.mulf %get3A_368, %gather3A_337 : vector<16xf32>
        %swap3A_370 = arith.index_cast %scan3A_332 : i32 to index
        %swap3A_371 = arith.constant 64 : index
        %swap3A_372 = tpu.vector_load %arg18[%swap3A_370, %swap3A_371] {strides = array<i32>} : memref<112x128xf32, #tpu.memory_space<vmem>>, vector<16xf32>,
        tpu.vector_store %arg18[%swap3A_370, %swap3A_371], %mul3A_369 {strides = array<i32>} : memref<112x128xf32, #tpu.memory_space<vmem>>, vector<16xf32>,
        %get3A_373 = arith.index_cast %scan3A_332 : i32 to index
        %get3A_374 = arith.constant 80 : index
        %get3A_375 = tpu.vector_load %arg18[%get3A_373, %get3A_374] {strides = array<i32>} : memref<112x128xf32, #tpu.memory_space<vmem>>, vector<16xf32>,
        %mul3A_376 = arith.mulf %get3A_375, %gather3A_337 : vector<16xf32>
        %swap3A_377 = arith.index_cast %scan3A_332 : i32 to index
        %swap3A_378 = arith.constant 80 : index
        %swap3A_379 = tpu.vector_load %arg18[%swap3A_377, %swap3A_378] {strides = array<i32>} : memref<112x128xf32, #tpu.memory_space<vmem>>, vector<16xf32>,
        tpu.vector_store %arg18[%swap3A_377, %swap3A_378], %mul3A_376 {strides = array<i32>} : memref<112x128xf32, #tpu.memory_space<vmem>>, vector<16xf32>,
        %get3A_380 = arith.index_cast %scan3A_332 : i32 to index
        %get3A_381 = arith.constant 96 : index
        %get3A_382 = tpu.vector_load %arg18[%get3A_380, %get3A_381] {strides = array<i32>} : memref<112x128xf32, #tpu.memory_space<vmem>>, vector<16xf32>,
        %mul3A_383 = arith.mulf %get3A_382, %gather3A_337 : vector<16xf32>
        %swap3A_384 = arith.index_cast %scan3A_332 : i32 to index
        %swap3A_385 = arith.constant 96 : index
        %swap3A_386 = tpu.vector_load %arg18[%swap3A_384, %swap3A_385] {strides = array<i32>} : memref<112x128xf32, #tpu.memory_space<vmem>>, vector<16xf32>,
        tpu.vector_store %arg18[%swap3A_384, %swap3A_385], %mul3A_383 {strides = array<i32>} : memref<112x128xf32, #tpu.memory_space<vmem>>, vector<16xf32>,
        %get3A_387 = arith.index_cast %scan3A_332 : i32 to index
        %get3A_388 = arith.constant 112 : index
        %get3A_389 = tpu.vector_load %arg18[%get3A_387, %get3A_388] {strides = array<i32>} : memref<112x128xf32, #tpu.memory_space<vmem>>, vector<16xf32>,
        %mul3A_390 = arith.mulf %get3A_389, %gather3A_337 : vector<16xf32>
        %swap3A_391 = arith.index_cast %scan3A_332 : i32 to index
        %swap3A_392 = arith.constant 112 : index
        %swap3A_393 = tpu.vector_load %arg18[%swap3A_391, %swap3A_392] {strides = array<i32>} : memref<112x128xf32, #tpu.memory_space<vmem>>, vector<16xf32>,
        tpu.vector_store %arg18[%swap3A_391, %swap3A_392], %mul3A_390 {strides = array<i32>} : memref<112x128xf32, #tpu.memory_space<vmem>>, vector<16xf32>,
      }
      %scan3A_133 = arith.constant 112 : i32
      %mul3A_134 = arith.constant 112 : i32
      %mul3A_135 = arith.muli %add3A_113, %mul3A_134 : i32
      %add3A_136 = arith.addi %mul3A_4, %mul3A_135 : i32
      %multiple_of3A_137 = tpu.assume_multiple %add3A_136, 8 : i32
      %dma_wait3A_138 = tpu.memref_slice %arg3[%multiple_of3A_137] : memref<322560xi32, #tpu.memory_space<hbm>> -> memref<112xi32, #tpu.memory_space<hbm>>
      %dma_wait3A_139 = tpu.memref_slice %arg3[%multiple_of3A_137] : memref<322560xi32, #tpu.memory_space<hbm>> -> memref<112xi32, #tpu.memory_space<hbm>>
      tpu.wait_dma2 semaphore(%arg22 : memref<!tpu.dma_semaphore, #tpu.memory_space<semaphore_mem>>) src(%dma_wait3A_139 : memref<112xi32, #tpu.memory_space<hbm>>) dst(%arg16 : memref<112xi32, #tpu.memory_space<vmem>>)
      "tpu.region"() ({
        %run_scoped3A = tpu.sem_alloc : memref<!tpu.dma_semaphore, #tpu.memory_space<semaphore_mem>>
        %dma_start3A_147 = arith.constant 0 : i32
        %dma_start3A_148 = arith.constant 0 : i32
        %dma_start3A_149 = tpu.memref_slice %arg12[%dma_start3A_147, %dma_start3A_148] : memref<10112x128xf32, #tpu.memory_space<vmem_shared>> -> memref<10112x128xf32, #tpu.memory_space<vmem_shared>>
        tpu.enqueue_indirect_dma source(%arg18 : memref<112x128xf32, #tpu.memory_space<vmem>>) target(%dma_start3A_149 : memref<10112x128xf32, #tpu.memory_space<vmem_shared>>) offsets(%arg16 : memref<112xi32, #tpu.memory_space<vmem>>) semaphore(%run_scoped3A : memref<!tpu.dma_semaphore, #tpu.memory_space<semaphore_mem>>) {add = true}
        %dma_wait3A_150 = arith.constant 0 : i32
        %dma_wait3A_151 = arith.constant 0 : i32
        %dma_wait3A_152 = tpu.memref_slice %arg12[%dma_wait3A_150, %dma_wait3A_151] : memref<10112x128xf32, #tpu.memory_space<vmem_shared>> -> memref<10112x128xf32, #tpu.memory_space<vmem_shared>>
        tpu.wait_indirect_dma semaphore(%run_scoped3A : memref<!tpu.dma_semaphore, #tpu.memory_space<semaphore_mem>>) src(%arg18 : memref<112x128xf32, #tpu.memory_space<vmem>>) dst(%dma_wait3A_152 : memref<10112x128xf32, #tpu.memory_space<vmem_shared>>)
        tpu.yield
      }) : () -> ()
      %add3A_140 = arith.constant 2 : i32
      %add3A_141 = arith.addi %add3A_113, %add3A_140 : i32
      %lt3A_142 = arith.constant 90 : i32
      %lt3A_143 = arith.cmpi slt, %add3A_141, %lt3A_142 : i32
      %convert_element_type3A_144 = arith.extui %lt3A_143 : i1 to i32
      %cond3A_145 = arith.constant 0 : i32
      %cond3A_146 = arith.cmpi ne, %convert_element_type3A_144, %cond3A_145 : i32
      scf.if %cond3A_146 {
        %add3A_147 = arith.constant 2 : i32
        %add3A_148 = arith.addi %add3A_113, %add3A_147 : i32
        %mul3A_149 = arith.constant 112 : i32
        %mul3A_150 = arith.muli %add3A_148, %mul3A_149 : i32
        %add3A_151 = arith.addi %mul3A_4, %mul3A_150 : i32
        %multiple_of3A_152 = tpu.assume_multiple %add3A_151, 8 : i32
        %dma_start3A_153 = tpu.memref_slice %arg3[%multiple_of3A_152] : memref<322560xi32, #tpu.memory_space<hbm>> -> memref<112xi32, #tpu.memory_space<hbm>>
        %dma_start3A_154 = tpu.memref_slice %arg3[%multiple_of3A_152] : memref<322560xi32, #tpu.memory_space<hbm>> -> memref<112xi32, #tpu.memory_space<hbm>>
        tpu.enqueue_dma source(%dma_start3A_154 : memref<112xi32, #tpu.memory_space<hbm>>) target(%arg16 : memref<112xi32, #tpu.memory_space<vmem>>) target_semaphore(%arg22 : memref<!tpu.dma_semaphore, #tpu.memory_space<semaphore_mem>>)
      } else {
      }
    }
    %scan3A_23 = arith.constant 45 : i32
    %barrier3A_24 = arith.constant 0 : index
    tpu.barrier barrier_id(%barrier3A_24)
    "tpu.region"() ({
      %run_scoped3A = tpu.sem_alloc : memref<!tpu.dma_semaphore, #tpu.memory_space<semaphore_mem>>
      %dma_start3A_76 = arith.constant 0 : i32
      %dma_start3A_77 = tpu.memref_slice %arg9[%arg0, %mul3A_2, %dma_start3A_76] : memref<2x10112x128xf32, #tpu.memory_space<hbm>> -> memref<1x632x128xf32, #tpu.memory_space<hbm>>
      %dma_start3A_78 = tpu.memref_squeeze %dma_start3A_77 : memref<1x632x128xf32, #tpu.memory_space<hbm>> -> memref<632x128xf32, #tpu.memory_space<hbm>>
      %dma_start3A_79 = arith.constant 0 : i32
      %dma_start3A_80 = tpu.memref_slice %arg12[%mul3A_2, %dma_start3A_79] : memref<10112x128xf32, #tpu.memory_space<vmem_shared>> -> memref<632x128xf32, #tpu.memory_space<vmem_shared>>
      tpu.enqueue_dma source(%dma_start3A_80 : memref<632x128xf32, #tpu.memory_space<vmem_shared>>) target(%dma_start3A_78 : memref<632x128xf32, #tpu.memory_space<hbm>>) target_semaphore(%run_scoped3A : memref<!tpu.dma_semaphore, #tpu.memory_space<semaphore_mem>>)
      %dma_wait3A = arith.constant 0 : i32
      %dma_wait3A_81 = tpu.memref_slice %arg9[%arg0, %mul3A_2, %dma_wait3A] : memref<2x10112x128xf32, #tpu.memory_space<hbm>> -> memref<1x632x128xf32, #tpu.memory_space<hbm>>
      %dma_wait3A_82 = tpu.memref_squeeze %dma_wait3A_81 : memref<1x632x128xf32, #tpu.memory_space<hbm>> -> memref<632x128xf32, #tpu.memory_space<hbm>>
      %dma_wait3A_83 = arith.constant 0 : i32
      %dma_wait3A_84 = tpu.memref_slice %arg12[%mul3A_2, %dma_wait3A_83] : memref<10112x128xf32, #tpu.memory_space<vmem_shared>> -> memref<632x128xf32, #tpu.memory_space<vmem_shared>>
      tpu.wait_dma2 semaphore(%run_scoped3A : memref<!tpu.dma_semaphore, #tpu.memory_space<semaphore_mem>>) src(%dma_wait3A_84 : memref<632x128xf32, #tpu.memory_space<vmem_shared>>) dst(%dma_wait3A_82 : memref<632x128xf32, #tpu.memory_space<hbm>>)
      tpu.yield
    }) : () -> ()
    %barrier3A_25 = arith.constant 0 : index
    tpu.barrier barrier_id(%barrier3A_25)
    "tpu.region"() ({
      %run_scoped3A = tpu.sem_alloc : memref<!tpu.dma_semaphore, #tpu.memory_space<semaphore_mem>>
      %dma_start3A_76 = arith.constant 0 : i32
      %dma_start3A_77 = tpu.memref_slice %arg12[%mul3A_2, %dma_start3A_76] : memref<10112x128xf32, #tpu.memory_space<vmem_shared>> -> memref<632x128xf32, #tpu.memory_space<vmem_shared>>
      tpu.enqueue_dma source(%arg8 : memref<632x128xf32, #tpu.memory_space<hbm>>) target(%dma_start3A_77 : memref<632x128xf32, #tpu.memory_space<vmem_shared>>) target_semaphore(%run_scoped3A : memref<!tpu.dma_semaphore, #tpu.memory_space<semaphore_mem>>)
      %dma_wait3A = arith.constant 0 : i32
      %dma_wait3A_78 = tpu.memref_slice %arg12[%mul3A_2, %dma_wait3A] : memref<10112x128xf32, #tpu.memory_space<vmem_shared>> -> memref<632x128xf32, #tpu.memory_space<vmem_shared>>
      tpu.wait_dma2 semaphore(%run_scoped3A : memref<!tpu.dma_semaphore, #tpu.memory_space<semaphore_mem>>) src(%arg8 : memref<632x128xf32, #tpu.memory_space<hbm>>) dst(%dma_wait3A_78 : memref<632x128xf32, #tpu.memory_space<vmem_shared>>)
      tpu.yield
    }) : () -> ()
    %barrier3A_26 = arith.constant 0 : index
    tpu.barrier barrier_id(%barrier3A_26)
    %add3A_27 = arith.constant 0 : i32
    %add3A_28 = arith.addi %mul3A_4, %add3A_27 : i32
    %multiple_of3A_29 = tpu.assume_multiple %add3A_28, 8 : i32
    %dma_start3A_30 = tpu.memref_slice %arg3[%multiple_of3A_29] : memref<322560xi32, #tpu.memory_space<hbm>> -> memref<112xi32, #tpu.memory_space<hbm>>
    %dma_start3A_31 = tpu.memref_slice %arg3[%multiple_of3A_29] : memref<322560xi32, #tpu.memory_space<hbm>> -> memref<112xi32, #tpu.memory_space<hbm>>
    tpu.enqueue_dma source(%dma_start3A_31 : memref<112xi32, #tpu.memory_space<hbm>>) target(%arg15 : memref<112xi32, #tpu.memory_space<vmem>>) target_semaphore(%arg21 : memref<!tpu.dma_semaphore, #tpu.memory_space<semaphore_mem>>)
    %add3A_32 = arith.constant 112 : i32
    %add3A_33 = arith.addi %mul3A_4, %add3A_32 : i32
    %multiple_of3A_34 = tpu.assume_multiple %add3A_33, 8 : i32
    %dma_start3A_35 = tpu.memref_slice %arg3[%multiple_of3A_34] : memref<322560xi32, #tpu.memory_space<hbm>> -> memref<112xi32, #tpu.memory_space<hbm>>
    %dma_start3A_36 = tpu.memref_slice %arg3[%multiple_of3A_34] : memref<322560xi32, #tpu.memory_space<hbm>> -> memref<112xi32, #tpu.memory_space<hbm>>
    tpu.enqueue_dma source(%dma_start3A_36 : memref<112xi32, #tpu.memory_space<hbm>>) target(%arg16 : memref<112xi32, #tpu.memory_space<vmem>>) target_semaphore(%arg22 : memref<!tpu.dma_semaphore, #tpu.memory_space<semaphore_mem>>)
    %multiple_of3A_37 = arith.constant 0 : i32
    %multiple_of3A_38 = tpu.assume_multiple %multiple_of3A_37, 8 : i32
    %dma_start3A_39 = tpu.memref_slice %arg13[%multiple_of3A_38] : memref<10080xi32, #tpu.memory_space<vmem>> -> memref<112xi32, #tpu.memory_space<vmem>>
    %dma_start3A_40 = arith.constant 0 : i32
    %dma_start3A_41 = arith.constant 0 : i32
    %dma_start3A_42 = tpu.memref_slice %arg6[%dma_start3A_40, %dma_start3A_41] : memref<10000x128xf32, #tpu.memory_space<hbm>> -> memref<10000x128xf32, #tpu.memory_space<hbm>>
    tpu.enqueue_indirect_dma source(%dma_start3A_42 : memref<10000x128xf32, #tpu.memory_space<hbm>>) target(%arg17 : memref<112x128xf32, #tpu.memory_space<vmem>>) offsets(%dma_start3A_39 : memref<112xi32, #tpu.memory_space<vmem>>) semaphore(%arg19 : memref<!tpu.dma_semaphore, #tpu.memory_space<semaphore_mem>>)
    %scan3A_43 = arith.constant 0 : i32
    %scan3A_44 = arith.constant 0 : i32
    %scan3A_45 = arith.constant 45 : i32
    %scan3A_46 = arith.addi %scan3A_44, %scan3A_45 : i32
    %scan3A_47 = arith.constant 1 : i32
    scf.for %scan3A_76 = %scan3A_44 to %scan3A_46 step %scan3A_47  : i32 {
      %mul3A_77 = arith.constant 2 : i32
      %mul3A_78 = arith.muli %mul3A_77, %scan3A_76 : i32
      %add3A_79 = arith.constant 0 : i32
      %add3A_80 = arith.addi %mul3A_78, %add3A_79 : i32
      %mul3A_81 = arith.constant 112 : i32
      %mul3A_82 = arith.muli %add3A_80, %mul3A_81 : i32
      %multiple_of3A_83 = tpu.assume_multiple %mul3A_82, 8 : i32
      %dma_wait3A = tpu.memref_slice %arg13[%multiple_of3A_83] : memref<10080xi32, #tpu.memory_space<vmem>> -> memref<112xi32, #tpu.memory_space<vmem>>
      %dma_wait3A_84 = arith.constant 0 : i32
      %dma_wait3A_85 = arith.constant 0 : i32
      %dma_wait3A_86 = tpu.memref_slice %arg6[%dma_wait3A_84, %dma_wait3A_85] : memref<10000x128xf32, #tpu.memory_space<hbm>> -> memref<10000x128xf32, #tpu.memory_space<hbm>>
      tpu.wait_indirect_dma semaphore(%arg19 : memref<!tpu.dma_semaphore, #tpu.memory_space<semaphore_mem>>) src(%dma_wait3A_86 : memref<10000x128xf32, #tpu.memory_space<hbm>>) dst(%arg17 : memref<112x128xf32, #tpu.memory_space<vmem>>)
      %add3A_87 = arith.constant 1 : i32
      %add3A_88 = arith.addi %add3A_80, %add3A_87 : i32
      %lt3A = arith.constant 90 : i32
      %lt3A_89 = arith.cmpi slt, %add3A_88, %lt3A : i32
      %convert_element_type3A = arith.extui %lt3A_89 : i1 to i32
      %cond3A = arith.constant 0 : i32
      %cond3A_90 = arith.cmpi ne, %convert_element_type3A, %cond3A : i32
      scf.if %cond3A_90 {
        %add3A_135 = arith.constant 1 : i32
        %add3A_136 = arith.addi %add3A_80, %add3A_135 : i32
        %mul3A_137 = arith.constant 112 : i32
        %mul3A_138 = arith.muli %add3A_136, %mul3A_137 : i32
        %multiple_of3A_139 = tpu.assume_multiple %mul3A_138, 8 : i32
        %dma_start3A_140 = tpu.memref_slice %arg13[%multiple_of3A_139] : memref<10080xi32, #tpu.memory_space<vmem>> -> memref<112xi32, #tpu.memory_space<vmem>>
        %dma_start3A_141 = arith.constant 0 : i32
        %dma_start3A_142 = arith.constant 0 : i32
        %dma_start3A_143 = tpu.memref_slice %arg6[%dma_start3A_141, %dma_start3A_142] : memref<10000x128xf32, #tpu.memory_space<hbm>> -> memref<10000x128xf32, #tpu.memory_space<hbm>>
        tpu.enqueue_indirect_dma source(%dma_start3A_143 : memref<10000x128xf32, #tpu.memory_space<hbm>>) target(%arg18 : memref<112x128xf32, #tpu.memory_space<vmem>>) offsets(%dma_start3A_140 : memref<112xi32, #tpu.memory_space<vmem>>) semaphore(%arg20 : memref<!tpu.dma_semaphore, #tpu.memory_space<semaphore_mem>>)
      } else {
      }
      %mul3A_91 = arith.constant 112 : i32
      %mul3A_92 = arith.muli %add3A_80, %mul3A_91 : i32
      %add3A_93 = arith.addi %mul3A_4, %mul3A_92 : i32
      %multiple_of3A_94 = tpu.assume_multiple %add3A_93, 8 : i32
      %dma_wait3A_95 = tpu.memref_slice %arg3[%multiple_of3A_94] : memref<322560xi32, #tpu.memory_space<hbm>> -> memref<112xi32, #tpu.memory_space<hbm>>
      %dma_wait3A_96 = tpu.memref_slice %arg3[%multiple_of3A_94] : memref<322560xi32, #tpu.memory_space<hbm>> -> memref<112xi32, #tpu.memory_space<hbm>>
      tpu.wait_dma2 semaphore(%arg21 : memref<!tpu.dma_semaphore, #tpu.memory_space<semaphore_mem>>) src(%dma_wait3A_96 : memref<112xi32, #tpu.memory_space<hbm>>) dst(%arg15 : memref<112xi32, #tpu.memory_space<vmem>>)
      "tpu.region"() ({
        %run_scoped3A = tpu.sem_alloc : memref<!tpu.dma_semaphore, #tpu.memory_space<semaphore_mem>>
        %dma_start3A_135 = arith.constant 0 : i32
        %dma_start3A_136 = arith.constant 0 : i32
        %dma_start3A_137 = tpu.memref_slice %arg12[%dma_start3A_135, %dma_start3A_136] : memref<10112x128xf32, #tpu.memory_space<vmem_shared>> -> memref<10112x128xf32, #tpu.memory_space<vmem_shared>>
        tpu.enqueue_indirect_dma source(%arg17 : memref<112x128xf32, #tpu.memory_space<vmem>>) target(%dma_start3A_137 : memref<10112x128xf32, #tpu.memory_space<vmem_shared>>) offsets(%arg15 : memref<112xi32, #tpu.memory_space<vmem>>) semaphore(%run_scoped3A : memref<!tpu.dma_semaphore, #tpu.memory_space<semaphore_mem>>) {add = true}
        %dma_wait3A_138 = arith.constant 0 : i32
        %dma_wait3A_139 = arith.constant 0 : i32
        %dma_wait3A_140 = tpu.memref_slice %arg12[%dma_wait3A_138, %dma_wait3A_139] : memref<10112x128xf32, #tpu.memory_space<vmem_shared>> -> memref<10112x128xf32, #tpu.memory_space<vmem_shared>>
        tpu.wait_indirect_dma semaphore(%run_scoped3A : memref<!tpu.dma_semaphore, #tpu.memory_space<semaphore_mem>>) src(%arg17 : memref<112x128xf32, #tpu.memory_space<vmem>>) dst(%dma_wait3A_140 : memref<10112x128xf32, #tpu.memory_space<vmem_shared>>)
        tpu.yield
      }) : () -> ()
      %add3A_97 = arith.constant 2 : i32
      %add3A_98 = arith.addi %add3A_80, %add3A_97 : i32
      %lt3A_99 = arith.constant 90 : i32
      %lt3A_100 = arith.cmpi slt, %add3A_98, %lt3A_99 : i32
      %convert_element_type3A_101 = arith.extui %lt3A_100 : i1 to i32
      %cond3A_102 = arith.constant 0 : i32
      %cond3A_103 = arith.cmpi ne, %convert_element_type3A_101, %cond3A_102 : i32
      scf.if %cond3A_103 {
        %add3A_135 = arith.constant 2 : i32
        %add3A_136 = arith.addi %add3A_80, %add3A_135 : i32
        %mul3A_137 = arith.constant 112 : i32
        %mul3A_138 = arith.muli %add3A_136, %mul3A_137 : i32
        %add3A_139 = arith.addi %mul3A_4, %mul3A_138 : i32
        %multiple_of3A_140 = tpu.assume_multiple %add3A_139, 8 : i32
        %dma_start3A_141 = tpu.memref_slice %arg3[%multiple_of3A_140] : memref<322560xi32, #tpu.memory_space<hbm>> -> memref<112xi32, #tpu.memory_space<hbm>>
        %dma_start3A_142 = tpu.memref_slice %arg3[%multiple_of3A_140] : memref<322560xi32, #tpu.memory_space<hbm>> -> memref<112xi32, #tpu.memory_space<hbm>>
        tpu.enqueue_dma source(%dma_start3A_142 : memref<112xi32, #tpu.memory_space<hbm>>) target(%arg15 : memref<112xi32, #tpu.memory_space<vmem>>) target_semaphore(%arg21 : memref<!tpu.dma_semaphore, #tpu.memory_space<semaphore_mem>>)
      } else {
      }
      %mul3A_104 = arith.constant 2 : i32
      %mul3A_105 = arith.muli %mul3A_104, %scan3A_76 : i32
      %add3A_106 = arith.constant 1 : i32
      %add3A_107 = arith.addi %mul3A_105, %add3A_106 : i32
      %mul3A_108 = arith.constant 112 : i32
      %mul3A_109 = arith.muli %add3A_107, %mul3A_108 : i32
      %multiple_of3A_110 = tpu.assume_multiple %mul3A_109, 8 : i32
      %dma_wait3A_111 = tpu.memref_slice %arg13[%multiple_of3A_110] : memref<10080xi32, #tpu.memory_space<vmem>> -> memref<112xi32, #tpu.memory_space<vmem>>
      %dma_wait3A_112 = arith.constant 0 : i32
      %dma_wait3A_113 = arith.constant 0 : i32
      %dma_wait3A_114 = tpu.memref_slice %arg6[%dma_wait3A_112, %dma_wait3A_113] : memref<10000x128xf32, #tpu.memory_space<hbm>> -> memref<10000x128xf32, #tpu.memory_space<hbm>>
      tpu.wait_indirect_dma semaphore(%arg20 : memref<!tpu.dma_semaphore, #tpu.memory_space<semaphore_mem>>) src(%dma_wait3A_114 : memref<10000x128xf32, #tpu.memory_space<hbm>>) dst(%arg18 : memref<112x128xf32, #tpu.memory_space<vmem>>)
      %add3A_115 = arith.constant 1 : i32
      %add3A_116 = arith.addi %add3A_107, %add3A_115 : i32
      %lt3A_117 = arith.constant 90 : i32
      %lt3A_118 = arith.cmpi slt, %add3A_116, %lt3A_117 : i32
      %convert_element_type3A_119 = arith.extui %lt3A_118 : i1 to i32
      %cond3A_120 = arith.constant 0 : i32
      %cond3A_121 = arith.cmpi ne, %convert_element_type3A_119, %cond3A_120 : i32
      scf.if %cond3A_121 {
        %add3A_135 = arith.constant 1 : i32
        %add3A_136 = arith.addi %add3A_107, %add3A_135 : i32
        %mul3A_137 = arith.constant 112 : i32
        %mul3A_138 = arith.muli %add3A_136, %mul3A_137 : i32
        %multiple_of3A_139 = tpu.assume_multiple %mul3A_138, 8 : i32
        %dma_start3A_140 = tpu.memref_slice %arg13[%multiple_of3A_139] : memref<10080xi32, #tpu.memory_space<vmem>> -> memref<112xi32, #tpu.memory_space<vmem>>
        %dma_start3A_141 = arith.constant 0 : i32
        %dma_start3A_142 = arith.constant 0 : i32
        %dma_start3A_143 = tpu.memref_slice %arg6[%dma_start3A_141, %dma_start3A_142] : memref<10000x128xf32, #tpu.memory_space<hbm>> -> memref<10000x128xf32, #tpu.memory_space<hbm>>
        tpu.enqueue_indirect_dma source(%dma_start3A_143 : memref<10000x128xf32, #tpu.memory_space<hbm>>) target(%arg17 : memref<112x128xf32, #tpu.memory_space<vmem>>) offsets(%dma_start3A_140 : memref<112xi32, #tpu.memory_space<vmem>>) semaphore(%arg19 : memref<!tpu.dma_semaphore, #tpu.memory_space<semaphore_mem>>)
      } else {
      }
      %mul3A_122 = arith.constant 112 : i32
      %mul3A_123 = arith.muli %add3A_107, %mul3A_122 : i32
      %add3A_124 = arith.addi %mul3A_4, %mul3A_123 : i32
      %multiple_of3A_125 = tpu.assume_multiple %add3A_124, 8 : i32
      %dma_wait3A_126 = tpu.memref_slice %arg3[%multiple_of3A_125] : memref<322560xi32, #tpu.memory_space<hbm>> -> memref<112xi32, #tpu.memory_space<hbm>>
      %dma_wait3A_127 = tpu.memref_slice %arg3[%multiple_of3A_125] : memref<322560xi32, #tpu.memory_space<hbm>> -> memref<112xi32, #tpu.memory_space<hbm>>
      tpu.wait_dma2 semaphore(%arg22 : memref<!tpu.dma_semaphore, #tpu.memory_space<semaphore_mem>>) src(%dma_wait3A_127 : memref<112xi32, #tpu.memory_space<hbm>>) dst(%arg16 : memref<112xi32, #tpu.memory_space<vmem>>)
      "tpu.region"() ({
        %run_scoped3A = tpu.sem_alloc : memref<!tpu.dma_semaphore, #tpu.memory_space<semaphore_mem>>
        %dma_start3A_135 = arith.constant 0 : i32
        %dma_start3A_136 = arith.constant 0 : i32
        %dma_start3A_137 = tpu.memref_slice %arg12[%dma_start3A_135, %dma_start3A_136] : memref<10112x128xf32, #tpu.memory_space<vmem_shared>> -> memref<10112x128xf32, #tpu.memory_space<vmem_shared>>
        tpu.enqueue_indirect_dma source(%arg18 : memref<112x128xf32, #tpu.memory_space<vmem>>) target(%dma_start3A_137 : memref<10112x128xf32, #tpu.memory_space<vmem_shared>>) offsets(%arg16 : memref<112xi32, #tpu.memory_space<vmem>>) semaphore(%run_scoped3A : memref<!tpu.dma_semaphore, #tpu.memory_space<semaphore_mem>>) {add = true}
        %dma_wait3A_138 = arith.constant 0 : i32
        %dma_wait3A_139 = arith.constant 0 : i32
        %dma_wait3A_140 = tpu.memref_slice %arg12[%dma_wait3A_138, %dma_wait3A_139] : memref<10112x128xf32, #tpu.memory_space<vmem_shared>> -> memref<10112x128xf32, #tpu.memory_space<vmem_shared>>
        tpu.wait_indirect_dma semaphore(%run_scoped3A : memref<!tpu.dma_semaphore, #tpu.memory_space<semaphore_mem>>) src(%arg18 : memref<112x128xf32, #tpu.memory_space<vmem>>) dst(%dma_wait3A_140 : memref<10112x128xf32, #tpu.memory_space<vmem_shared>>)
        tpu.yield
      }) : () -> ()
      %add3A_128 = arith.constant 2 : i32
      %add3A_129 = arith.addi %add3A_107, %add3A_128 : i32
      %lt3A_130 = arith.constant 90 : i32
      %lt3A_131 = arith.cmpi slt, %add3A_129, %lt3A_130 : i32
      %convert_element_type3A_132 = arith.extui %lt3A_131 : i1 to i32
      %cond3A_133 = arith.constant 0 : i32
      %cond3A_134 = arith.cmpi ne, %convert_element_type3A_132, %cond3A_133 : i32
      scf.if %cond3A_134 {
        %add3A_135 = arith.constant 2 : i32
        %add3A_136 = arith.addi %add3A_107, %add3A_135 : i32
        %mul3A_137 = arith.constant 112 : i32
        %mul3A_138 = arith.muli %add3A_136, %mul3A_137 : i32
        %add3A_139 = arith.addi %mul3A_4, %mul3A_138 : i32
        %multiple_of3A_140 = tpu.assume_multiple %add3A_139, 8 : i32
        %dma_start3A_141 = tpu.memref_slice %arg3[%multiple_of3A_140] : memref<322560xi32, #tpu.memory_space<hbm>> -> memref<112xi32, #tpu.memory_space<hbm>>
        %dma_start3A_142 = tpu.memref_slice %arg3[%multiple_of3A_140] : memref<322560xi32, #tpu.memory_space<hbm>> -> memref<112xi32, #tpu.memory_space<hbm>>
        tpu.enqueue_dma source(%dma_start3A_142 : memref<112xi32, #tpu.memory_space<hbm>>) target(%arg16 : memref<112xi32, #tpu.memory_space<vmem>>) target_semaphore(%arg22 : memref<!tpu.dma_semaphore, #tpu.memory_space<semaphore_mem>>)
      } else {
      }
    }
    %scan3A_48 = arith.constant 45 : i32
    %barrier3A_49 = arith.constant 0 : index
    tpu.barrier barrier_id(%barrier3A_49)
    "tpu.region"() ({
      %run_scoped3A = tpu.sem_alloc : memref<!tpu.dma_semaphore, #tpu.memory_space<semaphore_mem>>
      %dma_start3A_76 = arith.constant 0 : i32
      %dma_start3A_77 = tpu.memref_slice %arg10[%arg0, %mul3A_2, %dma_start3A_76] : memref<2x10112x128xf32, #tpu.memory_space<hbm>> -> memref<1x632x128xf32, #tpu.memory_space<hbm>>
      %dma_start3A_78 = tpu.memref_squeeze %dma_start3A_77 : memref<1x632x128xf32, #tpu.memory_space<hbm>> -> memref<632x128xf32, #tpu.memory_space<hbm>>
      %dma_start3A_79 = arith.constant 0 : i32
      %dma_start3A_80 = tpu.memref_slice %arg12[%mul3A_2, %dma_start3A_79] : memref<10112x128xf32, #tpu.memory_space<vmem_shared>> -> memref<632x128xf32, #tpu.memory_space<vmem_shared>>
      tpu.enqueue_dma source(%dma_start3A_80 : memref<632x128xf32, #tpu.memory_space<vmem_shared>>) target(%dma_start3A_78 : memref<632x128xf32, #tpu.memory_space<hbm>>) target_semaphore(%run_scoped3A : memref<!tpu.dma_semaphore, #tpu.memory_space<semaphore_mem>>)
      %dma_wait3A = arith.constant 0 : i32
      %dma_wait3A_81 = tpu.memref_slice %arg10[%arg0, %mul3A_2, %dma_wait3A] : memref<2x10112x128xf32, #tpu.memory_space<hbm>> -> memref<1x632x128xf32, #tpu.memory_space<hbm>>
      %dma_wait3A_82 = tpu.memref_squeeze %dma_wait3A_81 : memref<1x632x128xf32, #tpu.memory_space<hbm>> -> memref<632x128xf32, #tpu.memory_space<hbm>>
      %dma_wait3A_83 = arith.constant 0 : i32
      %dma_wait3A_84 = tpu.memref_slice %arg12[%mul3A_2, %dma_wait3A_83] : memref<10112x128xf32, #tpu.memory_space<vmem_shared>> -> memref<632x128xf32, #tpu.memory_space<vmem_shared>>
      tpu.wait_dma2 semaphore(%run_scoped3A : memref<!tpu.dma_semaphore, #tpu.memory_space<semaphore_mem>>) src(%dma_wait3A_84 : memref<632x128xf32, #tpu.memory_space<vmem_shared>>) dst(%dma_wait3A_82 : memref<632x128xf32, #tpu.memory_space<hbm>>)
      tpu.yield
    }) : () -> ()
    %barrier3A_50 = arith.constant 0 : index
    tpu.barrier barrier_id(%barrier3A_50)
    "tpu.region"() ({
      %run_scoped3A = tpu.sem_alloc : memref<!tpu.dma_semaphore, #tpu.memory_space<semaphore_mem>>
      %dma_start3A_76 = arith.constant 0 : i32
      %dma_start3A_77 = tpu.memref_slice %arg12[%mul3A_2, %dma_start3A_76] : memref<10112x128xf32, #tpu.memory_space<vmem_shared>> -> memref<632x128xf32, #tpu.memory_space<vmem_shared>>
      tpu.enqueue_dma source(%arg8 : memref<632x128xf32, #tpu.memory_space<hbm>>) target(%dma_start3A_77 : memref<632x128xf32, #tpu.memory_space<vmem_shared>>) target_semaphore(%run_scoped3A : memref<!tpu.dma_semaphore, #tpu.memory_space<semaphore_mem>>)
      %dma_wait3A = arith.constant 0 : i32
      %dma_wait3A_78 = tpu.memref_slice %arg12[%mul3A_2, %dma_wait3A] : memref<10112x128xf32, #tpu.memory_space<vmem_shared>> -> memref<632x128xf32, #tpu.memory_space<vmem_shared>>
      tpu.wait_dma2 semaphore(%run_scoped3A : memref<!tpu.dma_semaphore, #tpu.memory_space<semaphore_mem>>) src(%arg8 : memref<632x128xf32, #tpu.memory_space<hbm>>) dst(%dma_wait3A_78 : memref<632x128xf32, #tpu.memory_space<vmem_shared>>)
      tpu.yield
    }) : () -> ()
    %barrier3A_51 = arith.constant 0 : index
    tpu.barrier barrier_id(%barrier3A_51)
    %add3A_52 = arith.constant 0 : i32
    %add3A_53 = arith.addi %mul3A_4, %add3A_52 : i32
    %multiple_of3A_54 = tpu.assume_multiple %add3A_53, 8 : i32
    %dma_start3A_55 = tpu.memref_slice %arg3[%multiple_of3A_54] : memref<322560xi32, #tpu.memory_space<hbm>> -> memref<112xi32, #tpu.memory_space<hbm>>
    %dma_start3A_56 = tpu.memref_slice %arg3[%multiple_of3A_54] : memref<322560xi32, #tpu.memory_space<hbm>> -> memref<112xi32, #tpu.memory_space<hbm>>
    tpu.enqueue_dma source(%dma_start3A_56 : memref<112xi32, #tpu.memory_space<hbm>>) target(%arg15 : memref<112xi32, #tpu.memory_space<vmem>>) target_semaphore(%arg21 : memref<!tpu.dma_semaphore, #tpu.memory_space<semaphore_mem>>)
    %add3A_57 = arith.constant 112 : i32
    %add3A_58 = arith.addi %mul3A_4, %add3A_57 : i32
    %multiple_of3A_59 = tpu.assume_multiple %add3A_58, 8 : i32
    %dma_start3A_60 = tpu.memref_slice %arg3[%multiple_of3A_59] : memref<322560xi32, #tpu.memory_space<hbm>> -> memref<112xi32, #tpu.memory_space<hbm>>
    %dma_start3A_61 = tpu.memref_slice %arg3[%multiple_of3A_59] : memref<322560xi32, #tpu.memory_space<hbm>> -> memref<112xi32, #tpu.memory_space<hbm>>
    tpu.enqueue_dma source(%dma_start3A_61 : memref<112xi32, #tpu.memory_space<hbm>>) target(%arg16 : memref<112xi32, #tpu.memory_space<vmem>>) target_semaphore(%arg22 : memref<!tpu.dma_semaphore, #tpu.memory_space<semaphore_mem>>)
    %multiple_of3A_62 = arith.constant 0 : i32
    %multiple_of3A_63 = tpu.assume_multiple %multiple_of3A_62, 8 : i32
    %dma_start3A_64 = tpu.memref_slice %arg13[%multiple_of3A_63] : memref<10080xi32, #tpu.memory_space<vmem>> -> memref<112xi32, #tpu.memory_space<vmem>>
    %dma_start3A_65 = arith.constant 0 : i32
    %dma_start3A_66 = arith.constant 0 : i32
    %dma_start3A_67 = tpu.memref_slice %arg7[%dma_start3A_65, %dma_start3A_66] : memref<10000x128xf32, #tpu.memory_space<hbm>> -> memref<10000x128xf32, #tpu.memory_space<hbm>>
    tpu.enqueue_indirect_dma source(%dma_start3A_67 : memref<10000x128xf32, #tpu.memory_space<hbm>>) target(%arg17 : memref<112x128xf32, #tpu.memory_space<vmem>>) offsets(%dma_start3A_64 : memref<112xi32, #tpu.memory_space<vmem>>) semaphore(%arg19 : memref<!tpu.dma_semaphore, #tpu.memory_space<semaphore_mem>>)
    %scan3A_68 = arith.constant 0 : i32
    %scan3A_69 = arith.constant 0 : i32
    %scan3A_70 = arith.constant 45 : i32
    %scan3A_71 = arith.addi %scan3A_69, %scan3A_70 : i32
    %scan3A_72 = arith.constant 1 : i32
    scf.for %scan3A_76 = %scan3A_69 to %scan3A_71 step %scan3A_72  : i32 {
      %mul3A_77 = arith.constant 2 : i32
      %mul3A_78 = arith.muli %mul3A_77, %scan3A_76 : i32
      %add3A_79 = arith.constant 0 : i32
      %add3A_80 = arith.addi %mul3A_78, %add3A_79 : i32
      %mul3A_81 = arith.constant 112 : i32
      %mul3A_82 = arith.muli %add3A_80, %mul3A_81 : i32
      %multiple_of3A_83 = tpu.assume_multiple %mul3A_82, 8 : i32
      %dma_wait3A = tpu.memref_slice %arg13[%multiple_of3A_83] : memref<10080xi32, #tpu.memory_space<vmem>> -> memref<112xi32, #tpu.memory_space<vmem>>
      %dma_wait3A_84 = arith.constant 0 : i32
      %dma_wait3A_85 = arith.constant 0 : i32
      %dma_wait3A_86 = tpu.memref_slice %arg7[%dma_wait3A_84, %dma_wait3A_85] : memref<10000x128xf32, #tpu.memory_space<hbm>> -> memref<10000x128xf32, #tpu.memory_space<hbm>>
      tpu.wait_indirect_dma semaphore(%arg19 : memref<!tpu.dma_semaphore, #tpu.memory_space<semaphore_mem>>) src(%dma_wait3A_86 : memref<10000x128xf32, #tpu.memory_space<hbm>>) dst(%arg17 : memref<112x128xf32, #tpu.memory_space<vmem>>)
      %add3A_87 = arith.constant 1 : i32
      %add3A_88 = arith.addi %add3A_80, %add3A_87 : i32
      %lt3A = arith.constant 90 : i32
      %lt3A_89 = arith.cmpi slt, %add3A_88, %lt3A : i32
      %convert_element_type3A = arith.extui %lt3A_89 : i1 to i32
      %cond3A = arith.constant 0 : i32
      %cond3A_90 = arith.cmpi ne, %convert_element_type3A, %cond3A : i32
      scf.if %cond3A_90 {
        %add3A_135 = arith.constant 1 : i32
        %add3A_136 = arith.addi %add3A_80, %add3A_135 : i32
        %mul3A_137 = arith.constant 112 : i32
        %mul3A_138 = arith.muli %add3A_136, %mul3A_137 : i32
        %multiple_of3A_139 = tpu.assume_multiple %mul3A_138, 8 : i32
        %dma_start3A_140 = tpu.memref_slice %arg13[%multiple_of3A_139] : memref<10080xi32, #tpu.memory_space<vmem>> -> memref<112xi32, #tpu.memory_space<vmem>>
        %dma_start3A_141 = arith.constant 0 : i32
        %dma_start3A_142 = arith.constant 0 : i32
        %dma_start3A_143 = tpu.memref_slice %arg7[%dma_start3A_141, %dma_start3A_142] : memref<10000x128xf32, #tpu.memory_space<hbm>> -> memref<10000x128xf32, #tpu.memory_space<hbm>>
        tpu.enqueue_indirect_dma source(%dma_start3A_143 : memref<10000x128xf32, #tpu.memory_space<hbm>>) target(%arg18 : memref<112x128xf32, #tpu.memory_space<vmem>>) offsets(%dma_start3A_140 : memref<112xi32, #tpu.memory_space<vmem>>) semaphore(%arg20 : memref<!tpu.dma_semaphore, #tpu.memory_space<semaphore_mem>>)
      } else {
      }
      %mul3A_91 = arith.constant 112 : i32
      %mul3A_92 = arith.muli %add3A_80, %mul3A_91 : i32
      %add3A_93 = arith.addi %mul3A_4, %mul3A_92 : i32
      %multiple_of3A_94 = tpu.assume_multiple %add3A_93, 8 : i32
      %dma_wait3A_95 = tpu.memref_slice %arg3[%multiple_of3A_94] : memref<322560xi32, #tpu.memory_space<hbm>> -> memref<112xi32, #tpu.memory_space<hbm>>
      %dma_wait3A_96 = tpu.memref_slice %arg3[%multiple_of3A_94] : memref<322560xi32, #tpu.memory_space<hbm>> -> memref<112xi32, #tpu.memory_space<hbm>>
      tpu.wait_dma2 semaphore(%arg21 : memref<!tpu.dma_semaphore, #tpu.memory_space<semaphore_mem>>) src(%dma_wait3A_96 : memref<112xi32, #tpu.memory_space<hbm>>) dst(%arg15 : memref<112xi32, #tpu.memory_space<vmem>>)
      "tpu.region"() ({
        %run_scoped3A = tpu.sem_alloc : memref<!tpu.dma_semaphore, #tpu.memory_space<semaphore_mem>>
        %dma_start3A_135 = arith.constant 0 : i32
        %dma_start3A_136 = arith.constant 0 : i32
        %dma_start3A_137 = tpu.memref_slice %arg12[%dma_start3A_135, %dma_start3A_136] : memref<10112x128xf32, #tpu.memory_space<vmem_shared>> -> memref<10112x128xf32, #tpu.memory_space<vmem_shared>>
        tpu.enqueue_indirect_dma source(%arg17 : memref<112x128xf32, #tpu.memory_space<vmem>>) target(%dma_start3A_137 : memref<10112x128xf32, #tpu.memory_space<vmem_shared>>) offsets(%arg15 : memref<112xi32, #tpu.memory_space<vmem>>) semaphore(%run_scoped3A : memref<!tpu.dma_semaphore, #tpu.memory_space<semaphore_mem>>) {add = true}
        %dma_wait3A_138 = arith.constant 0 : i32
        %dma_wait3A_139 = arith.constant 0 : i32
        %dma_wait3A_140 = tpu.memref_slice %arg12[%dma_wait3A_138, %dma_wait3A_139] : memref<10112x128xf32, #tpu.memory_space<vmem_shared>> -> memref<10112x128xf32, #tpu.memory_space<vmem_shared>>
        tpu.wait_indirect_dma semaphore(%run_scoped3A : memref<!tpu.dma_semaphore, #tpu.memory_space<semaphore_mem>>) src(%arg17 : memref<112x128xf32, #tpu.memory_space<vmem>>) dst(%dma_wait3A_140 : memref<10112x128xf32, #tpu.memory_space<vmem_shared>>)
        tpu.yield
      }) : () -> ()
      %add3A_97 = arith.constant 2 : i32
      %add3A_98 = arith.addi %add3A_80, %add3A_97 : i32
      %lt3A_99 = arith.constant 90 : i32
      %lt3A_100 = arith.cmpi slt, %add3A_98, %lt3A_99 : i32
      %convert_element_type3A_101 = arith.extui %lt3A_100 : i1 to i32
      %cond3A_102 = arith.constant 0 : i32
      %cond3A_103 = arith.cmpi ne, %convert_element_type3A_101, %cond3A_102 : i32
      scf.if %cond3A_103 {
        %add3A_135 = arith.constant 2 : i32
        %add3A_136 = arith.addi %add3A_80, %add3A_135 : i32
        %mul3A_137 = arith.constant 112 : i32
        %mul3A_138 = arith.muli %add3A_136, %mul3A_137 : i32
        %add3A_139 = arith.addi %mul3A_4, %mul3A_138 : i32
        %multiple_of3A_140 = tpu.assume_multiple %add3A_139, 8 : i32
        %dma_start3A_141 = tpu.memref_slice %arg3[%multiple_of3A_140] : memref<322560xi32, #tpu.memory_space<hbm>> -> memref<112xi32, #tpu.memory_space<hbm>>
        %dma_start3A_142 = tpu.memref_slice %arg3[%multiple_of3A_140] : memref<322560xi32, #tpu.memory_space<hbm>> -> memref<112xi32, #tpu.memory_space<hbm>>
        tpu.enqueue_dma source(%dma_start3A_142 : memref<112xi32, #tpu.memory_space<hbm>>) target(%arg15 : memref<112xi32, #tpu.memory_space<vmem>>) target_semaphore(%arg21 : memref<!tpu.dma_semaphore, #tpu.memory_space<semaphore_mem>>)
      } else {
      }
      %mul3A_104 = arith.constant 2 : i32
      %mul3A_105 = arith.muli %mul3A_104, %scan3A_76 : i32
      %add3A_106 = arith.constant 1 : i32
      %add3A_107 = arith.addi %mul3A_105, %add3A_106 : i32
      %mul3A_108 = arith.constant 112 : i32
      %mul3A_109 = arith.muli %add3A_107, %mul3A_108 : i32
      %multiple_of3A_110 = tpu.assume_multiple %mul3A_109, 8 : i32
      %dma_wait3A_111 = tpu.memref_slice %arg13[%multiple_of3A_110] : memref<10080xi32, #tpu.memory_space<vmem>> -> memref<112xi32, #tpu.memory_space<vmem>>
      %dma_wait3A_112 = arith.constant 0 : i32
      %dma_wait3A_113 = arith.constant 0 : i32
      %dma_wait3A_114 = tpu.memref_slice %arg7[%dma_wait3A_112, %dma_wait3A_113] : memref<10000x128xf32, #tpu.memory_space<hbm>> -> memref<10000x128xf32, #tpu.memory_space<hbm>>
      tpu.wait_indirect_dma semaphore(%arg20 : memref<!tpu.dma_semaphore, #tpu.memory_space<semaphore_mem>>) src(%dma_wait3A_114 : memref<10000x128xf32, #tpu.memory_space<hbm>>) dst(%arg18 : memref<112x128xf32, #tpu.memory_space<vmem>>)
      %add3A_115 = arith.constant 1 : i32
      %add3A_116 = arith.addi %add3A_107, %add3A_115 : i32
      %lt3A_117 = arith.constant 90 : i32
      %lt3A_118 = arith.cmpi slt, %add3A_116, %lt3A_117 : i32
      %convert_element_type3A_119 = arith.extui %lt3A_118 : i1 to i32
      %cond3A_120 = arith.constant 0 : i32
      %cond3A_121 = arith.cmpi ne, %convert_element_type3A_119, %cond3A_120 : i32
      scf.if %cond3A_121 {
        %add3A_135 = arith.constant 1 : i32
        %add3A_136 = arith.addi %add3A_107, %add3A_135 : i32
        %mul3A_137 = arith.constant 112 : i32
        %mul3A_138 = arith.muli %add3A_136, %mul3A_137 : i32
        %multiple_of3A_139 = tpu.assume_multiple %mul3A_138, 8 : i32
        %dma_start3A_140 = tpu.memref_slice %arg13[%multiple_of3A_139] : memref<10080xi32, #tpu.memory_space<vmem>> -> memref<112xi32, #tpu.memory_space<vmem>>
        %dma_start3A_141 = arith.constant 0 : i32
        %dma_start3A_142 = arith.constant 0 : i32
        %dma_start3A_143 = tpu.memref_slice %arg7[%dma_start3A_141, %dma_start3A_142] : memref<10000x128xf32, #tpu.memory_space<hbm>> -> memref<10000x128xf32, #tpu.memory_space<hbm>>
        tpu.enqueue_indirect_dma source(%dma_start3A_143 : memref<10000x128xf32, #tpu.memory_space<hbm>>) target(%arg17 : memref<112x128xf32, #tpu.memory_space<vmem>>) offsets(%dma_start3A_140 : memref<112xi32, #tpu.memory_space<vmem>>) semaphore(%arg19 : memref<!tpu.dma_semaphore, #tpu.memory_space<semaphore_mem>>)
      } else {
      }
      %mul3A_122 = arith.constant 112 : i32
      %mul3A_123 = arith.muli %add3A_107, %mul3A_122 : i32
      %add3A_124 = arith.addi %mul3A_4, %mul3A_123 : i32
      %multiple_of3A_125 = tpu.assume_multiple %add3A_124, 8 : i32
      %dma_wait3A_126 = tpu.memref_slice %arg3[%multiple_of3A_125] : memref<322560xi32, #tpu.memory_space<hbm>> -> memref<112xi32, #tpu.memory_space<hbm>>
      %dma_wait3A_127 = tpu.memref_slice %arg3[%multiple_of3A_125] : memref<322560xi32, #tpu.memory_space<hbm>> -> memref<112xi32, #tpu.memory_space<hbm>>
      tpu.wait_dma2 semaphore(%arg22 : memref<!tpu.dma_semaphore, #tpu.memory_space<semaphore_mem>>) src(%dma_wait3A_127 : memref<112xi32, #tpu.memory_space<hbm>>) dst(%arg16 : memref<112xi32, #tpu.memory_space<vmem>>)
      "tpu.region"() ({
        %run_scoped3A = tpu.sem_alloc : memref<!tpu.dma_semaphore, #tpu.memory_space<semaphore_mem>>
        %dma_start3A_135 = arith.constant 0 : i32
        %dma_start3A_136 = arith.constant 0 : i32
        %dma_start3A_137 = tpu.memref_slice %arg12[%dma_start3A_135, %dma_start3A_136] : memref<10112x128xf32, #tpu.memory_space<vmem_shared>> -> memref<10112x128xf32, #tpu.memory_space<vmem_shared>>
        tpu.enqueue_indirect_dma source(%arg18 : memref<112x128xf32, #tpu.memory_space<vmem>>) target(%dma_start3A_137 : memref<10112x128xf32, #tpu.memory_space<vmem_shared>>) offsets(%arg16 : memref<112xi32, #tpu.memory_space<vmem>>) semaphore(%run_scoped3A : memref<!tpu.dma_semaphore, #tpu.memory_space<semaphore_mem>>) {add = true}
        %dma_wait3A_138 = arith.constant 0 : i32
        %dma_wait3A_139 = arith.constant 0 : i32
        %dma_wait3A_140 = tpu.memref_slice %arg12[%dma_wait3A_138, %dma_wait3A_139] : memref<10112x128xf32, #tpu.memory_space<vmem_shared>> -> memref<10112x128xf32, #tpu.memory_space<vmem_shared>>
        tpu.wait_indirect_dma semaphore(%run_scoped3A : memref<!tpu.dma_semaphore, #tpu.memory_space<semaphore_mem>>) src(%arg18 : memref<112x128xf32, #tpu.memory_space<vmem>>) dst(%dma_wait3A_140 : memref<10112x128xf32, #tpu.memory_space<vmem_shared>>)
        tpu.yield
      }) : () -> ()
      %add3A_128 = arith.constant 2 : i32
      %add3A_129 = arith.addi %add3A_107, %add3A_128 : i32
      %lt3A_130 = arith.constant 90 : i32
      %lt3A_131 = arith.cmpi slt, %add3A_129, %lt3A_130 : i32
      %convert_element_type3A_132 = arith.extui %lt3A_131 : i1 to i32
      %cond3A_133 = arith.constant 0 : i32
      %cond3A_134 = arith.cmpi ne, %convert_element_type3A_132, %cond3A_133 : i32
      scf.if %cond3A_134 {
        %add3A_135 = arith.constant 2 : i32
        %add3A_136 = arith.addi %add3A_107, %add3A_135 : i32
        %mul3A_137 = arith.constant 112 : i32
        %mul3A_138 = arith.muli %add3A_136, %mul3A_137 : i32
        %add3A_139 = arith.addi %mul3A_4, %mul3A_138 : i32
        %multiple_of3A_140 = tpu.assume_multiple %add3A_139, 8 : i32
        %dma_start3A_141 = tpu.memref_slice %arg3[%multiple_of3A_140] : memref<322560xi32, #tpu.memory_space<hbm>> -> memref<112xi32, #tpu.memory_space<hbm>>
        %dma_start3A_142 = tpu.memref_slice %arg3[%multiple_of3A_140] : memref<322560xi32, #tpu.memory_space<hbm>> -> memref<112xi32, #tpu.memory_space<hbm>>
        tpu.enqueue_dma source(%dma_start3A_142 : memref<112xi32, #tpu.memory_space<hbm>>) target(%arg16 : memref<112xi32, #tpu.memory_space<vmem>>) target_semaphore(%arg22 : memref<!tpu.dma_semaphore, #tpu.memory_space<semaphore_mem>>)
      } else {
      }
    }
    %scan3A_73 = arith.constant 45 : i32
    %barrier3A_74 = arith.constant 0 : index
    tpu.barrier barrier_id(%barrier3A_74)
    "tpu.region"() ({
      %run_scoped3A = tpu.sem_alloc : memref<!tpu.dma_semaphore, #tpu.memory_space<semaphore_mem>>
      %dma_start3A_76 = arith.constant 0 : i32
      %dma_start3A_77 = tpu.memref_slice %arg11[%arg0, %mul3A_2, %dma_start3A_76] : memref<2x10112x128xf32, #tpu.memory_space<hbm>> -> memref<1x632x128xf32, #tpu.memory_space<hbm>>
      %dma_start3A_78 = tpu.memref_squeeze %dma_start3A_77 : memref<1x632x128xf32, #tpu.memory_space<hbm>> -> memref<632x128xf32, #tpu.memory_space<hbm>>
      %dma_start3A_79 = arith.constant 0 : i32
      %dma_start3A_80 = tpu.memref_slice %arg12[%mul3A_2, %dma_start3A_79] : memref<10112x128xf32, #tpu.memory_space<vmem_shared>> -> memref<632x128xf32, #tpu.memory_space<vmem_shared>>
      tpu.enqueue_dma source(%dma_start3A_80 : memref<632x128xf32, #tpu.memory_space<vmem_shared>>) target(%dma_start3A_78 : memref<632x128xf32, #tpu.memory_space<hbm>>) target_semaphore(%run_scoped3A : memref<!tpu.dma_semaphore, #tpu.memory_space<semaphore_mem>>)
      %dma_wait3A = arith.constant 0 : i32
      %dma_wait3A_81 = tpu.memref_slice %arg11[%arg0, %mul3A_2, %dma_wait3A] : memref<2x10112x128xf32, #tpu.memory_space<hbm>> -> memref<1x632x128xf32, #tpu.memory_space<hbm>>
      %dma_wait3A_82 = tpu.memref_squeeze %dma_wait3A_81 : memref<1x632x128xf32, #tpu.memory_space<hbm>> -> memref<632x128xf32, #tpu.memory_space<hbm>>
      %dma_wait3A_83 = arith.constant 0 : i32
      %dma_wait3A_84 = tpu.memref_slice %arg12[%mul3A_2, %dma_wait3A_83] : memref<10112x128xf32, #tpu.memory_space<vmem_shared>> -> memref<632x128xf32, #tpu.memory_space<vmem_shared>>
      tpu.wait_dma2 semaphore(%run_scoped3A : memref<!tpu.dma_semaphore, #tpu.memory_space<semaphore_mem>>) src(%dma_wait3A_84 : memref<632x128xf32, #tpu.memory_space<vmem_shared>>) dst(%dma_wait3A_82 : memref<632x128xf32, #tpu.memory_space<hbm>>)
      tpu.yield
    }) : () -> ()
    %barrier3A_75 = arith.constant 0 : index
    tpu.barrier barrier_id(%barrier3A_75)
    return
  }
}

module attributes {stable_mosaic.version = 14 : i64} {
  func.func @_pre_body(%arg0: memref<10000x128xf32, #tpu.memory_space<vmem>>, %arg1: memref<128x128xf32, #tpu.memory_space<vmem>>, %arg2: memref<1x128xf32, #tpu.memory_space<vmem>>, %arg3: memref<1x128xf32, #tpu.memory_space<vmem>>, %arg4: memref<128x128xf32, #tpu.memory_space<vmem>>, %arg5: memref<10000x128xf32, #tpu.memory_space<vmem>>, %arg6: memref<10000x1xf32, #tpu.memory_space<vmem>>, %arg7: memref<10000x1xf32, #tpu.memory_space<vmem>>, %arg8: memref<10000x128xf32, #tpu.memory_space<vmem>>) attributes {dimension_semantics = [], scalar_prefetch = 0 : i64, scratch_operands = 0 : i64, tpu.core_type = #tpu.core_type<tc>} {
    %get3A = arith.constant 0 : index
    %get3A_0 = arith.constant 0 : index
    %get3A_1 = vector.load %arg0[%get3A, %get3A_0] : memref<10000x128xf32, #tpu.memory_space<vmem>>, vector<10000x128xf32>
    %get3A_2 = arith.constant 0 : index
    %get3A_3 = arith.constant 0 : index
    %get3A_4 = vector.load %arg1[%get3A_2, %get3A_3] : memref<128x128xf32, #tpu.memory_space<vmem>>, vector<128x128xf32>
    %dot_general3A = arith.constant dense<0.000000e+00> : vector<10000x128xf32>
    %dot_general3A_5 = tpu.matmul %get3A_1, %get3A_4, %dot_general3A {dimension_numbers = #tpu.dot_dimension_numbers<[1], [0], [0], [1], [0, 0, 1, 1], [], []>, transpose_lhs_hint = false} : vector<10000x128xf32>, vector<128x128xf32>, vector<10000x128xf32> -> vector<10000x128xf32>
    %swap3A = arith.constant 0 : index
    %swap3A_6 = arith.constant 0 : index
    %swap3A_7 = vector.load %arg5[%swap3A, %swap3A_6] : memref<10000x128xf32, #tpu.memory_space<vmem>>, vector<10000x128xf32>
    tpu.vector_store %arg5[%swap3A, %swap3A_6], %dot_general3A_5 {strides = array<i32>} : memref<10000x128xf32, #tpu.memory_space<vmem>>, vector<10000x128xf32>,
    %get3A_8 = arith.constant 0 : index
    %get3A_9 = arith.constant 0 : index
    %get3A_10 = vector.load %arg2[%get3A_8, %get3A_9] : memref<1x128xf32, #tpu.memory_space<vmem>>, vector<1x128xf32>
    %mul3A = vector.broadcast %get3A_10 : vector<1x128xf32> to vector<10000x128xf32>
    %mul3A_11 = arith.mulf %dot_general3A_5, %mul3A : vector<10000x128xf32>
    %reduce_sum3A = arith.constant dense<0.000000e+00> : vector<10000xf32>
    %reduce_sum3A_12 = vector.multi_reduction <add>, %mul3A_11, %reduce_sum3A [1] : vector<10000x128xf32> to vector<10000xf32>
    %broadcast_in_dim3A = vector.shape_cast %reduce_sum3A_12 : vector<10000xf32> to vector<10000x1xf32>
    %swap3A_13 = arith.constant 0 : index
    %swap3A_14 = arith.constant 0 : index
    %swap3A_15 = vector.load %arg6[%swap3A_13, %swap3A_14] : memref<10000x1xf32, #tpu.memory_space<vmem>>, vector<10000x1xf32>
    tpu.vector_store %arg6[%swap3A_13, %swap3A_14], %broadcast_in_dim3A {strides = array<i32>} : memref<10000x1xf32, #tpu.memory_space<vmem>>, vector<10000x1xf32>,
    %get3A_16 = arith.constant 0 : index
    %get3A_17 = arith.constant 0 : index
    %get3A_18 = vector.load %arg3[%get3A_16, %get3A_17] : memref<1x128xf32, #tpu.memory_space<vmem>>, vector<1x128xf32>
    %mul3A_19 = vector.broadcast %get3A_18 : vector<1x128xf32> to vector<10000x128xf32>
    %mul3A_20 = arith.mulf %dot_general3A_5, %mul3A_19 : vector<10000x128xf32>
    %reduce_sum3A_21 = arith.constant dense<0.000000e+00> : vector<10000xf32>
    %reduce_sum3A_22 = vector.multi_reduction <add>, %mul3A_20, %reduce_sum3A_21 [1] : vector<10000x128xf32> to vector<10000xf32>
    %broadcast_in_dim3A_23 = vector.shape_cast %reduce_sum3A_22 : vector<10000xf32> to vector<10000x1xf32>
    %swap3A_24 = arith.constant 0 : index
    %swap3A_25 = arith.constant 0 : index
    %swap3A_26 = vector.load %arg7[%swap3A_24, %swap3A_25] : memref<10000x1xf32, #tpu.memory_space<vmem>>, vector<10000x1xf32>
    tpu.vector_store %arg7[%swap3A_24, %swap3A_25], %broadcast_in_dim3A_23 {strides = array<i32>} : memref<10000x1xf32, #tpu.memory_space<vmem>>, vector<10000x1xf32>,
    %get3A_27 = arith.constant 0 : index
    %get3A_28 = arith.constant 0 : index
    %get3A_29 = vector.load %arg4[%get3A_27, %get3A_28] : memref<128x128xf32, #tpu.memory_space<vmem>>, vector<128x128xf32>
    %dot_general3A_30 = arith.constant dense<0.000000e+00> : vector<10000x128xf32>
    %dot_general3A_31 = tpu.matmul %get3A_1, %get3A_29, %dot_general3A_30 {dimension_numbers = #tpu.dot_dimension_numbers<[1], [0], [0], [1], [0, 0, 1, 1], [], []>, transpose_lhs_hint = false} : vector<10000x128xf32>, vector<128x128xf32>, vector<10000x128xf32> -> vector<10000x128xf32>
    %swap3A_32 = arith.constant 0 : index
    %swap3A_33 = arith.constant 0 : index
    %swap3A_34 = vector.load %arg8[%swap3A_32, %swap3A_33] : memref<10000x128xf32, #tpu.memory_space<vmem>>, vector<10000x128xf32>
    tpu.vector_store %arg8[%swap3A_32, %swap3A_33], %dot_general3A_31 {strides = array<i32>} : memref<10000x128xf32, #tpu.memory_space<vmem>>, vector<10000x128xf32>,
    return
  }
}

module attributes {stable_mosaic.version = 14 : i64} {
  func.func @_mid_body(%arg0: memref<10000x32xf32, #tpu.memory_space<vmem>>, %arg1: memref<10000x32xf32, #tpu.memory_space<vmem>>, %arg2: memref<10000x1xf32, #tpu.memory_space<vmem>>, %arg3: memref<10000x1xf32, #tpu.memory_space<vmem>>, %arg4: memref<10000x128xf32, #tpu.memory_space<vmem>>, %arg5: memref<10000x128xf32, #tpu.memory_space<vmem>>, %arg6: memref<10000x1xf32, #tpu.memory_space<vmem>>, %arg7: memref<10000x1xf32, #tpu.memory_space<vmem>>, %arg8: memref<10000x1xf32, #tpu.memory_space<vmem>>) attributes {dimension_semantics = [], scalar_prefetch = 0 : i64, scratch_operands = 0 : i64, tpu.core_type = #tpu.core_type<tc>} {
    %get3A = arith.constant 0 : index
    %get3A_0 = arith.constant 0 : index
    %get3A_1 = vector.load %arg0[%get3A, %get3A_0] : memref<10000x32xf32, #tpu.memory_space<vmem>>, vector<10000x32xf32>
    %reduce_sum3A = arith.constant dense<0.000000e+00> : vector<10000xf32>
    %reduce_sum3A_2 = vector.multi_reduction <add>, %get3A_1, %reduce_sum3A [1] : vector<10000x32xf32> to vector<10000xf32>
    %broadcast_in_dim3A = vector.shape_cast %reduce_sum3A_2 : vector<10000xf32> to vector<10000x1xf32>
    %get3A_3 = arith.constant 0 : index
    %get3A_4 = arith.constant 0 : index
    %get3A_5 = vector.load %arg1[%get3A_3, %get3A_4] : memref<10000x32xf32, #tpu.memory_space<vmem>>, vector<10000x32xf32>
    %reduce_sum3A_6 = arith.constant dense<0.000000e+00> : vector<10000xf32>
    %reduce_sum3A_7 = vector.multi_reduction <add>, %get3A_5, %reduce_sum3A_6 [1] : vector<10000x32xf32> to vector<10000xf32>
    %broadcast_in_dim3A_8 = vector.shape_cast %reduce_sum3A_7 : vector<10000xf32> to vector<10000x1xf32>
    %add3A = arith.constant 1.000000e+00 : f32
    %add3A_9 = vector.broadcast %add3A : f32 to vector<10000x1xf32>
    %add3A_10 = arith.addf %broadcast_in_dim3A_8, %add3A_9 : vector<10000x1xf32>
    %get3A_11 = arith.constant 0 : index
    %get3A_12 = arith.constant 0 : index
    %get3A_13 = vector.load %arg2[%get3A_11, %get3A_12] : memref<10000x1xf32, #tpu.memory_space<vmem>>, vector<10000x1xf32>
    %get3A_14 = arith.constant 0 : index
    %get3A_15 = arith.constant 0 : index
    %get3A_16 = vector.load %arg3[%get3A_14, %get3A_15] : memref<10000x1xf32, #tpu.memory_space<vmem>>, vector<10000x1xf32>
    %add3A_17 = arith.addf %get3A_13, %get3A_16 : vector<10000x1xf32>
    %gt3A = arith.constant 0.000000e+00 : f32
    %gt3A_18 = vector.broadcast %gt3A : f32 to vector<10000x1xf32>
    %gt3A_19 = arith.cmpf ogt, %add3A_17, %gt3A_18 : vector<10000x1xf32>
    %mul3A = arith.constant 2.000000e-01 : f32
    %mul3A_20 = vector.broadcast %mul3A : f32 to vector<10000x1xf32>
    %mul3A_21 = arith.mulf %mul3A_20, %add3A_17 : vector<10000x1xf32>
    %select_n3A = arith.select %gt3A_19, %add3A_17, %mul3A_21 : vector<10000x1xi1>, vector<10000x1xf32>
    %exp3A = math.exp %select_n3A : vector<10000x1xf32>
    %swap3A = arith.constant 0 : index
    %swap3A_22 = arith.constant 0 : index
    %swap3A_23 = vector.load %arg8[%swap3A, %swap3A_22] : memref<10000x1xf32, #tpu.memory_space<vmem>>, vector<10000x1xf32>
    tpu.vector_store %arg8[%swap3A, %swap3A_22], %exp3A {strides = array<i32>} : memref<10000x1xf32, #tpu.memory_space<vmem>>, vector<10000x1xf32>,
    %add3A_24 = arith.addf %broadcast_in_dim3A, %exp3A : vector<10000x1xf32>
    %swap3A_25 = arith.constant 0 : index
    %swap3A_26 = arith.constant 0 : index
    %swap3A_27 = vector.load %arg6[%swap3A_25, %swap3A_26] : memref<10000x1xf32, #tpu.memory_space<vmem>>, vector<10000x1xf32>
    tpu.vector_store %arg6[%swap3A_25, %swap3A_26], %add3A_24 {strides = array<i32>} : memref<10000x1xf32, #tpu.memory_space<vmem>>, vector<10000x1xf32>,
    %rsqrt3A = math.rsqrt %add3A_10 : vector<10000x1xf32>
    %swap3A_28 = arith.constant 0 : index
    %swap3A_29 = arith.constant 0 : index
    %swap3A_30 = vector.load %arg7[%swap3A_28, %swap3A_29] : memref<10000x1xf32, #tpu.memory_space<vmem>>, vector<10000x1xf32>
    tpu.vector_store %arg7[%swap3A_28, %swap3A_29], %rsqrt3A {strides = array<i32>} : memref<10000x1xf32, #tpu.memory_space<vmem>>, vector<10000x1xf32>,
    %get3A_31 = arith.constant 0 : index
    %get3A_32 = arith.constant 0 : index
    %get3A_33 = vector.load %arg4[%get3A_31, %get3A_32] : memref<10000x128xf32, #tpu.memory_space<vmem>>, vector<10000x128xf32>
    %mul3A_34 = vector.broadcast %rsqrt3A : vector<10000x1xf32> to vector<10000x128xf32>
    %mul3A_35 = arith.mulf %get3A_33, %mul3A_34 : vector<10000x128xf32>
    %swap3A_36 = arith.constant 0 : index
    %swap3A_37 = arith.constant 0 : index
    %swap3A_38 = vector.load %arg5[%swap3A_36, %swap3A_37] : memref<10000x128xf32, #tpu.memory_space<vmem>>, vector<10000x128xf32>
    tpu.vector_store %arg5[%swap3A_36, %swap3A_37], %mul3A_35 {strides = array<i32>} : memref<10000x128xf32, #tpu.memory_space<vmem>>, vector<10000x128xf32>,
    return
  }
}

module attributes {stable_mosaic.version = 14 : i64} {
  func.func @_head1_body(%arg0: i32, %arg1: memref<2x2000x128xf32, #tpu.memory_space<vmem>>, %arg2: memref<2x2000x128xf32, #tpu.memory_space<vmem>>, %arg3: memref<2x2000x128xf32, #tpu.memory_space<vmem>>, %arg4: memref<2000x128xf32, #tpu.memory_space<vmem>>, %arg5: memref<2000x128xf32, #tpu.memory_space<vmem>>, %arg6: memref<2000x128xf32, #tpu.memory_space<vmem>>, %arg7: memref<2000x1xf32, #tpu.memory_space<vmem>>, %arg8: memref<2000x1xf32, #tpu.memory_space<vmem>>, %arg9: memref<2000x1xf32, #tpu.memory_space<vmem>>, %arg10: memref<1x128xf32, #tpu.memory_space<vmem>>, %arg11: memref<128x128xf32, #tpu.memory_space<vmem>>, %arg12: memref<1x128xf32, #tpu.memory_space<vmem>>, %arg13: memref<128x128xf32, #tpu.memory_space<vmem>>, %arg14: memref<1x128xf32, #tpu.memory_space<vmem>>, %arg15: memref<1x128xf32, #tpu.memory_space<vmem>>, %arg16: memref<2000x384xf32, #tpu.memory_space<vmem>>, %arg17: memref<2x384xf32, #tpu.memory_space<vmem>>) attributes {dimension_semantics = [#tpu.dimension_semantics<arbitrary>], iteration_bounds = array<i64: 5>, scalar_prefetch = 0 : i64, scratch_operands = 0 : i64, tpu.core_type = #tpu.core_type<tc>, window_params = [{transform_indices = @transform_0, window_bounds = array<i64: 2, 2000, 128>}, {transform_indices = @transform_1, window_bounds = array<i64: 2, 2000, 128>}, {transform_indices = @transform_2, window_bounds = array<i64: 2, 2000, 128>}, {transform_indices = @transform_3, window_bounds = array<i64: 2000, 128>}, {transform_indices = @transform_4, window_bounds = array<i64: 2000, 128>}, {transform_indices = @transform_5, window_bounds = array<i64: 2000, 128>}, {transform_indices = @transform_6, window_bounds = array<i64: 2000, 1>}, {transform_indices = @transform_7, window_bounds = array<i64: 2000, 1>}, {transform_indices = @transform_8, window_bounds = array<i64: 2000, 1>}, {pipeline_mode = #tpu.pipeline_mode<synchronous>, transform_indices = @transform_9, window_bounds = array<i64: 1, 128>}, {pipeline_mode = #tpu.pipeline_mode<synchronous>, transform_indices = @transform_10, window_bounds = array<i64: 128, 128>}, {pipeline_mode = #tpu.pipeline_mode<synchronous>, transform_indices = @transform_11, window_bounds = array<i64: 1, 128>}, {pipeline_mode = #tpu.pipeline_mode<synchronous>, transform_indices = @transform_12, window_bounds = array<i64: 128, 128>}, {pipeline_mode = #tpu.pipeline_mode<synchronous>, transform_indices = @transform_13, window_bounds = array<i64: 1, 128>}, {pipeline_mode = #tpu.pipeline_mode<synchronous>, transform_indices = @transform_14, window_bounds = array<i64: 1, 128>}, {transform_indices = @transform_15, window_bounds = array<i64: 2000, 384>}, {pipeline_mode = #tpu.pipeline_mode<synchronous>, transform_indices = @transform_16, window_bounds = array<i64: 2, 384>}]} {
    %get3A = arith.constant 0 : index
    %get3A_0 = arith.constant 0 : index
    %get3A_1 = arith.constant 0 : index
    %get3A_2 = vector.load %arg1[%get3A, %get3A_0, %get3A_1] : memref<2x2000x128xf32, #tpu.memory_space<vmem>>, vector<1x2000x128xf32>
    %get3A_3 = vector.shape_cast %get3A_2 : vector<1x2000x128xf32> to vector<2000x128xf32>
    %get3A_4 = arith.constant 1 : index
    %get3A_5 = arith.constant 0 : index
    %get3A_6 = arith.constant 0 : index
    %get3A_7 = vector.load %arg1[%get3A_4, %get3A_5, %get3A_6] : memref<2x2000x128xf32, #tpu.memory_space<vmem>>, vector<1x2000x128xf32>
    %get3A_8 = vector.shape_cast %get3A_7 : vector<1x2000x128xf32> to vector<2000x128xf32>
    %add3A = arith.addf %get3A_3, %get3A_8 : vector<2000x128xf32>
    %get3A_9 = arith.constant 0 : index
    %get3A_10 = arith.constant 0 : index
    %get3A_11 = vector.load %arg7[%get3A_9, %get3A_10] : memref<2000x1xf32, #tpu.memory_space<vmem>>, vector<2000x1xf32>
    %get3A_12 = arith.constant 0 : index
    %get3A_13 = arith.constant 0 : index
    %get3A_14 = vector.load %arg4[%get3A_12, %get3A_13] : memref<2000x128xf32, #tpu.memory_space<vmem>>, vector<2000x128xf32>
    %mul3A = vector.broadcast %get3A_11 : vector<2000x1xf32> to vector<2000x128xf32>
    %mul3A_15 = arith.mulf %mul3A, %get3A_14 : vector<2000x128xf32>
    %add3A_16 = arith.addf %add3A, %mul3A_15 : vector<2000x128xf32>
    %get3A_17 = arith.constant 0 : index
    %get3A_18 = arith.constant 0 : index
    %get3A_19 = vector.load %arg8[%get3A_17, %get3A_18] : memref<2000x1xf32, #tpu.memory_space<vmem>>, vector<2000x1xf32>
    %div3A = vector.broadcast %get3A_19 : vector<2000x1xf32> to vector<2000x128xf32>
    %div3A_20 = arith.divf %add3A_16, %div3A : vector<2000x128xf32>
    %get3A_21 = arith.constant 0 : index
    %get3A_22 = arith.constant 0 : index
    %get3A_23 = vector.load %arg10[%get3A_21, %get3A_22] : memref<1x128xf32, #tpu.memory_space<vmem>>, vector<1x128xf32>
    %add3A_24 = vector.broadcast %get3A_23 : vector<1x128xf32> to vector<2000x128xf32>
    %add3A_25 = arith.addf %div3A_20, %add3A_24 : vector<2000x128xf32>
    %get3A_26 = arith.constant 0 : index
    %get3A_27 = arith.constant 0 : index
    %get3A_28 = arith.constant 0 : index
    %get3A_29 = vector.load %arg2[%get3A_26, %get3A_27, %get3A_28] : memref<2x2000x128xf32, #tpu.memory_space<vmem>>, vector<1x2000x128xf32>
    %get3A_30 = vector.shape_cast %get3A_29 : vector<1x2000x128xf32> to vector<2000x128xf32>
    %get3A_31 = arith.constant 1 : index
    %get3A_32 = arith.constant 0 : index
    %get3A_33 = arith.constant 0 : index
    %get3A_34 = vector.load %arg2[%get3A_31, %get3A_32, %get3A_33] : memref<2x2000x128xf32, #tpu.memory_space<vmem>>, vector<1x2000x128xf32>
    %get3A_35 = vector.shape_cast %get3A_34 : vector<1x2000x128xf32> to vector<2000x128xf32>
    %add3A_36 = arith.addf %get3A_30, %get3A_35 : vector<2000x128xf32>
    %get3A_37 = arith.constant 0 : index
    %get3A_38 = arith.constant 0 : index
    %get3A_39 = vector.load %arg5[%get3A_37, %get3A_38] : memref<2000x128xf32, #tpu.memory_space<vmem>>, vector<2000x128xf32>
    %add3A_40 = arith.addf %get3A_39, %add3A_36 : vector<2000x128xf32>
    %get3A_41 = arith.constant 0 : index
    %get3A_42 = arith.constant 0 : index
    %get3A_43 = vector.load %arg11[%get3A_41, %get3A_42] : memref<128x128xf32, #tpu.memory_space<vmem>>, vector<128x128xf32>
    %dot_general3A = arith.constant dense<0.000000e+00> : vector<2000x128xf32>
    %dot_general3A_44 = tpu.matmul %add3A_40, %get3A_43, %dot_general3A {dimension_numbers = #tpu.dot_dimension_numbers<[1], [0], [0], [1], [0, 0, 1, 1], [], []>, transpose_lhs_hint = false} : vector<2000x128xf32>, vector<128x128xf32>, vector<2000x128xf32> -> vector<2000x128xf32>
    %get3A_45 = arith.constant 0 : index
    %get3A_46 = arith.constant 0 : index
    %get3A_47 = vector.load %arg12[%get3A_45, %get3A_46] : memref<1x128xf32, #tpu.memory_space<vmem>>, vector<1x128xf32>
    %add3A_48 = vector.broadcast %get3A_47 : vector<1x128xf32> to vector<2000x128xf32>
    %add3A_49 = arith.addf %dot_general3A_44, %add3A_48 : vector<2000x128xf32>
    %max3A = arith.constant 0.000000e+00 : f32
    %max3A_50 = vector.broadcast %max3A : f32 to vector<2000x128xf32>
    %max3A_51 = arith.maximumf %add3A_49, %max3A_50 : vector<2000x128xf32>
    %get3A_52 = arith.constant 0 : index
    %get3A_53 = arith.constant 0 : index
    %get3A_54 = vector.load %arg13[%get3A_52, %get3A_53] : memref<128x128xf32, #tpu.memory_space<vmem>>, vector<128x128xf32>
    %dot_general3A_55 = arith.constant dense<0.000000e+00> : vector<2000x128xf32>
    %dot_general3A_56 = tpu.matmul %max3A_51, %get3A_54, %dot_general3A_55 {dimension_numbers = #tpu.dot_dimension_numbers<[1], [0], [0], [1], [0, 0, 1, 1], [], []>, transpose_lhs_hint = false} : vector<2000x128xf32>, vector<128x128xf32>, vector<2000x128xf32> -> vector<2000x128xf32>
    %get3A_57 = arith.constant 0 : index
    %get3A_58 = arith.constant 0 : index
    %get3A_59 = vector.load %arg14[%get3A_57, %get3A_58] : memref<1x128xf32, #tpu.memory_space<vmem>>, vector<1x128xf32>
    %add3A_60 = vector.broadcast %get3A_59 : vector<1x128xf32> to vector<2000x128xf32>
    %add3A_61 = arith.addf %dot_general3A_56, %add3A_60 : vector<2000x128xf32>
    %get3A_62 = arith.constant 0 : index
    %get3A_63 = arith.constant 0 : index
    %get3A_64 = arith.constant 0 : index
    %get3A_65 = vector.load %arg3[%get3A_62, %get3A_63, %get3A_64] : memref<2x2000x128xf32, #tpu.memory_space<vmem>>, vector<1x2000x128xf32>
    %get3A_66 = vector.shape_cast %get3A_65 : vector<1x2000x128xf32> to vector<2000x128xf32>
    %get3A_67 = arith.constant 1 : index
    %get3A_68 = arith.constant 0 : index
    %get3A_69 = arith.constant 0 : index
    %get3A_70 = vector.load %arg3[%get3A_67, %get3A_68, %get3A_69] : memref<2x2000x128xf32, #tpu.memory_space<vmem>>, vector<1x2000x128xf32>
    %get3A_71 = vector.shape_cast %get3A_70 : vector<1x2000x128xf32> to vector<2000x128xf32>
    %add3A_72 = arith.addf %get3A_66, %get3A_71 : vector<2000x128xf32>
    %get3A_73 = arith.constant 0 : index
    %get3A_74 = arith.constant 0 : index
    %get3A_75 = vector.load %arg9[%get3A_73, %get3A_74] : memref<2000x1xf32, #tpu.memory_space<vmem>>, vector<2000x1xf32>
    %mul3A_76 = vector.broadcast %get3A_75 : vector<2000x1xf32> to vector<2000x128xf32>
    %mul3A_77 = arith.mulf %mul3A_76, %add3A_72 : vector<2000x128xf32>
    %mul3A_78 = arith.mulf %get3A_75, %get3A_75 : vector<2000x1xf32>
    %get3A_79 = arith.constant 0 : index
    %get3A_80 = arith.constant 0 : index
    %get3A_81 = vector.load %arg6[%get3A_79, %get3A_80] : memref<2000x128xf32, #tpu.memory_space<vmem>>, vector<2000x128xf32>
    %mul3A_82 = vector.broadcast %mul3A_78 : vector<2000x1xf32> to vector<2000x128xf32>
    %mul3A_83 = arith.mulf %mul3A_82, %get3A_81 : vector<2000x128xf32>
    %add3A_84 = arith.addf %mul3A_77, %mul3A_83 : vector<2000x128xf32>
    %get3A_85 = arith.constant 0 : index
    %get3A_86 = arith.constant 0 : index
    %get3A_87 = vector.load %arg15[%get3A_85, %get3A_86] : memref<1x128xf32, #tpu.memory_space<vmem>>, vector<1x128xf32>
    %add3A_88 = vector.broadcast %get3A_87 : vector<1x128xf32> to vector<2000x128xf32>
    %add3A_89 = arith.addf %add3A_84, %add3A_88 : vector<2000x128xf32>
    %concatenate3A = tpu.concatenate %add3A_25, %add3A_61, %add3A_89 in 1 : vector<2000x128xf32>, vector<2000x128xf32>, vector<2000x128xf32> -> vector<2000x384xf32>
    %swap3A = arith.constant 0 : index
    %swap3A_90 = arith.constant 0 : index
    %swap3A_91 = vector.load %arg16[%swap3A, %swap3A_90] : memref<2000x384xf32, #tpu.memory_space<vmem>>, vector<2000x384xf32>
    tpu.vector_store %arg16[%swap3A, %swap3A_90], %concatenate3A {strides = array<i32>} : memref<2000x384xf32, #tpu.memory_space<vmem>>, vector<2000x384xf32>,
    %eq3A = arith.constant 0 : i32
    %eq3A_92 = arith.cmpi eq, %arg0, %eq3A : i32
    %convert_element_type3A = arith.extui %eq3A_92 : i1 to i32
    %cond3A = arith.constant 0 : i32
    %cond3A_93 = arith.cmpi ne, %convert_element_type3A, %cond3A : i32
    scf.if %cond3A_93 {
      %broadcast_in_dim3A_107 = arith.constant 0.000000e+00 : f32
      %broadcast_in_dim3A_108 = vector.broadcast %broadcast_in_dim3A_107 : f32 to vector<2x384xf32>
      %swap3A_109 = arith.constant 0 : index
      %swap3A_110 = arith.constant 0 : index
      %swap3A_111 = vector.load %arg17[%swap3A_109, %swap3A_110] : memref<2x384xf32, #tpu.memory_space<vmem>>, vector<2x384xf32>
      tpu.vector_store %arg17[%swap3A_109, %swap3A_110], %broadcast_in_dim3A_108 {strides = array<i32>} : memref<2x384xf32, #tpu.memory_space<vmem>>, vector<2x384xf32>,
    } else {
    }
    %reduce_sum3A = arith.constant dense<0.000000e+00> : vector<384xf32>
    %reduce_sum3A_94 = vector.multi_reduction <add>, %concatenate3A, %reduce_sum3A [0] : vector<2000x384xf32> to vector<384xf32>
    %broadcast_in_dim3A = vector.shape_cast %reduce_sum3A_94 : vector<384xf32> to vector<1x384xf32>
    %mul3A_95 = arith.mulf %concatenate3A, %concatenate3A : vector<2000x384xf32>
    %reduce_sum3A_96 = arith.constant dense<0.000000e+00> : vector<384xf32>
    %reduce_sum3A_97 = vector.multi_reduction <add>, %mul3A_95, %reduce_sum3A_96 [0] : vector<2000x384xf32> to vector<384xf32>
    %broadcast_in_dim3A_98 = vector.shape_cast %reduce_sum3A_97 : vector<384xf32> to vector<1x384xf32>
    %get3A_99 = arith.constant 0 : index
    %get3A_100 = arith.constant 0 : index
    %get3A_101 = vector.load %arg17[%get3A_99, %get3A_100] : memref<2x384xf32, #tpu.memory_space<vmem>>, vector<2x384xf32>
    %concatenate3A_102 = tpu.concatenate %broadcast_in_dim3A, %broadcast_in_dim3A_98 in 0 : vector<1x384xf32>, vector<1x384xf32> -> vector<2x384xf32>
    %add3A_103 = arith.addf %get3A_101, %concatenate3A_102 : vector<2x384xf32>
    %swap3A_104 = arith.constant 0 : index
    %swap3A_105 = arith.constant 0 : index
    %swap3A_106 = vector.load %arg17[%swap3A_104, %swap3A_105] : memref<2x384xf32, #tpu.memory_space<vmem>>, vector<2x384xf32>
    tpu.vector_store %arg17[%swap3A_104, %swap3A_105], %add3A_103 {strides = array<i32>} : memref<2x384xf32, #tpu.memory_space<vmem>>, vector<2x384xf32>,
    return
  }
  func.func @transform_0(%arg0: i32) -> (i32, i32, i32) {
    %c0_i32 = arith.constant 0 : i32
    %c0_i32_0 = arith.constant 0 : i32
    %c0_i32_1 = arith.constant 0 : i32
    return %c0_i32, %arg0, %c0_i32_0 : i32, i32, i32
  }
  func.func @transform_1(%arg0: i32) -> (i32, i32, i32) {
    %c0_i32 = arith.constant 0 : i32
    %c0_i32_0 = arith.constant 0 : i32
    %c0_i32_1 = arith.constant 0 : i32
    return %c0_i32, %arg0, %c0_i32_0 : i32, i32, i32
  }
  func.func @transform_2(%arg0: i32) -> (i32, i32, i32) {
    %c0_i32 = arith.constant 0 : i32
    %c0_i32_0 = arith.constant 0 : i32
    %c0_i32_1 = arith.constant 0 : i32
    return %c0_i32, %arg0, %c0_i32_0 : i32, i32, i32
  }
  func.func @transform_3(%arg0: i32) -> (i32, i32) {
    %c0_i32 = arith.constant 0 : i32
    %c0_i32_0 = arith.constant 0 : i32
    return %arg0, %c0_i32 : i32, i32
  }
  func.func @transform_4(%arg0: i32) -> (i32, i32) {
    %c0_i32 = arith.constant 0 : i32
    %c0_i32_0 = arith.constant 0 : i32
    return %arg0, %c0_i32 : i32, i32
  }
  func.func @transform_5(%arg0: i32) -> (i32, i32) {
    %c0_i32 = arith.constant 0 : i32
    %c0_i32_0 = arith.constant 0 : i32
    return %arg0, %c0_i32 : i32, i32
  }
  func.func @transform_6(%arg0: i32) -> (i32, i32) {
    %c0_i32 = arith.constant 0 : i32
    %c0_i32_0 = arith.constant 0 : i32
    return %arg0, %c0_i32 : i32, i32
  }
  func.func @transform_7(%arg0: i32) -> (i32, i32) {
    %c0_i32 = arith.constant 0 : i32
    %c0_i32_0 = arith.constant 0 : i32
    return %arg0, %c0_i32 : i32, i32
  }
  func.func @transform_8(%arg0: i32) -> (i32, i32) {
    %c0_i32 = arith.constant 0 : i32
    %c0_i32_0 = arith.constant 0 : i32
    return %arg0, %c0_i32 : i32, i32
  }
  func.func @transform_9(%arg0: i32) -> (i32, i32) {
    %c0_i32 = arith.constant 0 : i32
    %c0_i32_0 = arith.constant 0 : i32
    %c0_i32_1 = arith.constant 0 : i32
    return %c0_i32, %c0_i32_0 : i32, i32
  }
  func.func @transform_10(%arg0: i32) -> (i32, i32) {
    %c0_i32 = arith.constant 0 : i32
    %c0_i32_0 = arith.constant 0 : i32
    %c0_i32_1 = arith.constant 0 : i32
    return %c0_i32, %c0_i32_0 : i32, i32
  }
  func.func @transform_11(%arg0: i32) -> (i32, i32) {
    %c0_i32 = arith.constant 0 : i32
    %c0_i32_0 = arith.constant 0 : i32
    %c0_i32_1 = arith.constant 0 : i32
    return %c0_i32, %c0_i32_0 : i32, i32
  }
  func.func @transform_12(%arg0: i32) -> (i32, i32) {
    %c0_i32 = arith.constant 0 : i32
    %c0_i32_0 = arith.constant 0 : i32
    %c0_i32_1 = arith.constant 0 : i32
    return %c0_i32, %c0_i32_0 : i32, i32
  }
  func.func @transform_13(%arg0: i32) -> (i32, i32) {
    %c0_i32 = arith.constant 0 : i32
    %c0_i32_0 = arith.constant 0 : i32
    %c0_i32_1 = arith.constant 0 : i32
    return %c0_i32, %c0_i32_0 : i32, i32
  }
  func.func @transform_14(%arg0: i32) -> (i32, i32) {
    %c0_i32 = arith.constant 0 : i32
    %c0_i32_0 = arith.constant 0 : i32
    %c0_i32_1 = arith.constant 0 : i32
    return %c0_i32, %c0_i32_0 : i32, i32
  }
  func.func @transform_15(%arg0: i32) -> (i32, i32) {
    %c0_i32 = arith.constant 0 : i32
    %c0_i32_0 = arith.constant 0 : i32
    return %arg0, %c0_i32 : i32, i32
  }
  func.func @transform_16(%arg0: i32) -> (i32, i32) {
    %c0_i32 = arith.constant 0 : i32
    %c0_i32_0 = arith.constant 0 : i32
    %c0_i32_1 = arith.constant 0 : i32
    return %c0_i32, %c0_i32_0 : i32, i32
  }
}

module attributes {stable_mosaic.version = 14 : i64} {
  func.func @_head2_body(%arg0: i32, %arg1: memref<2000x384xf32, #tpu.memory_space<vmem>>, %arg2: memref<2x384xf32, #tpu.memory_space<vmem>>, %arg3: memref<1x384xf32, #tpu.memory_space<vmem>>, %arg4: memref<1x384xf32, #tpu.memory_space<vmem>>, %arg5: memref<384x128xf32, #tpu.memory_space<vmem>>, %arg6: memref<1x128xf32, #tpu.memory_space<vmem>>, %arg7: memref<128x128xf32, #tpu.memory_space<vmem>>, %arg8: memref<1x128xf32, #tpu.memory_space<vmem>>, %arg9: memref<2000x128xf32, #tpu.memory_space<vmem>>) attributes {dimension_semantics = [#tpu.dimension_semantics<arbitrary>], iteration_bounds = array<i64: 5>, scalar_prefetch = 0 : i64, scratch_operands = 0 : i64, tpu.core_type = #tpu.core_type<tc>, window_params = [{transform_indices = @transform_0, window_bounds = array<i64: 2000, 384>}, {pipeline_mode = #tpu.pipeline_mode<synchronous>, transform_indices = @transform_1, window_bounds = array<i64: 2, 384>}, {pipeline_mode = #tpu.pipeline_mode<synchronous>, transform_indices = @transform_2, window_bounds = array<i64: 1, 384>}, {pipeline_mode = #tpu.pipeline_mode<synchronous>, transform_indices = @transform_3, window_bounds = array<i64: 1, 384>}, {pipeline_mode = #tpu.pipeline_mode<synchronous>, transform_indices = @transform_4, window_bounds = array<i64: 384, 128>}, {pipeline_mode = #tpu.pipeline_mode<synchronous>, transform_indices = @transform_5, window_bounds = array<i64: 1, 128>}, {pipeline_mode = #tpu.pipeline_mode<synchronous>, transform_indices = @transform_6, window_bounds = array<i64: 128, 128>}, {pipeline_mode = #tpu.pipeline_mode<synchronous>, transform_indices = @transform_7, window_bounds = array<i64: 1, 128>}, {transform_indices = @transform_8, window_bounds = array<i64: 2000, 128>}]} {
    %get3A = arith.constant 0 : index
    %get3A_0 = arith.constant 0 : index
    %get3A_1 = vector.load %arg2[%get3A, %get3A_0] : memref<2x384xf32, #tpu.memory_space<vmem>>, vector<2x384xf32>
    %slice3A = vector.extract_strided_slice %get3A_1 {offsets = [0, 0], sizes = [1, 384], strides = [1, 1]} : vector<2x384xf32> to vector<1x384xf32>
    %div3A = arith.constant 1.000000e+04 : f32
    %div3A_2 = vector.broadcast %div3A : f32 to vector<1x384xf32>
    %div3A_3 = arith.divf %slice3A, %div3A_2 : vector<1x384xf32>
    %slice3A_4 = vector.extract_strided_slice %get3A_1 {offsets = [1, 0], sizes = [1, 384], strides = [1, 1]} : vector<2x384xf32> to vector<1x384xf32>
    %div3A_5 = arith.constant 1.000000e+04 : f32
    %div3A_6 = vector.broadcast %div3A_5 : f32 to vector<1x384xf32>
    %div3A_7 = arith.divf %slice3A_4, %div3A_6 : vector<1x384xf32>
    %mul3A = arith.mulf %div3A_3, %div3A_3 : vector<1x384xf32>
    %sub3A = arith.subf %div3A_7, %mul3A : vector<1x384xf32>
    %get3A_8 = arith.constant 0 : index
    %get3A_9 = arith.constant 0 : index
    %get3A_10 = vector.load %arg3[%get3A_8, %get3A_9] : memref<1x384xf32, #tpu.memory_space<vmem>>, vector<1x384xf32>
    %add3A = arith.constant 9.99999974E-6 : f32
    %add3A_11 = vector.broadcast %add3A : f32 to vector<1x384xf32>
    %add3A_12 = arith.addf %sub3A, %add3A_11 : vector<1x384xf32>
    %rsqrt3A = math.rsqrt %add3A_12 : vector<1x384xf32>
    %mul3A_13 = arith.mulf %get3A_10, %rsqrt3A : vector<1x384xf32>
    %get3A_14 = arith.constant 0 : index
    %get3A_15 = arith.constant 0 : index
    %get3A_16 = vector.load %arg4[%get3A_14, %get3A_15] : memref<1x384xf32, #tpu.memory_space<vmem>>, vector<1x384xf32>
    %mul3A_17 = arith.mulf %div3A_3, %mul3A_13 : vector<1x384xf32>
    %sub3A_18 = arith.subf %get3A_16, %mul3A_17 : vector<1x384xf32>
    %get3A_19 = arith.constant 0 : index
    %get3A_20 = arith.constant 0 : index
    %get3A_21 = vector.load %arg1[%get3A_19, %get3A_20] : memref<2000x384xf32, #tpu.memory_space<vmem>>, vector<2000x384xf32>
    %mul3A_22 = vector.broadcast %mul3A_13 : vector<1x384xf32> to vector<2000x384xf32>
    %mul3A_23 = arith.mulf %get3A_21, %mul3A_22 : vector<2000x384xf32>
    %add3A_24 = vector.broadcast %sub3A_18 : vector<1x384xf32> to vector<2000x384xf32>
    %add3A_25 = arith.addf %mul3A_23, %add3A_24 : vector<2000x384xf32>
    %max3A = arith.constant 0.000000e+00 : f32
    %max3A_26 = vector.broadcast %max3A : f32 to vector<2000x384xf32>
    %max3A_27 = arith.maximumf %add3A_25, %max3A_26 : vector<2000x384xf32>
    %get3A_28 = arith.constant 0 : index
    %get3A_29 = arith.constant 0 : index
    %get3A_30 = vector.load %arg5[%get3A_28, %get3A_29] : memref<384x128xf32, #tpu.memory_space<vmem>>, vector<384x128xf32>
    %dot_general3A = arith.constant dense<0.000000e+00> : vector<2000x128xf32>
    %dot_general3A_31 = tpu.matmul %max3A_27, %get3A_30, %dot_general3A {dimension_numbers = #tpu.dot_dimension_numbers<[1], [0], [0], [1], [0, 0, 1, 1], [], []>, transpose_lhs_hint = false} : vector<2000x384xf32>, vector<384x128xf32>, vector<2000x128xf32> -> vector<2000x128xf32>
    %get3A_32 = arith.constant 0 : index
    %get3A_33 = arith.constant 0 : index
    %get3A_34 = vector.load %arg6[%get3A_32, %get3A_33] : memref<1x128xf32, #tpu.memory_space<vmem>>, vector<1x128xf32>
    %add3A_35 = vector.broadcast %get3A_34 : vector<1x128xf32> to vector<2000x128xf32>
    %add3A_36 = arith.addf %dot_general3A_31, %add3A_35 : vector<2000x128xf32>
    %max3A_37 = arith.constant 0.000000e+00 : f32
    %max3A_38 = vector.broadcast %max3A_37 : f32 to vector<2000x128xf32>
    %max3A_39 = arith.maximumf %add3A_36, %max3A_38 : vector<2000x128xf32>
    %get3A_40 = arith.constant 0 : index
    %get3A_41 = arith.constant 0 : index
    %get3A_42 = vector.load %arg7[%get3A_40, %get3A_41] : memref<128x128xf32, #tpu.memory_space<vmem>>, vector<128x128xf32>
    %dot_general3A_43 = arith.constant dense<0.000000e+00> : vector<2000x128xf32>
    %dot_general3A_44 = tpu.matmul %max3A_39, %get3A_42, %dot_general3A_43 {dimension_numbers = #tpu.dot_dimension_numbers<[1], [0], [0], [1], [0, 0, 1, 1], [], []>, transpose_lhs_hint = false} : vector<2000x128xf32>, vector<128x128xf32>, vector<2000x128xf32> -> vector<2000x128xf32>
    %get3A_45 = arith.constant 0 : index
    %get3A_46 = arith.constant 0 : index
    %get3A_47 = vector.load %arg8[%get3A_45, %get3A_46] : memref<1x128xf32, #tpu.memory_space<vmem>>, vector<1x128xf32>
    %add3A_48 = vector.broadcast %get3A_47 : vector<1x128xf32> to vector<2000x128xf32>
    %add3A_49 = arith.addf %dot_general3A_44, %add3A_48 : vector<2000x128xf32>
    %swap3A = arith.constant 0 : index
    %swap3A_50 = arith.constant 0 : index
    %swap3A_51 = vector.load %arg9[%swap3A, %swap3A_50] : memref<2000x128xf32, #tpu.memory_space<vmem>>, vector<2000x128xf32>
    tpu.vector_store %arg9[%swap3A, %swap3A_50], %add3A_49 {strides = array<i32>} : memref<2000x128xf32, #tpu.memory_space<vmem>>, vector<2000x128xf32>,
    return
  }
  func.func @transform_0(%arg0: i32) -> (i32, i32) {
    %c0_i32 = arith.constant 0 : i32
    %c0_i32_0 = arith.constant 0 : i32
    return %arg0, %c0_i32 : i32, i32
  }
  func.func @transform_1(%arg0: i32) -> (i32, i32) {
    %c0_i32 = arith.constant 0 : i32
    %c0_i32_0 = arith.constant 0 : i32
    %c0_i32_1 = arith.constant 0 : i32
    return %c0_i32, %c0_i32_0 : i32, i32
  }
  func.func @transform_2(%arg0: i32) -> (i32, i32) {
    %c0_i32 = arith.constant 0 : i32
    %c0_i32_0 = arith.constant 0 : i32
    %c0_i32_1 = arith.constant 0 : i32
    return %c0_i32, %c0_i32_0 : i32, i32
  }
  func.func @transform_3(%arg0: i32) -> (i32, i32) {
    %c0_i32 = arith.constant 0 : i32
    %c0_i32_0 = arith.constant 0 : i32
    %c0_i32_1 = arith.constant 0 : i32
    return %c0_i32, %c0_i32_0 : i32, i32
  }
  func.func @transform_4(%arg0: i32) -> (i32, i32) {
    %c0_i32 = arith.constant 0 : i32
    %c0_i32_0 = arith.constant 0 : i32
    %c0_i32_1 = arith.constant 0 : i32
    return %c0_i32, %c0_i32_0 : i32, i32
  }
  func.func @transform_5(%arg0: i32) -> (i32, i32) {
    %c0_i32 = arith.constant 0 : i32
    %c0_i32_0 = arith.constant 0 : i32
    %c0_i32_1 = arith.constant 0 : i32
    return %c0_i32, %c0_i32_0 : i32, i32
  }
  func.func @transform_6(%arg0: i32) -> (i32, i32) {
    %c0_i32 = arith.constant 0 : i32
    %c0_i32_0 = arith.constant 0 : i32
    %c0_i32_1 = arith.constant 0 : i32
    return %c0_i32, %c0_i32_0 : i32, i32
  }
  func.func @transform_7(%arg0: i32) -> (i32, i32) {
    %c0_i32 = arith.constant 0 : i32
    %c0_i32_0 = arith.constant 0 : i32
    %c0_i32_1 = arith.constant 0 : i32
    return %c0_i32, %c0_i32_0 : i32, i32
  }
  func.func @transform_8(%arg0: i32) -> (i32, i32) {
    %c0_i32 = arith.constant 0 : i32
    %c0_i32_0 = arith.constant 0 : i32
    return %arg0, %c0_i32 : i32, i32
  }
}

</mosaic_0001>

<sc_bundles>
// kernel: kernel.11.cloned.1.call-start
scs
__scs_entry_jumppad:
0x0: {  	(pc) =	sbr.rel $0x88, $3  }
0x1: {  	(tag) =	ssettag $0x0;
	lr =	simm.s32 $0x1  }
0x2: {  	[smem:$0x3F8F] =	sst lr;
	_ =	strace $0xD0000000  }
0x3: {  	_ = 	snop  }
0x4: {  	_ = 	snop  }
0x5: {  	_ = 	snop  }
0x6: {  	_ = 	snop  }
0x7: {  	_ = 	snop  }
__scs_overlays_trampoline_lowered:
0x8: {  	[smem:$0x3F9E] =	sst s0  }
0x9: {  	[smem:$0x3F9F] =	sst s1  }
0xa: {  	[smem:$0x3FA0] =	sst s2  }
0xb: {  	[smem:$0x3FA1] =	sst s3  }
0xc: {  	[smem:$0x3FA2] =	sst s4  }
0xd: {  	[smem:$0x3FA3] =	sst s5  }
0xe: {  	[smem:$0x3FA4] =	sst s6  }
0xf: {  	[smem:$0x3FA5] =	sst s7  }
0x10: {  	[smem:$0x3FA6] =	sst s8  }
0x11: {  	[smem:$0x3FA7] =	sst s9;
	s0 =	simm.s32 @!p0 $0x0  }
0x12: {  	s1 =	sld [smem:$0x3F8D];
	s0 =	simm.s32 @p0 $0x1  }
0x13: {  	[smem:$0x3FA8] =	sst s0;
	s0 =	simm.s32 @!p1 $0x0  }
0x14: {  	s2 =	sld [smem:$0x3F8C];
	s0 =	simm.s32 @p1 $0x1  }
0x15: {  	[smem:$0x3FA9] =	sst s0;
	s0 =	simm.s32 @!p2 $0x0  }
0x16: {  	s3 =	sld [smem:$0x3FDB];
	s0 =	simm.s32 @p2 $0x1  }
0x17: {  	s4 =	simm.s32 $0x1BF5;
	[smem:$0x3FAB] =	sst s0  }
0x18: {  	s0 =	sld [smem:$0x3F8E];
	_ =	swait.ge [sflag:s4], $0x0  }
0x19: {  	s7 =	sld [smem:$0x3F8F]  }
0x1a: {  	s8 =	sadd.s32 $0xFFFFE003, lr  }
0x1b: {  	s9 =	sadd.s32 $0xFFFFFEF7, lr;
	s5 =	simm.s32 $0xFFFFFFFF;
	p2 =	slt.u32 s8, $0xFFFFF086  }
0x1c: {  	p1 =	slt.u32 s9, $0xF7A;
	s5 =	simm.s32 @!p2 $0x0  }
0x1d: {  	s5 =	simm.s32 @p1 $0x1;
	p0 =	seq.s32 s7, s2  }
0x1e: {  	s7 =	smul.u32 @!p0 $0xF7A, s2;
	p2 =	seq.s32 @!p0 s5, $0x0  }
0x1f: {  	s9 =	smul.u32 $0xF7A, s1;
	s8 =	simm.s32 @!p0 $0x1BF5;
	p2 =	por !p2, p0  }
0x20: {  	[sflag:s8] =	ssyncset.s32 @!p0 $0xFFFFF086;
	s6 =	sadd.s32 @!p0 s3, s7;
	s7 =	simm.s32 @!p0 $0x108  }
0x21: {  	s3 =	sadd.s32 s3, s9;
	s6 =	sadd.s32 @!p0 $0x88, s6;
	s7 =	simm.s32 @p2 $0x1082  }
0x22: {  	[simem:s7], [sflag:s8] =	dma.local @!p0 [hbm:s6], $0xF7A  }
0x23: {  	s9 =	sor.u32 $0xD0000000, s2;
	s6 =	simm.s32 $0x108;
	_ =	swait.ge @!p0 [sflag:s8], $0x0  }
0x24: {  	s3 =	sadd.s32 $0x88, s3;
	s6 =	simm.s32 @!p1 $0x1082;
	[sflag:s4] =	ssyncset.s32 $0xFFFFF086  }
0x25: {  	[simem:s6], [sflag:s4] =	dma.local [hbm:s3], $0xF7A  }
0x26: {  	[smem:$0x3F8F] =	sst s1;
	(tag) =	ssettag s2;
	_ =	strace s9  }
0x27: {  	s1 =	sld [smem:$0x3F9F]  }
0x28: {  	s2 =	sld [smem:$0x3FA0]  }
0x29: {  	s4 =	sld [smem:$0x3FA2]  }
0x2a: {  	p0 =	seq.s32 s5, $0x0;
	s5 =	sld [smem:$0x3FA3]  }
0x2b: {  	s6 =	sld [smem:$0x3FA4]  }
0x2c: {  	s7 =	sld [smem:$0x3FA5]  }
0x2d: {  	s3 =	simm.s32 $0x108;
	s8 =	sld [smem:$0x3FA6]  }
0x2e: {  	s3 =	simm.s32 @!p0 $0x1082;
	s9 =	sld [smem:$0x3FA7]  }
0x2f: {  	lr =	sadd.s32 s0, s3;
	s0 =	sld [smem:$0x3F9E]  }
0x30: {  	s3 =	sld [smem:$0x3FA1]  }
0x31: {  	[smem:$0x3FAA] =	sst s10  }
0x32: {  	s10 =	sld [smem:$0x3FA8];
	_ =	sdelay $0x3  }
0x33: {  	p0 =	seq.s32 s10, $0x1;
	s10 =	sld [smem:$0x3FAA];
	_ =	sdelay $0x3  }
0x34: {  	[smem:$0x3FAA] =	sst s10  }
0x35: {  	s10 =	sld [smem:$0x3FA9];
	_ =	sdelay $0x3  }
0x36: {  	p1 =	seq.s32 s10, $0x1;
	s10 =	sld [smem:$0x3FAA];
	_ =	sdelay $0x3  }
0x37: {  	[smem:$0x3FAA] =	sst s10  }
0x38: {  	s10 =	sld [smem:$0x3FAB]  }
0x39: {  	_ = 	snop;
	(pc) =	sbr.ind lr, $3  }
0x3a: {  	_ = 	snop  }
0x3b: {  	_ = 	snop  }
0x3c: {  	p2 =	seq.s32 s10, $0x1;
	s10 =	sld [smem:$0x3FAA]  }
0x3d: {  	_ =	shalt  }
0x3e: {  	_ =	shalt  }
0x3f: {  	_ =	shalt  }
0x40: {  	_ =	shalt  }
0x41: {  	_ =	shalt  }
0x42: {  	_ =	shalt  }
0x43: {  	_ =	shalt  }
0x44: {  	_ =	shalt  }
0x45: {  	_ =	shalt  }
0x46: {  	_ =	shalt  }
0x47: {  	_ =	shalt  }
0x48: {  	_ =	shalt  }
0x49: {  	_ =	shalt  }
0x4a: {  	_ =	shalt  }
0x4b: {  	_ =	shalt  }
0x4c: {  	_ =	shalt  }
0x4d: {  	_ =	shalt  }
0x4e: {  	_ =	shalt  }
0x4f: {  	_ =	shalt  }
0x50: {  	_ =	shalt  }
0x51: {  	_ =	shalt  }
0x52: {  	_ =	shalt  }
0x53: {  	_ =	shalt  }
0x54: {  	_ =	shalt  }
0x55: {  	_ =	shalt  }
0x56: {  	_ =	shalt  }
0x57: {  	_ =	shalt  }
0x58: {  	_ =	shalt  }
0x59: {  	_ =	shalt  }
0x5a: {  	_ =	shalt  }
0x5b: {  	_ =	shalt  }
0x5c: {  	_ =	shalt  }
0x5d: {  	_ =	shalt  }
0x5e: {  	_ =	shalt  }
0x5f: {  	_ =	shalt  }
0x60: {  	_ =	shalt  }
0x61: {  	_ =	shalt  }
0x62: {  	_ =	shalt  }
0x63: {  	_ =	shalt  }
0x64: {  	_ =	shalt  }
0x65: {  	_ =	shalt  }
0x66: {  	_ =	shalt  }
0x67: {  	_ =	shalt  }
0x68: {  	_ =	shalt  }
0x69: {  	_ =	shalt  }
0x6a: {  	_ =	shalt  }
0x6b: {  	_ =	shalt  }
0x6c: {  	_ =	shalt  }
0x6d: {  	_ =	shalt  }
0x6e: {  	_ =	shalt  }
0x6f: {  	_ =	shalt  }
0x70: {  	_ =	shalt  }
0x71: {  	_ =	shalt  }
0x72: {  	_ =	shalt  }
0x73: {  	_ =	shalt  }
0x74: {  	_ =	shalt  }
0x75: {  	_ =	shalt  }
0x76: {  	_ =	shalt  }
0x77: {  	_ =	shalt  }
0x78: {  	_ =	shalt  }
0x79: {  	_ =	shalt  }
0x7a: {  	_ =	shalt  }
0x7b: {  	_ =	shalt  }
0x7c: {  	_ =	shalt  }
0x7d: {  	_ =	shalt  }
0x7e: {  	_ =	shalt  }
0x7f: {  	_ =	shalt  }
0x80: {  	_ =	shalt  }
0x81: {  	_ =	shalt  }
0x82: {  	_ =	shalt  }
0x83: {  	_ =	shalt  }
0x84: {  	_ =	shalt  }
0x85: {  	_ =	shalt  }
0x86: {  	_ =	shalt  }
0x87: {  	_ =	shalt  }
.Lfunc_end0:
.L_simem_size_0:
called_computation.1_lowered:
.L_overlay_start_0:
0x88: {  	s2 =	sld [smem:$0x3FD9]  }
0x89: {  	s3 =	sld [smem:$0x3FFE];
	_ =	sdelay $0x1  }
0x8a: {  	s1 =	srdreg.scid  }
0x8b: {  	s0 =	sand.u32 $0x1, s1  }
0x8c: {  	s17 =	sshll.u32 s0, $0xA;
	s2 =	sadd.s32 s3, s2  }
0x8d: {  	s2 =	sadd.s32 s2, s17  }
0x8e: {  	[smem:$0x3FB6] =	sst s2  }
0x8f: {  	_ = 	snop  }
0x90: {  	s2 =	sld [smem:$0x3FC9]  }
0x91: {  	s18 =	sld [smem:$0x3FD0];
	(tm) =	ssettm $0x1  }
0x92: {  	s4 =	sld [smem:$0x3FFB];
	_ =	sdelay $0x3  }
0x93: {  	_ =	strace s4  }
0x94: {  	s4 =	sld [smem:$0x3FFC];
	_ =	sdelay $0x3  }
0x95: {  	_ =	strace s4  }
0x96: {  	s4 =	sld [smem:$0x3FFD];
	_ =	sdelay $0x3  }
0x97: {  	_ =	strace s4  }
0x98: {  	_ =	strace $0x8FFFFFFF  }
0x99: {  	s19 =	sld [smem:$0x3FDB];
	_ =	sdelay $0x1  }
0x9a: {  	s5 =	simm.s32 $_scs_section_size  }
0x9b: {  	s6 =	simm.s32 $_size__tile_overlayer_lowered;
	s7 =	simm.s32 $_tile_overlayer_lowered  }
0x9c: {  	s22 =	simm.s32 $0x1BFF;
	s21 =	sshll.u32 s7, $0x1;
	s4 =	sadd.s32 s5, s19  }
0x9d: {  	s8 =	simm.s32 $0x0;
	s20 =	sshll.u32 s6, $0x1;
	s6 =	sadd.s32 s21, s4  }
0x9e: {  	[timem:s8], [sflag:s22] =	dma.local [hbm:s6], s20  }
0x9f: {  	_ =	swait.ge [sflag:s22], s20  }
0xa0: {  	s5 =	ssub.s32 $0x0, s20;
	[sflag:s22] =	ssyncset.done $0x0  }
0xa1: {  	[sflag:s22] =	ssyncadd.s32 s5;
	_ =	sdelay $0x1  }
0xa2: {  	s23 =	simm.s32 $0x1B8B  }
0xa3: {  	_ =	swait.ge [sflag:s23], $0x1  }
0xa4: {  	[sflag:s23] =	ssyncset.done $0x0  }
0xa5: {  	s25 =	simm.s32 $0x1B8E;
	s24 =	sld [smem:$0x3FFE];
	[sflag:s23] =	ssyncadd.s32 $0xFFFFFFFF  }
0xa6: {  	s26 =	simm.s32 $execute0_lowered;
	[smem:$0x3FD2] =	sst s25  }
0xa7: {  	s6 =	sshll.u32 s26, $0x1;
	_ =	strace $0x80000049;
	[dreg:$0x1] =	wrdreg $0xFFFFFFFF  }
0xa8: {  	s28 =	simm.s32 $_size_execute0_lowered;
	s4 =	sadd.s32 s4, s6;
	[dreg:$0x0] =	wrdreg $0x0  }
0xa9: {  	s6 =	sshll.u32 s28, $0x1;
	[dreg:$0x2] =	wrdreg s4  }
0xaa: {  	[dreg:$0x3] =	wrdreg s6  }
0xab: {  	[dreg:$0x4] =	wrdreg $0xC0  }
0xac: {  	_ =	task [dreg:s8], $0x5FFFF  }
0xad: {  	[dreg:$0x1] =	wrdreg $0xFFFFFFFF  }
0xae: {  	[dreg:$0x0] =	wrdreg $0x60  }
0xaf: {  	[dreg:$0x2] =	wrdreg s24  }
0xb0: {  	[dreg:$0x3] =	wrdreg s18  }
0xb1: {  	[dreg:$0x4] =	wrdreg s2  }
0xb2: {  	[dreg:$0x5] =	wrdreg $0x0  }
0xb3: {  	[dreg:$0x6] =	wrdreg $0x9  }
0xb4: {  	_ =	task.clear_ibuf [dreg:s8], $0x7FFFF;
	_ =	strace $0x90000049  }
0xb5: {  	s29 =	simm.s32 $0x9;
	_ =	strace $0x8000004B  }
0xb6: {  	_ =	swait.ge [sflag:s29], $0x1  }
0xb7: {  	[sflag:s29] =	ssyncadd.s32 $0xFFFFFFFF  }
0xb8: {  	_ =	strace $0x9000004B  }
0xb9: {  	_ =	sfence  }
0xba: {  	s30 =	sld [smem:$0x0];
	_ =	sdelay $0x2  }
0xbb: {  	s31 =	sshll.u32 s1, $0xD;
	s1 =	sshrl.u32 s1, $0x2  }
0xbc: {  	s3 =	sand.u32 $0x4000, s31;
	s1 =	sadd.s32 s1, s30  }
0xbd: {  	s0 =	sor.u32 s3, s0;
	s1 =	sshll.u32 s1, $0x11  }
0xbe: {  	s0 =	sor.u32 s1, s0  }
0xbf: {  	s0 =	sadd.s32 $0x8F2B, s0  }
0xc0: {  	[sflag:s0] =	ssyncadd.remote.s32 $0x1  }
0xc1: {  	_ =	sfence.sel $0xFFFF  }
0xc2: {  	[dreg:$0x0] =	wrdreg $0xFFFFFFFF;
	(pc) =	sbr.abs _section_cstart, $3  }
0xc3: {  	[dreg:$0x1] =	wrdreg $0xFFFFFFFF  }
0xc4: {  	_ =	task.clear_ibuf [dreg:s8], $0x2FFFF;
	_ =	strace $0x9FFFFFFF  }
0xc5: {  	(tm) =	ssettm $0x7FFFFFFF  }
tec
execute0_lowered:
.L_overlay_start_1:
0x0: {  	(tag) =	ssettag $0x1  }
0x1: {  	s2 =	rddreg [dreg:$0x0]  }
0x2: {  	s0 =	srdreg.scid;
	s1 =	rddreg [dreg:$0x1]  }
0x3: {  	s14 =	stileid.u32;
	s3 =	rddreg [dreg:$0x2];
	s6 =	simm.s32 $0x0  }
0x4: {  	s28 =	simm.s32 $0x70;
	s29 =	simm.s32 $0x18BA0;
	s30 =	simm.s32 $0x1  }
0x5: {  	s31 =	simm.s32 $0x1C3A0;
	s0 =	sand.u32 $0x1, s0;
	s9 =	smul.u32 $0x13C00, s14  }
0x6: {  	[smem:$0x7FF] =	sst s6;
	s7 =	sadd.s32 $0xACC00, s2;
	s8 =	sadd.s32 $0x2C600, s2  }
0x7: {  	s19 =	sadd.s32 $0xC0800, s2;
	s4 =	sshll.u32 s0, $0x4;
	s11 =	smul.u32 $0x13C000, s0  }
0x8: {  	s13 =	ssub.s32 $0x2, s0;
	s0 =	smul.u32 $0x27600, s0;
	s5 =	sor.u32 s14, s4  }
0x9: {  	s4 =	rddreg [dreg:$0x3];
	_ =	strace $0x8000004A;
	s14 =	smul.u32 $0x2760, s14  }
0xa: {  	s21 =	sshrl.u32 s13, $0x1;
	s5 =	smul.u32 $0x2760, s5;
	s11 =	sadd.s32 s9, s11  }
0xb: {  	[dreg:$0x5] =	wrdreg s19;
	s9 =	sadd.s32 s9, s4;
	s11 =	sshrl.u32 s11, $0x3  }
0xc: {  	[dreg:$0x8] =	wrdreg s9;
	s0 =	sadd.s32 s14, s0;
	s10 =	sshrl.u32 s5, $0x3  }
0xd: {  	s15 =	sadd.s32 $0x150, s5;
	s23 =	sadd.s32 $0x150, s0;
	s0 =	sadd.s32 $0xE0, s0  }
0xe: {  	s12 =	sadd.s32 s10, s2;
	s2 =	sadd.s32 s11, s2;
	s11 =	ssub.s32 s13, s21  }
0xf: {  	s21 =	sadd.s32 s7, s10;
	s9 =	sshrl.u32 s23, $0x3;
	[dreg:$0xf] =	wrdreg s0  }
0x10: {  	s23 =	simm.s32 $0x5;
	s22 =	sadd.s32 $0xB6A00, s12;
	[dreg:$0x9] =	wrdreg s21  }
0x11: {  	s0 =	simm.s32 $0x4;
	s12 =	sadd.s32 $0xA1C00, s12;
	[dreg:$0x6] =	wrdreg s22  }
0x12: {  	s10 =	simm.s32 $0x2;
	s24 =	sadd.s32 $0xC3000, s2;
	[dreg:$0x7] =	wrdreg s12  }
0x13: {  	s25 =	sadd.s32 $0x112000, s2;
	s2 =	sadd.s32 $0x161000, s2;
	[dreg:$0xb] =	wrdreg s24  }
0x14: {  	s26 =	smax.u32 s11, $0x1;
	s20 =	sadd.s32 s9, s7;
	[dreg:$0xc] =	wrdreg s25  }
0x15: {  	s11 =	simm.s32 $0x0;
	s22 =	sadd.s32 $0xE, s21;
	[dreg:$0xd] =	wrdreg s2  }
0x16: {  	[dreg:$0xe] =	wrdreg s26;
	s24 =	simm.s32 $0x16360;
	s25 =	simm.s32 $0x18AC0  }
0x17: {  	s26 =	simm.s32 $0x18B30;
	s2 =	simm.s32 $0x3;
	[dreg:$0xa] =	wrdreg s22  }
.LBB2_1:
0x18: {  	[dreg:$0x10] =	wrdreg s11  }
0x19: {  	s9 =	rddreg [dreg:$0x6];
	s14 =	simm.s32 $0x13C00  }
0x1a: {  	[tilespmem:s14], [sflag:$0x5] =	stream.linear.gather [hbm4b:s9+s6], $0x2760, $0x38;
	[tilespmem:$0x1FBA0] =	vst v63  }
0x1b: {  	_ =	swait.ge [sflag:s23], $0x2760  }
0x1c: {  	[sflag:s23] =	ssyncset.done $0x0  }
0x1d: {  	s17 =	stileid.u32;
	s16 =	rddreg [dreg:$0x7];
	[sflag:s23] =	ssyncadd.s32 $0xFFFFD8A0  }
0x1e: {  	[tilespmem:s24], [sflag:$0x5] =	stream.linear.gather [hbm4b:s16+s6], $0x2760, $0x38;
	[tilespmem:$0x1FBA0] =	vst v63  }
0x1f: {  	s9 =	sshll.u32 s17, $0x6;
	_ =	swait.ge [sflag:s23], $0x2760  }
0x20: {  	s12 =	sor.u32 $0x1C05, s9;
	[sflag:s23] =	ssyncset.done $0x0;
	s18 =	rddreg [dreg:$0x8]  }
0x21: {  	[dreg:$0x11] =	wrdreg s12;
	[sflag:s23] =	ssyncadd.s32 $0xFFFFD8A0;
	s17 =	sshrl.u32 s18, $0x3  }
0x22: {  	[spmem:s17], [sflag:s12] =	dma.local [hbm:s19], $0x2780  }
0x23: {  	_ =	swait.ge [sflag:s23], $0x2780  }
0x24: {  	[sflag:s23] =	ssyncset.done $0x0  }
0x25: {  	[sflag:s23] =	ssyncadd.s32 $0xFFFFD880  }
0x26: {  	[bflag:$0x0] =	sbarrier.arrive $0xFFFF  }
0x27: {  	[tilespmem:s25], [sflag:$0x3] =	stream.linear.gather [hbm4b:s21+s6], $0x70, $0x38;
	[tilespmem:$0x1FBA0] =	vst v63  }
0x28: {  	_ = 	snop  }
0x29: {  	[tilespmem:s26], [sflag:$0x4] =	stream.linear.gather [hbm4b:s22+s6], $0x70, $0x38;
	[tilespmem:$0x1FBA0] =	vst v63  }
0x2a: {  	s11 =	simm.s32 $0x0;
	s18 =	simm.s32 $0x0  }
0x2b: {  	[tilespmem:s29], [sflag:$0x1] =	stream.indirect.gather [hbm4b:s1+s28], $0x80, s14, s28, $0xb8;
	[tilespmem:$0x1FBA0] =	vst v63  }
.LBB2_2:
0x2c: {  	s13 =	sadd.s32 $0xFFFFFFFC, s18  }
0x2d: {  	s9 =	sadd.s32 $0x4, s13  }
0x2e: {  	v0 =	vmov s9  }
0x2f: {  	s14 =	sshllo.u32 s11, $0x1;
	v0 =	vand.u32 $0xFFFFFFFC, v0  }
0x30: {  	s16 =	smul.u32 $0x1C0, s14;
	v0 =	vbroadcast v0, $0x0  }
0x31: {  	_ =	swait.ge [sflag:s30], $0x3800  }
0x32: {  	[sflag:s30] =	ssyncset.done $0x0;
	s9 =	sshra.s32 s16, $0x2  }
0x33: {  	s22 =	simm.s32 $0x18CA0;
	[sflag:s30] =	ssyncadd.s32 $0xFFFFC800;
	s9 =	sadd.s32 $0x13C00, s9  }
0x34: {  	[tilespmem:s31], [sflag:$0x2] =	stream.indirect.gather [hbm4b:s1+s28], $0x80, s9, s28, $0xb8;
	[tilespmem:$0x1FBA0] =	vst v63  }
0x35: {  	v1 =	vld [tilespmem:s22+$0xFFFFFF70]  }
0x36: {  	v0 =	vld.idx.msk [tilespmem:v0+s24+$0x0], $0xffff  }
0x37: {  	v2 =	vld [tilespmem:s22+$0xFFFFFF00]  }
0x38: {  	v3 =	vld [tilespmem:s22+$0xFFFFFF20]  }
0x39: {  	v4 =	vld [tilespmem:s22+$0xFFFFFF50]  }
0x3a: {  	v5 =	vld [tilespmem:s22+$0xFFFFFF40]  }
0x3b: {  	v6 =	vld [tilespmem:s22+$0xFFFFFF60];
	v1 =	vmul.f32 v1, v0  }
0x3c: {  	s19 =	sadd.s32 $0x5, s13;
	v7 =	vld [tilespmem:s22+$0xFFFFFF30];
	v2 =	vmul.f32 v2, v0  }
0x3d: {  	v8 =	vmov s19;
	v9 =	vld [tilespmem:s22+$0xFFFFFF10];
	v3 =	vmul.f32 v3, v0;
	[tilespmem:s22+$0xFFFFFF70] =	vst v1  }
0x3e: {  	v4 =	vmul.f32 v4, v0;
	v1 =	vand.u32 $0xFFFFFFFD, v8;
	[tilespmem:s22+$0xFFFFFF00] =	vst v2  }
0x3f: {  	v2 =	vmul.f32 v5, v0;
	[tilespmem:s22+$0xFFFFFF20] =	vst v3;
	v1 =	vbroadcast v1, $0x0  }
0x40: {  	v3 =	vmul.f32 v6, v0;
	[tilespmem:s22+$0xFFFFFF50] =	vst v4  }
0x41: {  	v4 =	vmul.f32 v7, v0;
	[tilespmem:s22+$0xFFFFFF40] =	vst v2  }
0x42: {  	v0 =	vmul.f32 v9, v0;
	[tilespmem:s22+$0xFFFFFF60] =	vst v3  }
0x43: {  	[tilespmem:s22+$0xFFFFFF30] =	vst v4  }
0x44: {  	[tilespmem:s22+$0xFFFFFF10] =	vst v0;
	v0 =	vld [tilespmem:s22+$0xFFFFFF90]  }
0x45: {  	v2 =	vld.idx.msk [tilespmem:v1+s24+$0x0], $0xffff  }
0x46: {  	v1 =	vld [tilespmem:s22+$0xFFFFFFA0]  }
0x47: {  	v3 =	vld [tilespmem:s22+$0xFFFFFF80]  }
0x48: {  	v4 =	vld [tilespmem:s22+$0xFFFFFFB0]  }
0x49: {  	v5 =	vld [tilespmem:s22+$0xFFFFFFC0]  }
0x4a: {  	v6 =	vld [tilespmem:s22+$0xFFFFFFD0];
	v0 =	vmul.f32 v0, v2  }
0x4b: {  	s21 =	sadd.s32 $0x6, s13;
	v7 =	vld [tilespmem:s22+$0xFFFFFFF0];
	v1 =	vmul.f32 v1, v2  }
0x4c: {  	v63 =	vld [tilespmem:s22+$0xFFFFFFE0];
	v8 =	vmov s21;
	v3 =	vmul.f32 v3, v2;
	[tilespmem:s22+$0xFFFFFF90] =	vst v0  }
0x4d: {  	v4 =	vmul.f32 v4, v2;
	v0 =	vand.u32 $0xFFFFFFFE, v8;
	[tilespmem:s22+$0xFFFFFFA0] =	vst v1  }
0x4e: {  	v1 =	vmul.f32 v5, v2;
	[tilespmem:s22+$0xFFFFFF80] =	vst v3;
	v8 =	vbroadcast v0, $0x0  }
0x4f: {  	v3 =	vmul.f32 v6, v2;
	[tilespmem:s22+$0xFFFFFFB0] =	vst v4;
	v5 =	vld [tilespmem:s22+$0x60]  }
0x50: {  	v4 =	vmul.f32 v7, v2;
	v6 =	vld [tilespmem:s22+$0x0];
	[tilespmem:s22+$0xFFFFFFC0] =	vst v1  }
0x51: {  	v2 =	vmul.f32 v63, v2;
	v0 =	vld [tilespmem:s22+$0x20];
	[tilespmem:s22+$0xFFFFFFD0] =	vst v3  }
0x52: {  	v1 =	vld [tilespmem:s22+$0x30];
	[tilespmem:s22+$0xFFFFFFF0] =	vst v4  }
0x53: {  	v3 =	vld [tilespmem:s22+$0x40];
	[tilespmem:s22+$0xFFFFFFE0] =	vst v2  }
0x54: {  	s13 =	sadd.s32 $0x7, s13;
	v2 =	vld.idx.msk [tilespmem:v8+s24+$0x0], $0xffff  }
0x55: {  	s14 =	simm.s32 $0x18CA0;
	s19 =	smul.u32 $0xE0, s11;
	s9 =	simm.s32 $0x0;
	v4 =	vld [tilespmem:s22+$0x10]  }
.LBB2_3:
0x56: {  	v7 =	vld [tilespmem:s22+$0x50];
	s14 =	sadd.s32 $0x200, s14;
	s21 =	smov.u32 s9;
	s9 =	sadd.s32 $0x4, s9  }
0x57: {  	p0 =	slt.u32 s9, $0x6C;
	v8 =	vld [tilespmem:s22+$0x70];
	_ =	sdelay $0x1  }
0x58: {  	v5 =	vmul.f32 v5, v2;
	v6 =	vmul.f32 v6, v2  }
0x59: {  	v3 =	vmul.f32 v3, v2;
	v4 =	vmul.f32 v4, v2  }
0x5a: {  	v0 =	vmul.f32 v0, v2;
	v1 =	vmul.f32 v1, v2;
	[tilespmem:s22+$0x60] =	vst v5  }
0x5b: {  	[tilespmem:s22+$0x40] =	vst v3;
	v3 =	vmul.f32 v7, v2;
	v2 =	vmul.f32 v8, v2  }
0x5c: {  	[tilespmem:s22+$0x20] =	vst v0;
	v5 =	vld [tilespmem:s22+$0x80]  }
0x5d: {  	v0 =	vld [tilespmem:s14+$0x20];
	[tilespmem:s22+$0x0] =	vst v6;
	v6 =	vmov s13  }
0x5e: {  	[tilespmem:s22+$0x50] =	vst v3;
	v3 =	vld [tilespmem:s22+$0xE0]  }
0x5f: {  	[tilespmem:s22+$0x30] =	vst v1;
	v7 =	vld [tilespmem:s22+$0xC0]  }
0x60: {  	v1 =	vld [tilespmem:s14+$0x30];
	[tilespmem:s22+$0x10] =	vst v4  }
0x61: {  	[tilespmem:s22+$0x70] =	vst v2;
	v2 =	vld [tilespmem:s22+$0xA0]  }
0x62: {  	v4 =	vld.idx.msk [tilespmem:v6+s24+$0x0], $0xffff  }
0x63: {  	v6 =	vld [tilespmem:s22+$0x90]  }
0x64: {  	v8 =	vld [tilespmem:s22+$0xB0]  }
0x65: {  	v9 =	vld [tilespmem:s22+$0xD0]  }
0x66: {  	v10 =	vld [tilespmem:s22+$0xF0];
	_ =	sdelay $0x1  }
0x67: {  	s13 =	sadd.s32 s21, s18;
	v5 =	vmul.f32 v5, v4;
	v6 =	vmul.f32 v6, v4  }
0x68: {  	s21 =	sadd.s32 $0x4, s13;
	s12 =	sadd.s32 $0x5, s13;
	s16 =	sadd.s32 $0x6, s13;
	v2 =	vmul.f32 v2, v4;
	v8 =	vmul.f32 v8, v4  }
0x69: {  	s13 =	sadd.s32 $0x7, s13;
	v11 =	vmov s21;
	[tilespmem:s22+$0x80] =	vst v5;
	v5 =	vmul.f32 v7, v4;
	v7 =	vmul.f32 v9, v4  }
0x6a: {  	v9 =	vand.u32 $0xFFFFFFFC, v11;
	[tilespmem:s22+$0xA0] =	vst v2;
	v2 =	vmul.f32 v3, v4;
	v3 =	vmul.f32 v10, v4  }
0x6b: {  	v4 =	vbroadcast v9, $0x0;
	v9 =	vmov s12;
	v10 =	vmov s16;
	[tilespmem:s22+$0xC0] =	vst v5  }
0x6c: {  	v5 =	vand.u32 $0xFFFFFFFD, v9;
	v9 =	vand.u32 $0xFFFFFFFE, v10;
	[tilespmem:s22+$0xF0] =	vst v3  }
0x6d: {  	v3 =	vld [tilespmem:s14+$0xFFFFFF40];
	[tilespmem:s22+$0xE0] =	vst v2  }
0x6e: {  	v2 =	vld [tilespmem:s14+$0xFFFFFF50];
	[tilespmem:s22+$0x90] =	vst v6  }
0x6f: {  	v6 =	vld [tilespmem:s14+$0xFFFFFF60];
	[tilespmem:s22+$0xB0] =	vst v8  }
0x70: {  	v8 =	vld [tilespmem:s14+$0xFFFFFF70];
	[tilespmem:s22+$0xD0] =	vst v7;
	s22 =	smov.u32 s14  }
0x71: {  	v4 =	vld.idx.msk [tilespmem:v4+s24+$0x0], $0xffff  }
0x72: {  	v7 =	vld [tilespmem:s14+$0xFFFFFF00]  }
0x73: {  	v10 =	vld [tilespmem:s14+$0xFFFFFF20]  }
0x74: {  	v11 =	vld [tilespmem:s14+$0xFFFFFF10]  }
0x75: {  	v12 =	vld [tilespmem:s14+$0xFFFFFF30];
	_ =	sdelay $0x1  }
0x76: {  	v8 =	vmul.f32 v8, v4;
	v7 =	vmul.f32 v7, v4  }
0x77: {  	v6 =	vmul.f32 v6, v4;
	v10 =	vmul.f32 v10, v4  }
0x78: {  	v2 =	vmul.f32 v2, v4;
	v11 =	vmul.f32 v11, v4;
	[tilespmem:s14+$0xFFFFFF70] =	vst v8  }
0x79: {  	v3 =	vmul.f32 v3, v4;
	[tilespmem:s14+$0xFFFFFF00] =	vst v7;
	v7 =	vmul.f32 v12, v4  }
0x7a: {  	v4 =	vbroadcast v5, $0x0;
	[tilespmem:s14+$0xFFFFFF20] =	vst v10  }
0x7b: {  	[tilespmem:s14+$0xFFFFFF50] =	vst v2  }
0x7c: {  	[tilespmem:s14+$0xFFFFFF40] =	vst v3;
	v2 =	vld [tilespmem:s14+$0xFFFFFFF0]  }
0x7d: {  	[tilespmem:s14+$0xFFFFFF60] =	vst v6;
	v3 =	vld [tilespmem:s14+$0xFFFFFFC0]  }
0x7e: {  	[tilespmem:s14+$0xFFFFFF30] =	vst v7;
	v5 =	vld [tilespmem:s14+$0xFFFFFFD0]  }
0x7f: {  	[tilespmem:s14+$0xFFFFFF10] =	vst v11;
	v6 =	vld [tilespmem:s14+$0xFFFFFF90]  }
0x80: {  	v4 =	vld.idx.msk [tilespmem:v4+s24+$0x0], $0xffff  }
0x81: {  	v7 =	vld [tilespmem:s14+$0xFFFFFF80]  }
0x82: {  	v8 =	vld [tilespmem:s14+$0xFFFFFFA0]  }
0x83: {  	v10 =	vld [tilespmem:s14+$0xFFFFFFB0]  }
0x84: {  	v11 =	vld [tilespmem:s14+$0xFFFFFFE0];
	_ =	sdelay $0x1  }
0x85: {  	v6 =	vmul.f32 v6, v4;
	v7 =	vmul.f32 v7, v4  }
0x86: {  	v5 =	vmul.f32 v5, v4;
	v8 =	vmul.f32 v8, v4  }
0x87: {  	v3 =	vmul.f32 v3, v4;
	[tilespmem:s14+$0xFFFFFF90] =	vst v6;
	v6 =	vmul.f32 v10, v4  }
0x88: {  	v2 =	vmul.f32 v2, v4;
	[tilespmem:s14+$0xFFFFFFA0] =	vst v8;
	v8 =	vmul.f32 v11, v4  }
0x89: {  	v4 =	vbroadcast v9, $0x0;
	[tilespmem:s14+$0xFFFFFF80] =	vst v7  }
0x8a: {  	[tilespmem:s14+$0xFFFFFFB0] =	vst v6  }
0x8b: {  	[tilespmem:s14+$0xFFFFFFC0] =	vst v3  }
0x8c: {  	[tilespmem:s14+$0xFFFFFFD0] =	vst v5  }
.Ltmp0:
0x8d: {  	[tilespmem:s14+$0xFFFFFFF0] =	vst v2;
	v3 =	vld [tilespmem:s14+$0x40];
	(pc) =	sbr.rel @p0 .LBB2_3-.Ltmp0, $4  }
0x8e: {  	[tilespmem:s14+$0xFFFFFFE0] =	vst v8;
	v5 =	vld [tilespmem:s14+$0x60]  }
0x8f: {  	v2 =	vld.idx.msk [tilespmem:v4+s24+$0x0], $0xffff  }
0x90: {  	v6 =	vld [tilespmem:s14+$0x0]  }
0x91: {  	v4 =	vld [tilespmem:s14+$0x10]  }
0x92: {  	_ =	sdelay $0x1  }
0x93: {  	v5 =	vmul.f32 v5, v2  }
0x94: {  	v7 =	vld [tilespmem:s22+$0x50];
	v3 =	vmul.f32 v3, v2  }
0x95: {  	v8 =	vld [tilespmem:s22+$0x70];
	v0 =	vmul.f32 v0, v2;
	[tilespmem:s22+$0x60] =	vst v5  }
0x96: {  	v5 =	vmul.f32 v6, v2;
	[tilespmem:s22+$0x40] =	vst v3  }
0x97: {  	[tilespmem:s22+$0x20] =	vst v0;
	v0 =	vmul.f32 v1, v2  }
0x98: {  	v4 =	vmul.f32 v4, v2;
	[tilespmem:s22+$0x0] =	vst v5;
	v5 =	vmov s13  }
0x99: {  	v3 =	vmul.f32 v7, v2;
	[tilespmem:s22+$0x30] =	vst v0  }
0x9a: {  	v2 =	vmul.f32 v8, v2;
	[tilespmem:s22+$0x10] =	vst v4  }
0x9b: {  	[tilespmem:s22+$0x50] =	vst v3  }
0x9c: {  	v1 =	vld [tilespmem:s22+$0x80];
	[tilespmem:s22+$0x70] =	vst v2  }
0x9d: {  	v0 =	vld.idx.msk [tilespmem:v5+s24+$0x0], $0xffff  }
0x9e: {  	v2 =	vld [tilespmem:s22+$0xA0]  }
0x9f: {  	v3 =	vld [tilespmem:s22+$0xC0]  }
0xa0: {  	v4 =	vld [tilespmem:s22+$0xF0]  }
0xa1: {  	v5 =	vld [tilespmem:s22+$0xE0]  }
0xa2: {  	v6 =	vld [tilespmem:s22+$0x90];
	v1 =	vmul.f32 v1, v0  }
0xa3: {  	v7 =	vld [tilespmem:s22+$0xB0];
	v2 =	vmul.f32 v2, v0  }
0xa4: {  	v8 =	vld [tilespmem:s22+$0xD0];
	[tilespmem:s22+$0x80] =	vst v1;
	v1 =	vmul.f32 v3, v0  }
0xa5: {  	[tilespmem:s22+$0xA0] =	vst v2;
	v2 =	vmul.f32 v4, v0  }
0xa6: {  	v3 =	vmul.f32 v5, v0;
	[tilespmem:s22+$0xC0] =	vst v1  }
0xa7: {  	v1 =	vmul.f32 v6, v0;
	[tilespmem:s22+$0xF0] =	vst v2  }
0xa8: {  	v2 =	vmul.f32 v7, v0;
	[tilespmem:s22+$0xE0] =	vst v3  }
0xa9: {  	v0 =	vmul.f32 v8, v0;
	[tilespmem:s22+$0x90] =	vst v1  }
0xaa: {  	[tilespmem:s22+$0xB0] =	vst v2  }
0xab: {  	[tilespmem:s22+$0xD0] =	vst v0  }
0xac: {  	_ =	swait.ge [sflag:s2], $0x70  }
0xad: {  	[sflag:s2] =	ssyncset.done $0x0  }
0xae: {  	[sflag:s2] =	ssyncadd.s32 $0xFFFFFF90  }
0xaf: {  	[spmem:s4] =	stream.indirect.scatter.add.f32 [tilespmem:s29], [sflag:$0x5], $0x80, s25, s28, $0xb8;
	[tilespmem:$0x1FBA0] =	vst v63  }
0xb0: {  	_ =	swait.ge [sflag:s23], $0x3800  }
0xb1: {  	p0 =	seq.s32 s11, $0x2C;
	[sflag:s23] =	ssyncset.done $0x0  }
0xb2: {  	s9 =	simm.s32 @p0 $0x2;
	[sflag:s23] =	ssyncadd.s32 $0xFFFFC800  }
0xb3: {  	s12 =	sadd.s32 @!p0 s5, s19;
	_ =	swait.ge @p0 [sflag:s9], $0x3800  }
0xb4: {  	s12 =	sshrl.u32 @!p0 s12, $0x3;
	[sflag:s9] =	ssyncset.done @p0 $0x0  }
0xb5: {  	[sflag:s9] =	ssyncadd.s32 @p0 $0xFFFFC800;
	s9 =	sadd.s32 @!p0 s7, s12  }
0xb6: {  	s13 =	simm.s32 @!p0 $0x18AC0;
	s12 =	simm.s32 @!p0 $0x0;
	s9 =	sadd.s32 @!p0 $0x1C, s9  }
0xb7: {  	[tilespmem:s13], [sflag:$0x3] =	stream.linear.gather @!p0 [hbm4b:s9+s12], $0x70, $0x38;
	[tilespmem:$0x1FBA0] =	vst v63  }
0xb8: {  	s13 =	sadd.s32 $0xFFFFFFFC, s18  }
0xb9: {  	s14 =	sadd.s32 $0x74, s13  }
0xba: {  	v0 =	vmov s14  }
0xbb: {  	v0 =	vand.u32 $0xFFFFFFFC, v0  }
0xbc: {  	s12 =	simm.s32 @!p0 $0x2;
	v0 =	vbroadcast v0, $0x0  }
0xbd: {  	_ =	swait.ge @!p0 [sflag:s12], $0x3800  }
0xbe: {  	s22 =	simm.s32 $0x1C4A0;
	s9 =	sadd.s32 @!p0 $0x13CE0, s19;
	[sflag:s12] =	ssyncset.done @!p0 $0x0  }
0xbf: {  	s14 =	simm.s32 @!p0 $0x18BA0;
	[sflag:s12] =	ssyncadd.s32 @!p0 $0xFFFFC800;
	s12 =	simm.s32 @!p0 $0x70  }
0xc0: {  	[tilespmem:s14], [sflag:$0x1] =	stream.indirect.gather @!p0 [hbm4b:s1+s12], $0x80, s9, s12, $0xb8;
	[tilespmem:$0x1FBA0] =	vst v63  }
0xc1: {  	v1 =	vld [tilespmem:s22+$0xFFFFFF70]  }
0xc2: {  	v0 =	vld.idx.msk [tilespmem:v0+s24+$0x0], $0xffff  }
0xc3: {  	v2 =	vld [tilespmem:s22+$0xFFFFFF00]  }
0xc4: {  	v3 =	vld [tilespmem:s22+$0xFFFFFF20]  }
0xc5: {  	v4 =	vld [tilespmem:s22+$0xFFFFFF50]  }
0xc6: {  	v5 =	vld [tilespmem:s22+$0xFFFFFF40]  }
0xc7: {  	v6 =	vld [tilespmem:s22+$0xFFFFFF60];
	v1 =	vmul.f32 v1, v0  }
0xc8: {  	s16 =	sadd.s32 $0x75, s13;
	v7 =	vld [tilespmem:s22+$0xFFFFFF30];
	v2 =	vmul.f32 v2, v0  }
0xc9: {  	v8 =	vmov s16;
	v9 =	vld [tilespmem:s22+$0xFFFFFF10];
	v3 =	vmul.f32 v3, v0;
	[tilespmem:s22+$0xFFFFFF70] =	vst v1  }
0xca: {  	v4 =	vmul.f32 v4, v0;
	v1 =	vand.u32 $0xFFFFFFFD, v8;
	[tilespmem:s22+$0xFFFFFF00] =	vst v2  }
0xcb: {  	v2 =	vmul.f32 v5, v0;
	[tilespmem:s22+$0xFFFFFF20] =	vst v3;
	v1 =	vbroadcast v1, $0x0  }
0xcc: {  	v3 =	vmul.f32 v6, v0;
	[tilespmem:s22+$0xFFFFFF50] =	vst v4  }
0xcd: {  	v4 =	vmul.f32 v7, v0;
	[tilespmem:s22+$0xFFFFFF40] =	vst v2  }
0xce: {  	v0 =	vmul.f32 v9, v0;
	[tilespmem:s22+$0xFFFFFF60] =	vst v3  }
0xcf: {  	[tilespmem:s22+$0xFFFFFF30] =	vst v4  }
0xd0: {  	[tilespmem:s22+$0xFFFFFF10] =	vst v0;
	v0 =	vld [tilespmem:s22+$0xFFFFFF90]  }
0xd1: {  	v2 =	vld.idx.msk [tilespmem:v1+s24+$0x0], $0xffff  }
0xd2: {  	v1 =	vld [tilespmem:s22+$0xFFFFFFA0]  }
0xd3: {  	v3 =	vld [tilespmem:s22+$0xFFFFFF80]  }
0xd4: {  	v4 =	vld [tilespmem:s22+$0xFFFFFFB0]  }
0xd5: {  	v5 =	vld [tilespmem:s22+$0xFFFFFFC0]  }
0xd6: {  	v6 =	vld [tilespmem:s22+$0xFFFFFFD0];
	v0 =	vmul.f32 v0, v2  }
0xd7: {  	s21 =	sadd.s32 $0x76, s13;
	v7 =	vld [tilespmem:s22+$0xFFFFFFF0];
	v1 =	vmul.f32 v1, v2  }
0xd8: {  	v63 =	vld [tilespmem:s22+$0xFFFFFFE0];
	v8 =	vmov s21;
	v3 =	vmul.f32 v3, v2;
	[tilespmem:s22+$0xFFFFFF90] =	vst v0  }
0xd9: {  	v4 =	vmul.f32 v4, v2;
	v0 =	vand.u32 $0xFFFFFFFE, v8;
	[tilespmem:s22+$0xFFFFFFA0] =	vst v1  }
0xda: {  	v1 =	vmul.f32 v5, v2;
	[tilespmem:s22+$0xFFFFFF80] =	vst v3;
	v8 =	vbroadcast v0, $0x0  }
0xdb: {  	v3 =	vmul.f32 v6, v2;
	[tilespmem:s22+$0xFFFFFFB0] =	vst v4;
	v5 =	vld [tilespmem:s22+$0x60]  }
0xdc: {  	v4 =	vmul.f32 v7, v2;
	v6 =	vld [tilespmem:s22+$0x0];
	[tilespmem:s22+$0xFFFFFFC0] =	vst v1  }
0xdd: {  	v2 =	vmul.f32 v63, v2;
	v0 =	vld [tilespmem:s22+$0x20];
	[tilespmem:s22+$0xFFFFFFD0] =	vst v3  }
0xde: {  	v1 =	vld [tilespmem:s22+$0x30];
	[tilespmem:s22+$0xFFFFFFF0] =	vst v4  }
0xdf: {  	v3 =	vld [tilespmem:s22+$0x40];
	[tilespmem:s22+$0xFFFFFFE0] =	vst v2  }
0xe0: {  	v2 =	vld.idx.msk [tilespmem:v8+s24+$0x0], $0xffff  }
0xe1: {  	s13 =	sadd.s32 $0x77, s13;
	s9 =	simm.s32 $0x0;
	s14 =	simm.s32 $0x1C4A0;
	v4 =	vld [tilespmem:s22+$0x10]  }
.LBB2_5:
0xe2: {  	v7 =	vld [tilespmem:s22+$0x50];
	s14 =	sadd.s32 $0x200, s14;
	s12 =	smov.u32 s9;
	s9 =	sadd.s32 $0x4, s9  }
0xe3: {  	p1 =	slt.u32 s9, $0x6C;
	v8 =	vld [tilespmem:s22+$0x70];
	_ =	sdelay $0x1  }
0xe4: {  	v5 =	vmul.f32 v5, v2;
	v6 =	vmul.f32 v6, v2  }
0xe5: {  	v3 =	vmul.f32 v3, v2;
	v4 =	vmul.f32 v4, v2  }
0xe6: {  	v0 =	vmul.f32 v0, v2;
	v1 =	vmul.f32 v1, v2;
	[tilespmem:s22+$0x60] =	vst v5  }
0xe7: {  	[tilespmem:s22+$0x40] =	vst v3;
	v3 =	vmul.f32 v7, v2;
	v2 =	vmul.f32 v8, v2  }
0xe8: {  	[tilespmem:s22+$0x20] =	vst v0;
	v5 =	vld [tilespmem:s22+$0x80]  }
0xe9: {  	v0 =	vld [tilespmem:s14+$0x20];
	[tilespmem:s22+$0x0] =	vst v6;
	v6 =	vmov s13  }
0xea: {  	[tilespmem:s22+$0x50] =	vst v3;
	v3 =	vld [tilespmem:s22+$0xE0]  }
0xeb: {  	[tilespmem:s22+$0x30] =	vst v1;
	v7 =	vld [tilespmem:s22+$0xC0]  }
0xec: {  	v1 =	vld [tilespmem:s14+$0x30];
	[tilespmem:s22+$0x10] =	vst v4  }
0xed: {  	[tilespmem:s22+$0x70] =	vst v2;
	v2 =	vld [tilespmem:s22+$0xA0]  }
0xee: {  	v4 =	vld.idx.msk [tilespmem:v6+s24+$0x0], $0xffff  }
0xef: {  	v6 =	vld [tilespmem:s22+$0x90]  }
0xf0: {  	v8 =	vld [tilespmem:s22+$0xB0]  }
0xf1: {  	v9 =	vld [tilespmem:s22+$0xD0]  }
0xf2: {  	v10 =	vld [tilespmem:s22+$0xF0];
	_ =	sdelay $0x1  }
0xf3: {  	s12 =	sadd.s32 s12, s18;
	v5 =	vmul.f32 v5, v4;
	v6 =	vmul.f32 v6, v4  }
0xf4: {  	s16 =	sadd.s32 $0x75, s12;
	s21 =	sadd.s32 $0x76, s12;
	s13 =	sadd.s32 $0x74, s12;
	v2 =	vmul.f32 v2, v4;
	v8 =	vmul.f32 v8, v4  }
0xf5: {  	v11 =	vmov s13;
	s13 =	sadd.s32 $0x77, s12;
	[tilespmem:s22+$0x80] =	vst v5;
	v5 =	vmul.f32 v7, v4;
	v7 =	vmul.f32 v9, v4  }
0xf6: {  	v9 =	vand.u32 $0xFFFFFFFC, v11;
	[tilespmem:s22+$0xA0] =	vst v2;
	v2 =	vmul.f32 v3, v4;
	v3 =	vmul.f32 v10, v4  }
0xf7: {  	v4 =	vbroadcast v9, $0x0;
	v9 =	vmov s16;
	v10 =	vmov s21;
	[tilespmem:s22+$0xC0] =	vst v5  }
0xf8: {  	v5 =	vand.u32 $0xFFFFFFFD, v9;
	v9 =	vand.u32 $0xFFFFFFFE, v10;
	[tilespmem:s22+$0xF0] =	vst v3  }
0xf9: {  	v3 =	vld [tilespmem:s14+$0xFFFFFF40];
	[tilespmem:s22+$0xE0] =	vst v2  }
0xfa: {  	v2 =	vld [tilespmem:s14+$0xFFFFFF50];
	[tilespmem:s22+$0x90] =	vst v6  }
0xfb: {  	v6 =	vld [tilespmem:s14+$0xFFFFFF60];
	[tilespmem:s22+$0xB0] =	vst v8  }
0xfc: {  	v8 =	vld [tilespmem:s14+$0xFFFFFF70];
	[tilespmem:s22+$0xD0] =	vst v7;
	s22 =	smov.u32 s14  }
0xfd: {  	v4 =	vld.idx.msk [tilespmem:v4+s24+$0x0], $0xffff  }
0xfe: {  	v7 =	vld [tilespmem:s14+$0xFFFFFF00]  }
0xff: {  	v10 =	vld [tilespmem:s14+$0xFFFFFF20]  }
0x100: {  	v11 =	vld [tilespmem:s14+$0xFFFFFF10]  }
0x101: {  	v12 =	vld [tilespmem:s14+$0xFFFFFF30];
	_ =	sdelay $0x1  }
0x102: {  	v8 =	vmul.f32 v8, v4;
	v7 =	vmul.f32 v7, v4  }
0x103: {  	v6 =	vmul.f32 v6, v4;
	v10 =	vmul.f32 v10, v4  }
0x104: {  	v2 =	vmul.f32 v2, v4;
	v11 =	vmul.f32 v11, v4;
	[tilespmem:s14+$0xFFFFFF70] =	vst v8  }
0x105: {  	v3 =	vmul.f32 v3, v4;
	[tilespmem:s14+$0xFFFFFF00] =	vst v7;
	v7 =	vmul.f32 v12, v4  }
0x106: {  	v4 =	vbroadcast v5, $0x0;
	[tilespmem:s14+$0xFFFFFF20] =	vst v10  }
0x107: {  	[tilespmem:s14+$0xFFFFFF50] =	vst v2  }
0x108: {  	[tilespmem:s14+$0xFFFFFF40] =	vst v3;
	v2 =	vld [tilespmem:s14+$0xFFFFFFF0]  }
0x109: {  	[tilespmem:s14+$0xFFFFFF60] =	vst v6;
	v3 =	vld [tilespmem:s14+$0xFFFFFFC0]  }
0x10a: {  	[tilespmem:s14+$0xFFFFFF30] =	vst v7;
	v5 =	vld [tilespmem:s14+$0xFFFFFFD0]  }
0x10b: {  	[tilespmem:s14+$0xFFFFFF10] =	vst v11;
	v6 =	vld [tilespmem:s14+$0xFFFFFF90]  }
0x10c: {  	v4 =	vld.idx.msk [tilespmem:v4+s24+$0x0], $0xffff  }
0x10d: {  	v7 =	vld [tilespmem:s14+$0xFFFFFF80]  }
0x10e: {  	v8 =	vld [tilespmem:s14+$0xFFFFFFA0]  }
0x10f: {  	v10 =	vld [tilespmem:s14+$0xFFFFFFB0]  }
0x110: {  	v11 =	vld [tilespmem:s14+$0xFFFFFFE0];
	_ =	sdelay $0x1  }
0x111: {  	v6 =	vmul.f32 v6, v4;
	v7 =	vmul.f32 v7, v4  }
0x112: {  	v5 =	vmul.f32 v5, v4;
	v8 =	vmul.f32 v8, v4  }
0x113: {  	v3 =	vmul.f32 v3, v4;
	[tilespmem:s14+$0xFFFFFF90] =	vst v6;
	v6 =	vmul.f32 v10, v4  }
0x114: {  	v2 =	vmul.f32 v2, v4;
	[tilespmem:s14+$0xFFFFFFA0] =	vst v8;
	v8 =	vmul.f32 v11, v4  }
0x115: {  	v4 =	vbroadcast v9, $0x0;
	[tilespmem:s14+$0xFFFFFF80] =	vst v7  }
0x116: {  	[tilespmem:s14+$0xFFFFFFB0] =	vst v6  }
0x117: {  	[tilespmem:s14+$0xFFFFFFC0] =	vst v3  }
0x118: {  	[tilespmem:s14+$0xFFFFFFD0] =	vst v5  }
.Ltmp1:
0x119: {  	[tilespmem:s14+$0xFFFFFFF0] =	vst v2;
	v3 =	vld [tilespmem:s14+$0x40];
	(pc) =	sbr.rel @p1 .LBB2_5-.Ltmp1, $4  }
0x11a: {  	[tilespmem:s14+$0xFFFFFFE0] =	vst v8;
	v5 =	vld [tilespmem:s14+$0x60]  }
0x11b: {  	v2 =	vld.idx.msk [tilespmem:v4+s24+$0x0], $0xffff  }
0x11c: {  	v6 =	vld [tilespmem:s14+$0x0]  }
0x11d: {  	v4 =	vld [tilespmem:s14+$0x10]  }
0x11e: {  	_ =	sdelay $0x1  }
0x11f: {  	v5 =	vmul.f32 v5, v2  }
0x120: {  	v7 =	vld [tilespmem:s22+$0x50];
	v3 =	vmul.f32 v3, v2  }
0x121: {  	v8 =	vld [tilespmem:s22+$0x70];
	v0 =	vmul.f32 v0, v2;
	[tilespmem:s22+$0x60] =	vst v5  }
0x122: {  	v48 =	vmul.f32 v1, v2;
	[tilespmem:s22+$0x40] =	vst v3  }
0x123: {  	v46 =	vmul.f32 v6, v2;
	[tilespmem:s22+$0x20] =	vst v0  }
0x124: {  	v50 =	vmov s13;
	v4 =	vmul.f32 v4, v2;
	[tilespmem:s22+$0x30] =	vst v48  }
0x125: {  	v47 =	vmul.f32 v7, v2;
	[tilespmem:s22+$0x0] =	vst v46  }
0x126: {  	v51 =	vmul.f32 v8, v2;
	[tilespmem:s22+$0x10] =	vst v4  }
0x127: {  	[tilespmem:s22+$0x50] =	vst v47  }
0x128: {  	v49 =	vld [tilespmem:s22+$0x80];
	[tilespmem:s22+$0x70] =	vst v51  }
0x129: {  	v0 =	vld.idx.msk [tilespmem:v50+s24+$0x0], $0xffff  }
0x12a: {  	v52 =	vld [tilespmem:s22+$0xA0]  }
0x12b: {  	v53 =	vld [tilespmem:s22+$0xC0]  }
0x12c: {  	v54 =	vld [tilespmem:s22+$0xF0]  }
0x12d: {  	v55 =	vld [tilespmem:s22+$0xE0]  }
0x12e: {  	v56 =	vld [tilespmem:s22+$0x90];
	v1 =	vmul.f32 v49, v0  }
0x12f: {  	v57 =	vld [tilespmem:s22+$0xB0];
	v2 =	vmul.f32 v52, v0  }
0x130: {  	v58 =	vld [tilespmem:s22+$0xD0];
	v59 =	vmul.f32 v53, v0;
	[tilespmem:s22+$0x80] =	vst v1  }
0x131: {  	v60 =	vmul.f32 v54, v0;
	[tilespmem:s22+$0xA0] =	vst v2  }
0x132: {  	v61 =	vmul.f32 v55, v0;
	[tilespmem:s22+$0xC0] =	vst v59  }
0x133: {  	v62 =	vmul.f32 v56, v0;
	[tilespmem:s22+$0xF0] =	vst v60  }
0x134: {  	v63 =	vmul.f32 v57, v0;
	[tilespmem:s22+$0xE0] =	vst v61  }
0x135: {  	v0 =	vmul.f32 v58, v0;
	[tilespmem:s22+$0x90] =	vst v62  }
0x136: {  	[tilespmem:s22+$0xB0] =	vst v63  }
0x137: {  	[tilespmem:s22+$0xD0] =	vst v0  }
0x138: {  	_ =	swait.ge [sflag:s0], $0x70  }
0x139: {  	[sflag:s0] =	ssyncset.done $0x0  }
.Ltmp2:
0x13a: {  	[sflag:s0] =	ssyncadd.s32 $0xFFFFFF90;
	(pc) =	sbr.rel @p0 .LBB2_8-.Ltmp2, $4  }
0x13b: {  	[spmem:s4] =	stream.indirect.scatter.add.f32 [tilespmem:s31], [sflag:$0x5], $0x80, s26, s28, $0xb8;
	[tilespmem:$0x1FBA0] =	vst v63  }
0x13c: {  	_ =	swait.ge [sflag:s23], $0x3800  }
0x13d: {  	[sflag:s23] =	ssyncset.done $0x0  }
0x13e: {  	[sflag:s23] =	ssyncadd.s32 $0xFFFFC800  }
.Ltmp3:
0x13f: {  	(pc) =	sbr.rel .LBB2_2-.Ltmp3, $4  }
0x140: {  	s9 =	sadd.s32 s19, s15  }
0x141: {  	s9 =	sshrl.u32 s9, $0x3  }
0x142: {  	s11 =	sadd.s32 $0x1, s11;
	s18 =	sadd.s32 $0xE0, s18;
	s9 =	sadd.s32 s7, s9  }
0x143: {  	[tilespmem:s26], [sflag:$0x4] =	stream.linear.gather [hbm4b:s9+s6], $0x70, $0x38;
	[tilespmem:$0x1FBA0] =	vst v63  }
.LBB2_8:
0x144: {  	[bflag:$0x0] =	sbarrier.arrive $0xFFFF  }
0x145: {  	s9 =	rddreg [dreg:$0xb]  }
0x146: {  	s11 =	rddreg [dreg:$0x11]  }
0x147: {  	[hbm:s9], [sflag:s11] =	dma.local [spmem:s17], $0x2780  }
0x148: {  	_ =	swait.ge [sflag:s23], $0x2780  }
0x149: {  	[sflag:s23] =	ssyncset.done $0x0  }
0x14a: {  	[sflag:s23] =	ssyncadd.s32 $0xFFFFD880  }
0x14b: {  	[bflag:$0x0] =	sbarrier.arrive $0xFFFF  }
0x14c: {  	s19 =	rddreg [dreg:$0x5]  }
0x14d: {  	[spmem:s17], [sflag:s11] =	dma.local [hbm:s19], $0x2780  }
0x14e: {  	_ =	swait.ge [sflag:s23], $0x2780  }
0x14f: {  	[sflag:s23] =	ssyncset.done $0x0  }
0x150: {  	[sflag:s23] =	ssyncadd.s32 $0xFFFFD880  }
0x151: {  	[bflag:$0x0] =	sbarrier.arrive $0xFFFF  }
0x152: {  	s12 =	simm.s32 $0x0;
	s21 =	rddreg [dreg:$0x9]  }
0x153: {  	[tilespmem:s25], [sflag:$0x3] =	stream.linear.gather [hbm4b:s21+s12], $0x70, $0x38;
	[tilespmem:$0x1FBA0] =	vst v63  }
0x154: {  	s22 =	rddreg [dreg:$0xa]  }
0x155: {  	[tilespmem:s26], [sflag:$0x4] =	stream.linear.gather [hbm4b:s22+s12], $0x70, $0x38;
	[tilespmem:$0x1FBA0] =	vst v63  }
0x156: {  	s13 =	simm.s32 $0x13C00  }
0x157: {  	[tilespmem:s29], [sflag:$0x1] =	stream.indirect.gather [hbm4b:s3+s28], $0x80, s13, s28, $0xb8;
	[tilespmem:$0x1FBA0] =	vst v63  }
0x158: {  	_ =	swait.ge [sflag:s30], $0x3800  }
0x159: {  	[sflag:s30] =	ssyncset.done $0x0  }
0x15a: {  	s14 =	simm.s32 $0x13C70;
	[sflag:s30] =	ssyncadd.s32 $0xFFFFC800  }
0x15b: {  	[tilespmem:s31], [sflag:$0x2] =	stream.indirect.gather [hbm4b:s3+s28], $0x80, s14, s28, $0xb8;
	[tilespmem:$0x1FBA0] =	vst v63  }
0x15c: {  	_ =	swait.ge [sflag:s2], $0x70  }
0x15d: {  	[sflag:s2] =	ssyncset.done $0x0  }
0x15e: {  	[sflag:s2] =	ssyncadd.s32 $0xFFFFFF90  }
0x15f: {  	[spmem:s4] =	stream.indirect.scatter.add.f32 [tilespmem:s29], [sflag:$0x5], $0x80, s25, s28, $0xb8;
	[tilespmem:$0x1FBA0] =	vst v63  }
0x160: {  	_ =	swait.ge [sflag:s23], $0x3800  }
0x161: {  	s12 =	rddreg [dreg:$0xf]  }
0x162: {  	[sflag:s23] =	ssyncset.done $0x0;
	s16 =	sshrl.u32 s12, $0x3  }
0x163: {  	[sflag:s23] =	ssyncadd.s32 $0xFFFFC800;
	s9 =	sadd.s32 s7, s16  }
0x164: {  	[tilespmem:s25], [sflag:$0x3] =	stream.linear.gather [hbm4b:s9+s6], $0x70, $0x38;
	[tilespmem:$0x1FBA0] =	vst v63  }
0x165: {  	_ =	swait.ge [sflag:s10], $0x3800  }
0x166: {  	[sflag:s10] =	ssyncset.done $0x0  }
0x167: {  	s18 =	simm.s32 $0x13CE0;
	[sflag:s10] =	ssyncadd.s32 $0xFFFFC800  }
0x168: {  	[tilespmem:s29], [sflag:$0x1] =	stream.indirect.gather [hbm4b:s3+s28], $0x80, s18, s28, $0xb8;
	[tilespmem:$0x1FBA0] =	vst v63  }
0x169: {  	_ =	swait.ge [sflag:s0], $0x70  }
0x16a: {  	[sflag:s0] =	ssyncset.done $0x0  }
0x16b: {  	[sflag:s0] =	ssyncadd.s32 $0xFFFFFF90  }
0x16c: {  	[spmem:s4] =	stream.indirect.scatter.add.f32 [tilespmem:s31], [sflag:$0x5], $0x80, s26, s28, $0xb8;
	[tilespmem:$0x1FBA0] =	vst v63  }
0x16d: {  	_ =	swait.ge [sflag:s23], $0x3800  }
0x16e: {  	s11 =	simm.s32 $0x1C;
	s14 =	simm.s32 $0x13D50;
	[sflag:s23] =	ssyncset.done $0x0  }
0x16f: {  	s13 =	sadd.s32 $0xE0, s12;
	s18 =	sadd.s32 $0x0, s20;
	[sflag:s23] =	ssyncadd.s32 $0xFFFFC800  }
.LBB2_9:
0x170: {  	[tilespmem:s26], [sflag:$0x4] =	stream.linear.gather [hbm4b:s18+s6], $0x70, $0x38;
	[tilespmem:$0x1FBA0] =	vst v63  }
0x171: {  	s12 =	smov.u32 s11  }
0x172: {  	p0 =	sne.s32 s11, $0x4B4;
	s11 =	sadd.s32 $0x1C, s11;
	_ =	swait.ge [sflag:s30], $0x3800  }
0x173: {  	[sflag:s30] =	ssyncset.done $0x0  }
0x174: {  	[sflag:s30] =	ssyncadd.s32 $0xFFFFC800  }
0x175: {  	[tilespmem:s31], [sflag:$0x2] =	stream.indirect.gather [hbm4b:s3+s28], $0x80, s14, s28, $0xb8;
	[tilespmem:$0x1FBA0] =	vst v63  }
0x176: {  	_ =	swait.ge [sflag:s2], $0x70  }
0x177: {  	[sflag:s2] =	ssyncset.done $0x0  }
0x178: {  	[sflag:s2] =	ssyncadd.s32 $0xFFFFFF90  }
0x179: {  	[spmem:s4] =	stream.indirect.scatter.add.f32 [tilespmem:s29], [sflag:$0x5], $0x80, s25, s28, $0xb8;
	[tilespmem:$0x1FBA0] =	vst v63  }
0x17a: {  	_ =	swait.ge [sflag:s23], $0x3800  }
0x17b: {  	s16 =	sshrl.u32 s13, $0x3;
	[sflag:s23] =	ssyncset.done $0x0  }
0x17c: {  	s16 =	sadd.s32 s7, s16;
	[sflag:s23] =	ssyncadd.s32 $0xFFFFC800  }
0x17d: {  	[tilespmem:s25], [sflag:$0x3] =	stream.linear.gather [hbm4b:s16+s6], $0x70, $0x38;
	[tilespmem:$0x1FBA0] =	vst v63  }
0x17e: {  	_ =	swait.ge [sflag:s10], $0x3800  }
0x17f: {  	[sflag:s10] =	ssyncset.done $0x0  }
0x180: {  	s16 =	sadd.s32 $0x70, s14;
	[sflag:s10] =	ssyncadd.s32 $0xFFFFC800  }
0x181: {  	[tilespmem:s29], [sflag:$0x1] =	stream.indirect.gather [hbm4b:s3+s28], $0x80, s16, s28, $0xb8;
	[tilespmem:$0x1FBA0] =	vst v63  }
0x182: {  	_ =	swait.ge [sflag:s0], $0x70  }
0x183: {  	[sflag:s0] =	ssyncset.done $0x0  }
.Ltmp4:
0x184: {  	[sflag:s0] =	ssyncadd.s32 $0xFFFFFF90;
	(pc) =	sbr.rel @p0 .LBB2_9-.Ltmp4, $4  }
0x185: {  	[spmem:s4] =	stream.indirect.scatter.add.f32 [tilespmem:s31], [sflag:$0x5], $0x80, s26, s28, $0xb8;
	[tilespmem:$0x1FBA0] =	vst v63  }
0x186: {  	_ =	swait.ge [sflag:s23], $0x3800  }
0x187: {  	s13 =	sadd.s32 $0xE0, s13;
	[sflag:s23] =	ssyncset.done $0x0  }
0x188: {  	s18 =	sadd.s32 s12, s20;
	s14 =	sadd.s32 $0xE0, s14;
	[sflag:s23] =	ssyncadd.s32 $0xFFFFC800  }
0x189: {  	[tilespmem:s26], [sflag:$0x4] =	stream.linear.gather [hbm4b:s18+s6], $0x70, $0x38;
	[tilespmem:$0x1FBA0] =	vst v63  }
0x18a: {  	_ =	swait.ge [sflag:s30], $0x3800  }
0x18b: {  	[sflag:s30] =	ssyncset.done $0x0  }
0x18c: {  	s16 =	simm.s32 $0x162F0;
	[sflag:s30] =	ssyncadd.s32 $0xFFFFC800  }
0x18d: {  	[tilespmem:s31], [sflag:$0x2] =	stream.indirect.gather [hbm4b:s3+s28], $0x80, s16, s28, $0xb8;
	[tilespmem:$0x1FBA0] =	vst v63  }
0x18e: {  	_ =	swait.ge [sflag:s2], $0x70  }
0x18f: {  	[sflag:s2] =	ssyncset.done $0x0  }
0x190: {  	[sflag:s2] =	ssyncadd.s32 $0xFFFFFF90  }
0x191: {  	[spmem:s4] =	stream.indirect.scatter.add.f32 [tilespmem:s29], [sflag:$0x5], $0x80, s25, s28, $0xb8;
	[tilespmem:$0x1FBA0] =	vst v63  }
0x192: {  	_ =	swait.ge [sflag:s23], $0x3800  }
0x193: {  	[sflag:s23] =	ssyncset.done $0x0  }
0x194: {  	[sflag:s23] =	ssyncadd.s32 $0xFFFFC800  }
0x195: {  	_ =	swait.ge [sflag:s10], $0x3800  }
0x196: {  	[sflag:s10] =	ssyncset.done $0x0  }
0x197: {  	[sflag:s10] =	ssyncadd.s32 $0xFFFFC800  }
0x198: {  	_ =	swait.ge [sflag:s0], $0x70  }
0x199: {  	[sflag:s0] =	ssyncset.done $0x0  }
0x19a: {  	[sflag:s0] =	ssyncadd.s32 $0xFFFFFF90  }
0x19b: {  	[spmem:s4] =	stream.indirect.scatter.add.f32 [tilespmem:s31], [sflag:$0x5], $0x80, s26, s28, $0xb8;
	[tilespmem:$0x1FBA0] =	vst v63  }
0x19c: {  	_ =	swait.ge [sflag:s23], $0x3800  }
0x19d: {  	[sflag:s23] =	ssyncset.done $0x0  }
0x19e: {  	[sflag:s23] =	ssyncadd.s32 $0xFFFFC800  }
0x19f: {  	[bflag:$0x0] =	sbarrier.arrive $0xFFFF  }
0x1a0: {  	s11 =	rddreg [dreg:$0xc]  }
0x1a1: {  	s12 =	rddreg [dreg:$0x11]  }
0x1a2: {  	[hbm:s11], [sflag:s12] =	dma.local [spmem:s17], $0x2780  }
0x1a3: {  	_ =	swait.ge [sflag:s23], $0x2780  }
0x1a4: {  	[sflag:s23] =	ssyncset.done $0x0  }
0x1a5: {  	[sflag:s23] =	ssyncadd.s32 $0xFFFFD880  }
0x1a6: {  	[bflag:$0x0] =	sbarrier.arrive $0xFFFF  }
0x1a7: {  	[spmem:s17], [sflag:s12] =	dma.local [hbm:s19], $0x2780  }
0x1a8: {  	_ =	swait.ge [sflag:s23], $0x2780  }
0x1a9: {  	[sflag:s23] =	ssyncset.done $0x0  }
0x1aa: {  	[sflag:s23] =	ssyncadd.s32 $0xFFFFD880  }
0x1ab: {  	s18 =	simm.s32 $0x0;
	[bflag:$0x0] =	sbarrier.arrive $0xFFFF  }
0x1ac: {  	[tilespmem:s25], [sflag:$0x3] =	stream.linear.gather [hbm4b:s21+s18], $0x70, $0x38;
	[tilespmem:$0x1FBA0] =	vst v63  }
0x1ad: {  	_ = 	snop  }
0x1ae: {  	[tilespmem:s26], [sflag:$0x4] =	stream.linear.gather [hbm4b:s22+s18], $0x70, $0x38;
	[tilespmem:$0x1FBA0] =	vst v63  }
0x1af: {  	s12 =	simm.s32 $0x13C00  }
0x1b0: {  	[tilespmem:s29], [sflag:$0x1] =	stream.indirect.gather [hbm4b:s8+s28], $0x80, s12, s28, $0xb8;
	[tilespmem:$0x1FBA0] =	vst v63  }
0x1b1: {  	_ =	swait.ge [sflag:s30], $0x3800  }
0x1b2: {  	[sflag:s30] =	ssyncset.done $0x0  }
0x1b3: {  	s13 =	simm.s32 $0x13C70;
	[sflag:s30] =	ssyncadd.s32 $0xFFFFC800  }
0x1b4: {  	[tilespmem:s31], [sflag:$0x2] =	stream.indirect.gather [hbm4b:s8+s28], $0x80, s13, s28, $0xb8;
	[tilespmem:$0x1FBA0] =	vst v63  }
0x1b5: {  	_ =	swait.ge [sflag:s2], $0x70  }
0x1b6: {  	[sflag:s2] =	ssyncset.done $0x0  }
0x1b7: {  	[sflag:s2] =	ssyncadd.s32 $0xFFFFFF90  }
0x1b8: {  	[spmem:s4] =	stream.indirect.scatter.add.f32 [tilespmem:s29], [sflag:$0x5], $0x80, s25, s28, $0xb8;
	[tilespmem:$0x1FBA0] =	vst v63  }
0x1b9: {  	_ =	swait.ge [sflag:s23], $0x3800  }
0x1ba: {  	[sflag:s23] =	ssyncset.done $0x0  }
0x1bb: {  	[sflag:s23] =	ssyncadd.s32 $0xFFFFC800  }
0x1bc: {  	[tilespmem:s25], [sflag:$0x3] =	stream.linear.gather [hbm4b:s9+s6], $0x70, $0x38;
	[tilespmem:$0x1FBA0] =	vst v63  }
0x1bd: {  	_ =	swait.ge [sflag:s10], $0x3800  }
0x1be: {  	[sflag:s10] =	ssyncset.done $0x0  }
0x1bf: {  	s14 =	simm.s32 $0x13CE0;
	[sflag:s10] =	ssyncadd.s32 $0xFFFFC800  }
0x1c0: {  	[tilespmem:s29], [sflag:$0x1] =	stream.indirect.gather [hbm4b:s8+s28], $0x80, s14, s28, $0xb8;
	[tilespmem:$0x1FBA0] =	vst v63  }
0x1c1: {  	_ =	swait.ge [sflag:s0], $0x70  }
0x1c2: {  	[sflag:s0] =	ssyncset.done $0x0  }
0x1c3: {  	[sflag:s0] =	ssyncadd.s32 $0xFFFFFF90  }
0x1c4: {  	[spmem:s4] =	stream.indirect.scatter.add.f32 [tilespmem:s31], [sflag:$0x5], $0x80, s26, s28, $0xb8;
	[tilespmem:$0x1FBA0] =	vst v63  }
0x1c5: {  	s13 =	simm.s32 $0x13D50;
	_ =	swait.ge [sflag:s23], $0x3800  }
0x1c6: {  	s9 =	simm.s32 $0x1C;
	[sflag:s23] =	ssyncset.done $0x0;
	s18 =	rddreg [dreg:$0xf]  }
0x1c7: {  	s14 =	sadd.s32 $0x0, s20;
	s11 =	sadd.s32 $0xE0, s18;
	[sflag:s23] =	ssyncadd.s32 $0xFFFFC800  }
.LBB2_11:
0x1c8: {  	[tilespmem:s26], [sflag:$0x4] =	stream.linear.gather [hbm4b:s14+s6], $0x70, $0x38;
	[tilespmem:$0x1FBA0] =	vst v63  }
0x1c9: {  	s12 =	smov.u32 s9  }
0x1ca: {  	p0 =	sne.s32 s9, $0x4B4;
	s9 =	sadd.s32 $0x1C, s9;
	_ =	swait.ge [sflag:s30], $0x3800  }
0x1cb: {  	[sflag:s30] =	ssyncset.done $0x0  }
0x1cc: {  	[sflag:s30] =	ssyncadd.s32 $0xFFFFC800  }
0x1cd: {  	[tilespmem:s31], [sflag:$0x2] =	stream.indirect.gather [hbm4b:s8+s28], $0x80, s13, s28, $0xb8;
	[tilespmem:$0x1FBA0] =	vst v63  }
0x1ce: {  	_ =	swait.ge [sflag:s2], $0x70  }
0x1cf: {  	[sflag:s2] =	ssyncset.done $0x0  }
0x1d0: {  	[sflag:s2] =	ssyncadd.s32 $0xFFFFFF90  }
0x1d1: {  	[spmem:s4] =	stream.indirect.scatter.add.f32 [tilespmem:s29], [sflag:$0x5], $0x80, s25, s28, $0xb8;
	[tilespmem:$0x1FBA0] =	vst v63  }
0x1d2: {  	_ =	swait.ge [sflag:s23], $0x3800  }
0x1d3: {  	s14 =	sshrl.u32 s11, $0x3;
	[sflag:s23] =	ssyncset.done $0x0  }
0x1d4: {  	s14 =	sadd.s32 s7, s14;
	[sflag:s23] =	ssyncadd.s32 $0xFFFFC800  }
0x1d5: {  	[tilespmem:s25], [sflag:$0x3] =	stream.linear.gather [hbm4b:s14+s6], $0x70, $0x38;
	[tilespmem:$0x1FBA0] =	vst v63  }
0x1d6: {  	_ =	swait.ge [sflag:s10], $0x3800  }
0x1d7: {  	[sflag:s10] =	ssyncset.done $0x0  }
0x1d8: {  	s14 =	sadd.s32 $0x70, s13;
	[sflag:s10] =	ssyncadd.s32 $0xFFFFC800  }
0x1d9: {  	[tilespmem:s29], [sflag:$0x1] =	stream.indirect.gather [hbm4b:s8+s28], $0x80, s14, s28, $0xb8;
	[tilespmem:$0x1FBA0] =	vst v63  }
0x1da: {  	_ =	swait.ge [sflag:s0], $0x70  }
0x1db: {  	[sflag:s0] =	ssyncset.done $0x0  }
.Ltmp5:
0x1dc: {  	[sflag:s0] =	ssyncadd.s32 $0xFFFFFF90;
	(pc) =	sbr.rel @p0 .LBB2_11-.Ltmp5, $4  }
0x1dd: {  	[spmem:s4] =	stream.indirect.scatter.add.f32 [tilespmem:s31], [sflag:$0x5], $0x80, s26, s28, $0xb8;
	[tilespmem:$0x1FBA0] =	vst v63  }
0x1de: {  	_ =	swait.ge [sflag:s23], $0x3800  }
0x1df: {  	s11 =	sadd.s32 $0xE0, s11;
	[sflag:s23] =	ssyncset.done $0x0  }
0x1e0: {  	s13 =	sadd.s32 $0xE0, s13;
	s14 =	sadd.s32 s12, s20;
	[sflag:s23] =	ssyncadd.s32 $0xFFFFC800  }
0x1e1: {  	[tilespmem:s26], [sflag:$0x4] =	stream.linear.gather [hbm4b:s14+s6], $0x70, $0x38;
	[tilespmem:$0x1FBA0] =	vst v63  }
0x1e2: {  	_ =	swait.ge [sflag:s30], $0x3800  }
0x1e3: {  	[sflag:s30] =	ssyncset.done $0x0  }
0x1e4: {  	[sflag:s30] =	ssyncadd.s32 $0xFFFFC800  }
0x1e5: {  	[tilespmem:s31], [sflag:$0x2] =	stream.indirect.gather [hbm4b:s8+s28], $0x80, s16, s28, $0xb8;
	[tilespmem:$0x1FBA0] =	vst v63  }
0x1e6: {  	_ =	swait.ge [sflag:s2], $0x70  }
0x1e7: {  	[sflag:s2] =	ssyncset.done $0x0  }
0x1e8: {  	[sflag:s2] =	ssyncadd.s32 $0xFFFFFF90  }
0x1e9: {  	[spmem:s4] =	stream.indirect.scatter.add.f32 [tilespmem:s29], [sflag:$0x5], $0x80, s25, s28, $0xb8;
	[tilespmem:$0x1FBA0] =	vst v63  }
0x1ea: {  	_ =	swait.ge [sflag:s23], $0x3800  }
0x1eb: {  	[sflag:s23] =	ssyncset.done $0x0  }
0x1ec: {  	[sflag:s23] =	ssyncadd.s32 $0xFFFFC800  }
0x1ed: {  	_ =	swait.ge [sflag:s10], $0x3800  }
0x1ee: {  	[sflag:s10] =	ssyncset.done $0x0  }
0x1ef: {  	[sflag:s10] =	ssyncadd.s32 $0xFFFFC800  }
0x1f0: {  	_ =	swait.ge [sflag:s0], $0x70  }
0x1f1: {  	[sflag:s0] =	ssyncset.done $0x0  }
0x1f2: {  	[sflag:s0] =	ssyncadd.s32 $0xFFFFFF90  }
0x1f3: {  	[spmem:s4] =	stream.indirect.scatter.add.f32 [tilespmem:s31], [sflag:$0x5], $0x80, s26, s28, $0xb8;
	[tilespmem:$0x1FBA0] =	vst v63  }
0x1f4: {  	_ =	swait.ge [sflag:s23], $0x3800  }
0x1f5: {  	[sflag:s23] =	ssyncset.done $0x0  }
0x1f6: {  	[sflag:s23] =	ssyncadd.s32 $0xFFFFC800  }
0x1f7: {  	[bflag:$0x0] =	sbarrier.arrive $0xFFFF  }
0x1f8: {  	s9 =	rddreg [dreg:$0xd]  }
0x1f9: {  	s11 =	rddreg [dreg:$0x11]  }
0x1fa: {  	[hbm:s9], [sflag:s11] =	dma.local [spmem:s17], $0x2780  }
0x1fb: {  	_ =	swait.ge [sflag:s23], $0x2780  }
0x1fc: {  	s17 =	rddreg [dreg:$0x10]  }
0x1fd: {  	s18 =	rddreg [dreg:$0xe];
	s11 =	sadd.s32 $0x1, s17  }
0x1fe: {  	p0 =	sne.s32 s11, s18  }
.Ltmp6:
0x1ff: {  	_ = 	snop;
	(pc) =	sbr.rel @p0 .LBB2_1-.Ltmp6, $3  }
0x200: {  	[sflag:s23] =	ssyncset.done $0x0  }
0x201: {  	[sflag:s23] =	ssyncadd.s32 $0xFFFFD880  }
0x202: {  	[bflag:$0x0] =	sbarrier.arrive $0xFFFF;
	_ =	sdelay $0x1  }
0x203: {  	_ =	sfence.sel $0x180000  }
0x204: {  	[bflag:$0x0] =	sbarrier.arrive $0xFFFF  }
0x205: {  	_ =	strace $0x9000004A  }
0x206: {  	s0 =	stileid.u32;
	[bflag:$0x2] =	sbarrier.arrive $0xFFFF  }
0x207: {  	p0 =	sne.s32 s0, $0x0;
	s0 =	rddreg [dreg:$0x4]  }
0x208: {  	s0 =	sadd.s32 @!p0 $0x100000, s0  }
0x209: {  	[sflag:s0] =	ssyncadd.tile.s32 @!p0 $0x1;
	_ =	shalt  }
.Lfunc_end2:
_tile_overlayer_lowered:
.L_overlay_start_2:
0x20a: {  	(tag) =	ssettag $0x2  }
0x20b: {  	s0 =	rddreg [dreg:$0x0];
	s2 =	stileid.u32  }
0x20c: {  	s1 =	rddreg [dreg:$0x1];
	p0 =	sne.s32 s2, $0x0  }
0x20d: {  	s3 =	rddreg [dreg:$0x2];
	[bflag:$0x3] =	sbarrier.arrive $0xFFFF;
	s2 =	simm.s32 @!p0 $0x1C05  }
0x20e: {  	[timem:s3], [sflag:s2] =	dma.local @!p0 [hbm:s0], s1  }
0x20f: {  	s0 =	simm.s32 @!p0 $0x5  }
0x210: {  	_ =	swait.ge @!p0 [sflag:s0], s1  }
0x211: {  	s1 =	ssub.s32 @!p0 $0x0, s1;
	[sflag:s0] =	ssyncset.done @!p0 $0x0  }
0x212: {  	[sflag:s0] =	ssyncadd.s32 @!p0 s1  }
0x213: {  	[bflag:$0x3] =	sbarrier.arrive $0xFFFF  }
0x214: {  	_ =	shalt  }

// kernel: kernel.8.cloned.1.call-start
scs
__scs_entry_jumppad:
0x0: {  	(pc) =	sbr.rel $0x88, $3  }
0x1: {  	(tag) =	ssettag $0x0;
	lr =	simm.s32 $0x1  }
0x2: {  	[smem:$0x3F8F] =	sst lr;
	_ =	strace $0xD0000000  }
0x3: {  	_ = 	snop  }
0x4: {  	_ = 	snop  }
0x5: {  	_ = 	snop  }
0x6: {  	_ = 	snop  }
0x7: {  	_ = 	snop  }
__scs_overlays_trampoline_lowered:
0x8: {  	[smem:$0x3F9E] =	sst s0  }
0x9: {  	[smem:$0x3F9F] =	sst s1  }
0xa: {  	[smem:$0x3FA0] =	sst s2  }
0xb: {  	[smem:$0x3FA1] =	sst s3  }
0xc: {  	[smem:$0x3FA2] =	sst s4  }
0xd: {  	[smem:$0x3FA3] =	sst s5  }
0xe: {  	[smem:$0x3FA4] =	sst s6  }
0xf: {  	[smem:$0x3FA5] =	sst s7  }
0x10: {  	[smem:$0x3FA6] =	sst s8  }
0x11: {  	[smem:$0x3FA7] =	sst s9;
	s0 =	simm.s32 @!p0 $0x0  }
0x12: {  	s1 =	sld [smem:$0x3F8D];
	s0 =	simm.s32 @p0 $0x1  }
0x13: {  	[smem:$0x3FA8] =	sst s0;
	s0 =	simm.s32 @!p1 $0x0  }
0x14: {  	s2 =	sld [smem:$0x3F8C];
	s0 =	simm.s32 @p1 $0x1  }
0x15: {  	[smem:$0x3FA9] =	sst s0;
	s0 =	simm.s32 @!p2 $0x0  }
0x16: {  	s3 =	sld [smem:$0x3FDB];
	s0 =	simm.s32 @p2 $0x1  }
0x17: {  	s4 =	simm.s32 $0x1BF5;
	[smem:$0x3FAB] =	sst s0  }
0x18: {  	s0 =	sld [smem:$0x3F8E];
	_ =	swait.ge [sflag:s4], $0x0  }
0x19: {  	s7 =	sld [smem:$0x3F8F]  }
0x1a: {  	s8 =	sadd.s32 $0xFFFFE003, lr  }
0x1b: {  	s9 =	sadd.s32 $0xFFFFFEF7, lr;
	s5 =	simm.s32 $0xFFFFFFFF;
	p2 =	slt.u32 s8, $0xFFFFF086  }
0x1c: {  	p1 =	slt.u32 s9, $0xF7A;
	s5 =	simm.s32 @!p2 $0x0  }
0x1d: {  	s5 =	simm.s32 @p1 $0x1;
	p0 =	seq.s32 s7, s2  }
0x1e: {  	s7 =	smul.u32 @!p0 $0xF7A, s2;
	p2 =	seq.s32 @!p0 s5, $0x0  }
0x1f: {  	s9 =	smul.u32 $0xF7A, s1;
	s8 =	simm.s32 @!p0 $0x1BF5;
	p2 =	por !p2, p0  }
0x20: {  	[sflag:s8] =	ssyncset.s32 @!p0 $0xFFFFF086;
	s6 =	sadd.s32 @!p0 s3, s7;
	s7 =	simm.s32 @!p0 $0x108  }
0x21: {  	s3 =	sadd.s32 s3, s9;
	s6 =	sadd.s32 @!p0 $0x88, s6;
	s7 =	simm.s32 @p2 $0x1082  }
0x22: {  	[simem:s7], [sflag:s8] =	dma.local @!p0 [hbm:s6], $0xF7A  }
0x23: {  	s9 =	sor.u32 $0xD0000000, s2;
	s6 =	simm.s32 $0x108;
	_ =	swait.ge @!p0 [sflag:s8], $0x0  }
0x24: {  	s3 =	sadd.s32 $0x88, s3;
	s6 =	simm.s32 @!p1 $0x1082;
	[sflag:s4] =	ssyncset.s32 $0xFFFFF086  }
0x25: {  	[simem:s6], [sflag:s4] =	dma.local [hbm:s3], $0xF7A  }
0x26: {  	[smem:$0x3F8F] =	sst s1;
	(tag) =	ssettag s2;
	_ =	strace s9  }
0x27: {  	s1 =	sld [smem:$0x3F9F]  }
0x28: {  	s2 =	sld [smem:$0x3FA0]  }
0x29: {  	s4 =	sld [smem:$0x3FA2]  }
0x2a: {  	p0 =	seq.s32 s5, $0x0;
	s5 =	sld [smem:$0x3FA3]  }
0x2b: {  	s6 =	sld [smem:$0x3FA4]  }
0x2c: {  	s7 =	sld [smem:$0x3FA5]  }
0x2d: {  	s3 =	simm.s32 $0x108;
	s8 =	sld [smem:$0x3FA6]  }
0x2e: {  	s3 =	simm.s32 @!p0 $0x1082;
	s9 =	sld [smem:$0x3FA7]  }
0x2f: {  	lr =	sadd.s32 s0, s3;
	s0 =	sld [smem:$0x3F9E]  }
0x30: {  	s3 =	sld [smem:$0x3FA1]  }
0x31: {  	[smem:$0x3FAA] =	sst s10  }
0x32: {  	s10 =	sld [smem:$0x3FA8];
	_ =	sdelay $0x3  }
0x33: {  	p0 =	seq.s32 s10, $0x1;
	s10 =	sld [smem:$0x3FAA];
	_ =	sdelay $0x3  }
0x34: {  	[smem:$0x3FAA] =	sst s10  }
0x35: {  	s10 =	sld [smem:$0x3FA9];
	_ =	sdelay $0x3  }
0x36: {  	p1 =	seq.s32 s10, $0x1;
	s10 =	sld [smem:$0x3FAA];
	_ =	sdelay $0x3  }
0x37: {  	[smem:$0x3FAA] =	sst s10  }
0x38: {  	s10 =	sld [smem:$0x3FAB]  }
0x39: {  	_ = 	snop;
	(pc) =	sbr.ind lr, $3  }
0x3a: {  	_ = 	snop  }
0x3b: {  	_ = 	snop  }
0x3c: {  	p2 =	seq.s32 s10, $0x1;
	s10 =	sld [smem:$0x3FAA]  }
0x3d: {  	_ =	shalt  }
0x3e: {  	_ =	shalt  }
0x3f: {  	_ =	shalt  }
0x40: {  	_ =	shalt  }
0x41: {  	_ =	shalt  }
0x42: {  	_ =	shalt  }
0x43: {  	_ =	shalt  }
0x44: {  	_ =	shalt  }
0x45: {  	_ =	shalt  }
0x46: {  	_ =	shalt  }
0x47: {  	_ =	shalt  }
0x48: {  	_ =	shalt  }
0x49: {  	_ =	shalt  }
0x4a: {  	_ =	shalt  }
0x4b: {  	_ =	shalt  }
0x4c: {  	_ =	shalt  }
0x4d: {  	_ =	shalt  }
0x4e: {  	_ =	shalt  }
0x4f: {  	_ =	shalt  }
0x50: {  	_ =	shalt  }
0x51: {  	_ =	shalt  }
0x52: {  	_ =	shalt  }
0x53: {  	_ =	shalt  }
0x54: {  	_ =	shalt  }
0x55: {  	_ =	shalt  }
0x56: {  	_ =	shalt  }
0x57: {  	_ =	shalt  }
0x58: {  	_ =	shalt  }
0x59: {  	_ =	shalt  }
0x5a: {  	_ =	shalt  }
0x5b: {  	_ =	shalt  }
0x5c: {  	_ =	shalt  }
0x5d: {  	_ =	shalt  }
0x5e: {  	_ =	shalt  }
0x5f: {  	_ =	shalt  }
0x60: {  	_ =	shalt  }
0x61: {  	_ =	shalt  }
0x62: {  	_ =	shalt  }
0x63: {  	_ =	shalt  }
0x64: {  	_ =	shalt  }
0x65: {  	_ =	shalt  }
0x66: {  	_ =	shalt  }
0x67: {  	_ =	shalt  }
0x68: {  	_ =	shalt  }
0x69: {  	_ =	shalt  }
0x6a: {  	_ =	shalt  }
0x6b: {  	_ =	shalt  }
0x6c: {  	_ =	shalt  }
0x6d: {  	_ =	shalt  }
0x6e: {  	_ =	shalt  }
0x6f: {  	_ =	shalt  }
0x70: {  	_ =	shalt  }
0x71: {  	_ =	shalt  }
0x72: {  	_ =	shalt  }
0x73: {  	_ =	shalt  }
0x74: {  	_ =	shalt  }
0x75: {  	_ =	shalt  }
0x76: {  	_ =	shalt  }
0x77: {  	_ =	shalt  }
0x78: {  	_ =	shalt  }
0x79: {  	_ =	shalt  }
0x7a: {  	_ =	shalt  }
0x7b: {  	_ =	shalt  }
0x7c: {  	_ =	shalt  }
0x7d: {  	_ =	shalt  }
0x7e: {  	_ =	shalt  }
0x7f: {  	_ =	shalt  }
0x80: {  	_ =	shalt  }
0x81: {  	_ =	shalt  }
0x82: {  	_ =	shalt  }
0x83: {  	_ =	shalt  }
0x84: {  	_ =	shalt  }
0x85: {  	_ =	shalt  }
0x86: {  	_ =	shalt  }
0x87: {  	_ =	shalt  }
.Lfunc_end0:
.L_simem_size_0:
called_computation_lowered:
.L_overlay_start_0:
0x88: {  	s2 =	sld [smem:$0x3FD9]  }
0x89: {  	s3 =	sld [smem:$0x3FFE];
	_ =	sdelay $0x1  }
0x8a: {  	s1 =	srdreg.scid  }
0x8b: {  	s0 =	sand.u32 $0x1, s1  }
0x8c: {  	s16 =	sshll.u32 s0, $0xA;
	s2 =	sadd.s32 s3, s2  }
0x8d: {  	s2 =	sadd.s32 s2, s16  }
0x8e: {  	[smem:$0x3FB6] =	sst s2  }
0x8f: {  	_ = 	snop  }
0x90: {  	(tm) =	ssettm $0x1  }
0x91: {  	s17 =	sld [smem:$0x3FFB];
	_ =	sdelay $0x3  }
0x92: {  	_ =	strace s17  }
0x93: {  	s2 =	sld [smem:$0x3FFC];
	_ =	sdelay $0x3  }
0x94: {  	_ =	strace s2  }
0x95: {  	s2 =	sld [smem:$0x3FFD];
	_ =	sdelay $0x3  }
0x96: {  	_ =	strace s2  }
0x97: {  	_ =	strace $0x8FFFFFFF  }
0x98: {  	s18 =	sld [smem:$0x3FDB];
	_ =	sdelay $0x1  }
0x99: {  	s19 =	simm.s32 $_scs_section_size  }
0x9a: {  	s4 =	simm.s32 $_size__tile_overlayer_lowered;
	s5 =	simm.s32 $_tile_overlayer_lowered  }
0x9b: {  	s22 =	simm.s32 $0x1BFF;
	s21 =	sshll.u32 s5, $0x1;
	s2 =	sadd.s32 s19, s18  }
0x9c: {  	s6 =	simm.s32 $0x0;
	s20 =	sshll.u32 s4, $0x1;
	s4 =	sadd.s32 s21, s2  }
0x9d: {  	[timem:s6], [sflag:s22] =	dma.local [hbm:s4], s20  }
0x9e: {  	_ =	swait.ge [sflag:s22], s20  }
0x9f: {  	s3 =	ssub.s32 $0x0, s20;
	[sflag:s22] =	ssyncset.done $0x0  }
0xa0: {  	[sflag:s22] =	ssyncadd.s32 s3;
	_ =	sdelay $0x1  }
0xa1: {  	s23 =	simm.s32 $0x1B8B  }
0xa2: {  	_ =	swait.ge [sflag:s23], $0x1  }
0xa3: {  	[sflag:s23] =	ssyncset.done $0x0  }
0xa4: {  	s25 =	simm.s32 $0x1B8E;
	s24 =	sld [smem:$0x3FFE];
	[sflag:s23] =	ssyncadd.s32 $0xFFFFFFFF  }
0xa5: {  	s26 =	simm.s32 $execute0_lowered;
	[smem:$0x3FD2] =	sst s25  }
0xa6: {  	s4 =	sshll.u32 s26, $0x1;
	_ =	strace $0x80000046;
	[dreg:$0x1] =	wrdreg $0xFFFFFFFF  }
0xa7: {  	s28 =	simm.s32 $_size_execute0_lowered;
	s2 =	sadd.s32 s2, s4;
	[dreg:$0x0] =	wrdreg $0x0  }
0xa8: {  	s4 =	sshll.u32 s28, $0x1;
	[dreg:$0x2] =	wrdreg s2  }
0xa9: {  	[dreg:$0x3] =	wrdreg s4  }
0xaa: {  	[dreg:$0x4] =	wrdreg $0xC0  }
0xab: {  	_ =	task [dreg:s6], $0x5FFFF  }
0xac: {  	[dreg:$0x1] =	wrdreg $0xFFFFFFFF  }
0xad: {  	[dreg:$0x0] =	wrdreg $0x60  }
0xae: {  	[dreg:$0x2] =	wrdreg s24  }
0xaf: {  	[dreg:$0x3] =	wrdreg $0x9  }
0xb0: {  	_ =	task.clear_ibuf [dreg:s6], $0x4FFFF;
	_ =	strace $0x90000046  }
0xb1: {  	s29 =	simm.s32 $0x9;
	_ =	strace $0x80000048  }
0xb2: {  	_ =	swait.ge [sflag:s29], $0x1  }
0xb3: {  	[sflag:s29] =	ssyncadd.s32 $0xFFFFFFFF  }
0xb4: {  	_ =	strace $0x90000048  }
0xb5: {  	_ =	sfence  }
0xb6: {  	s30 =	sld [smem:$0x0];
	_ =	sdelay $0x2  }
0xb7: {  	s31 =	sshll.u32 s1, $0xD;
	s1 =	sshrl.u32 s1, $0x2  }
0xb8: {  	s3 =	sand.u32 $0x4000, s31;
	s1 =	sadd.s32 s1, s30  }
0xb9: {  	s0 =	sor.u32 s3, s0;
	s1 =	sshll.u32 s1, $0x11  }
0xba: {  	s0 =	sor.u32 s1, s0  }
0xbb: {  	s0 =	sadd.s32 $0x8F2B, s0  }
0xbc: {  	[sflag:s0] =	ssyncadd.remote.s32 $0x1  }
0xbd: {  	_ =	sfence.sel $0xFFFF  }
0xbe: {  	[dreg:$0x0] =	wrdreg $0xFFFFFFFF;
	(pc) =	sbr.abs _section_cstart, $3  }
0xbf: {  	[dreg:$0x1] =	wrdreg $0xFFFFFFFF  }
0xc0: {  	_ =	task.clear_ibuf [dreg:s6], $0x2FFFF;
	_ =	strace $0x9FFFFFFF  }
0xc1: {  	(tm) =	ssettm $0x7FFFFFFF  }
tec
execute0_lowered:
.L_overlay_start_1:
0x0: {  	(tag) =	ssettag $0x1  }
0x1: {  	s0 =	rddreg [dreg:$0x0];
	s1 =	srdreg.scid;
	s2 =	simm.s32 $0x0  }
0x2: {  	s4 =	stileid.u32;
	s23 =	simm.s32 $0x1;
	s24 =	simm.s32 $0x2710  }
0x3: {  	s28 =	simm.s32 $0x4E20;
	s29 =	simm.s32 $0x7530;
	s30 =	simm.s32 $0xABE0  }
0x4: {  	s31 =	simm.s32 $0x0;
	s1 =	sand.u32 $0x1, s1;
	[smem:$0x7FF] =	sst s2  }
0x5: {  	s17 =	sadd.s32 $0x85400, s0;
	s18 =	sadd.s32 $0x7B600, s0;
	s3 =	sshll.u32 s1, $0x4  }
0x6: {  	s25 =	sadd.s32 $0x7B000, s0;
	s19 =	sadd.s32 $0xA2E00, s0;
	s3 =	sor.u32 s4, s3  }
0x7: {  	_ =	strace $0x80000047;
	s1 =	ssub.s32 $0x2, s1;
	s5 =	smul.u32 $0x2710, s3  }
0x8: {  	[dreg:$0x2] =	wrdreg s25;
	s25 =	simm.s32 $0x9C40;
	s26 =	sshrl.u32 s1, $0x1  }
0x9: {  	s4 =	sadd.s32 $0x7AA00, s0;
	s1 =	ssub.s32 s1, s26;
	s16 =	sshrl.u32 s5, $0x3  }
0xa: {  	s26 =	simm.s32 $0xA410;
	s22 =	smax.u32 s1, $0x1;
	s0 =	sadd.s32 s16, s0  }
0xb: {  	s5 =	sadd.s32 s17, s16;
	s6 =	sadd.s32 s18, s16;
	s10 =	sadd.s32 $0xFA, s16  }
0xc: {  	s7 =	sadd.s32 s19, s16;
	s13 =	sadd.s32 $0x1F4, s16;
	s20 =	sadd.s32 $0x2EE, s16  }
0xd: {  	s21 =	sadd.s32 $0x3E8, s16;
	s8 =	sadd.s32 s17, s10;
	s9 =	sadd.s32 s18, s10  }
0xe: {  	s10 =	sadd.s32 s19, s10;
	s11 =	sadd.s32 s17, s13;
	s12 =	sadd.s32 s18, s13  }
0xf: {  	s13 =	sadd.s32 s19, s13;
	s14 =	sadd.s32 s17, s20;
	s15 =	sadd.s32 s18, s20  }
0x10: {  	s16 =	sadd.s32 s19, s20;
	s17 =	sadd.s32 s17, s21;
	s18 =	sadd.s32 s18, s21  }
0x11: {  	v0 =	vimm.f32 $0.0e+00;
	v1 =	vimm.f32 $1.000000000e+00;
	s19 =	sadd.s32 s19, s21;
	s20 =	sadd.s32 $0x8F200, s0;
	s21 =	sadd.s32 $0x99000, s0  }
.LBB2_1:
0x12: {  	s0 =	rddreg [dreg:$0x2]  }
0x13: {  	[tilespmem:s2], [sflag:$0x1] =	stream.linear.gather [hbm4b:s0+s2], $0x2710, $0x38;
	[tilespmem:$0xB3B0] =	vst v63  }
0x14: {  	_ =	swait.ge [sflag:s23], $0x2710  }
0x15: {  	[sflag:s23] =	ssyncset.done $0x0  }
0x16: {  	[sflag:s23] =	ssyncadd.s32 $0xFFFFD8F0  }
0x17: {  	[tilespmem:s24], [sflag:$0x1] =	stream.linear.gather [hbm4b:s4+s2], $0x2710, $0x38;
	[tilespmem:$0xB3B0] =	vst v63  }
0x18: {  	_ =	swait.ge [sflag:s23], $0x2710  }
0x19: {  	[sflag:s23] =	ssyncset.done $0x0  }
0x1a: {  	s1 =	simm.s32 $0x0;
	s0 =	simm.s32 $0x40;
	[sflag:s23] =	ssyncadd.s32 $0xFFFFD8F0  }
.LBB2_2:
0x1b: {  	p0 =	sne.s32 s0, $0x9C00;
	[tilespmem:s1+$0x4E20] =	vst v0;
	s3 =	smov.u32 s0;
	s0 =	sadd.s32 $0x40, s0  }
.Ltmp0:
0x1c: {  	[tilespmem:s1+$0x7530] =	vst v0;
	(pc) =	sbr.rel @p0 .LBB2_2-.Ltmp0, $2  }
0x1d: {  	_ =	sdelay $0x2  }
0x1e: {  	s1 =	sshra.s32 s3, $0x2  }
0x1f: {  	[tilespmem:s1+$0x4E20] =	vst v0  }
0x20: {  	[tilespmem:s1+$0x7530] =	vst v0;
	s0 =	simm.s32 $0x0  }
0x21: {  	[tilespmem:s25], [sflag:$0x1] =	stream.linear.gather [hbm4b:s5+s0], $0x7D0, $0x38;
	[tilespmem:$0xB3B0] =	vst v63  }
0x22: {  	_ =	swait.ge [sflag:s23], $0x7D0  }
0x23: {  	[sflag:s23] =	ssyncset.done $0x0  }
0x24: {  	[sflag:s23] =	ssyncadd.s32 $0xFFFFF830  }
0x25: {  	[tilespmem:s26], [sflag:$0x1] =	stream.linear.gather [hbm4b:s6+s0], $0x7D0, $0x38;
	[tilespmem:$0xB3B0] =	vst v63  }
0x26: {  	_ =	swait.ge [sflag:s23], $0x7D0  }
0x27: {  	[sflag:s23] =	ssyncset.done $0x0  }
0x28: {  	s0 =	simm.s32 $0x0;
	[sflag:s23] =	ssyncadd.s32 $0xFFFFF830  }
0x29: {  	v2 =	vld [tilespmem:s0+$0xA410]  }
0x2a: {  	v3 =	vld [tilespmem:s0+$0x9C40]  }
0x2b: {  	s1 =	simm.s32 $0x40  }
.LBB2_4:
0x2c: {  	p0 =	sne.s32 s1, $0x1F00;
	_ =	sdelay $0x4  }
0x2d: {  	v4 =	vld.idx.msk [tilespmem:v2+s24+$0x0], $0xffff  }
0x2e: {  	v3 =	vld.idx.msk [tilespmem:v3+s2+$0x0], $0xffff;
	_ =	sdelay $0x5  }
0x2f: {  	v3 =	vadd.f32 v4, v3;
	_ =	sdelay $0x1  }
0x30: {  	v4 =	vmul.f32 $2.000000030e-01, v3  }
0x31: {  	vm0 =	vgt.f32 v3, $0.0e+00  }
0x32: {  	v3 =	vsel vm0, v3, v4  }
0x33: {  	v3 =	vmul.f32 $1.442695020e+00, v3;
	_ =	sdelay $0x1  }
0x34: {  	(erf) = vpow2.f32 v3;
	_ =	sdelay $0x8  }
0x35: {  	v3 =	vpop (erf)  }
0x36: {  	[tilespmem:s0+$0xABE0] =	vst v3  }
.Ltmp1:
0x37: {  	[tilespmem:v2+s28+$0x0] =	vst.idx.add.f32.msk $0xffff, v3;
	(pc) =	sbr.rel @p0 .LBB2_4-.Ltmp1, $4  }
0x38: {  	s0 =	sshra.s32 s1, $0x2;
	[tilespmem:v2+s29+$0x0] =	vst.idx.add.f32.msk $0xffff, v1  }
0x39: {  	v2 =	vld [tilespmem:s0+$0xA410]  }
0x3a: {  	v3 =	vld [tilespmem:s0+$0x9C40]  }
0x3b: {  	s1 =	sadd.s32 $0x40, s1  }
0x3c: {  	_ =	sdelay $0x5  }
0x3d: {  	v4 =	vld.idx.msk [tilespmem:v2+s24+$0x0], $0xffff  }
0x3e: {  	v3 =	vld.idx.msk [tilespmem:v3+s2+$0x0], $0xffff;
	_ =	sdelay $0x4  }
0x3f: {  	v3 =	vadd.f32 v4, v3;
	_ =	sdelay $0x1  }
0x40: {  	v4 =	vmul.f32 $2.000000030e-01, v3  }
0x41: {  	vm0 =	vgt.f32 v3, $0.0e+00  }
0x42: {  	v3 =	vsel vm0, v3, v4  }
0x43: {  	v3 =	vmul.f32 $1.442695020e+00, v3;
	_ =	sdelay $0x1  }
0x44: {  	(erf) = vpow2.f32 v3;
	_ =	sdelay $0x8  }
0x45: {  	v3 =	vpop (erf)  }
0x46: {  	[tilespmem:s0+$0xABE0] =	vst v3  }
0x47: {  	[tilespmem:v2+s28+$0x0] =	vst.idx.add.f32.msk $0xffff, v3  }
0x48: {  	s3 =	simm.s32 $0x0;
	[tilespmem:v2+s29+$0x0] =	vst.idx.add.f32.msk $0xffff, v1  }
0x49: {  	[hbm4b:s7+s3] =	stream.linear.scatter [tilespmem:s30], [sflag:$0x1], $0x7D0, $0x38;
	[tilespmem:$0xB3B0] =	vst v63  }
0x4a: {  	_ =	swait.ge [sflag:s23], $0x7D0  }
0x4b: {  	[sflag:s23] =	ssyncset.done $0x0  }
0x4c: {  	[sflag:s23] =	ssyncadd.s32 $0xFFFFF830  }
0x4d: {  	[tilespmem:s25], [sflag:$0x1] =	stream.linear.gather [hbm4b:s8+s3], $0x7D0, $0x38;
	[tilespmem:$0xB3B0] =	vst v63  }
0x4e: {  	_ =	swait.ge [sflag:s23], $0x7D0  }
0x4f: {  	[sflag:s23] =	ssyncset.done $0x0  }
0x50: {  	[sflag:s23] =	ssyncadd.s32 $0xFFFFF830  }
0x51: {  	[tilespmem:s26], [sflag:$0x1] =	stream.linear.gather [hbm4b:s9+s3], $0x7D0, $0x38;
	[tilespmem:$0xB3B0] =	vst v63  }
0x52: {  	_ =	swait.ge [sflag:s23], $0x7D0  }
0x53: {  	[sflag:s23] =	ssyncset.done $0x0  }
0x54: {  	s0 =	simm.s32 $0x0;
	[sflag:s23] =	ssyncadd.s32 $0xFFFFF830  }
0x55: {  	v2 =	vld [tilespmem:s0+$0xA410]  }
0x56: {  	v3 =	vld [tilespmem:s0+$0x9C40]  }
0x57: {  	s1 =	simm.s32 $0x40  }
.LBB2_6:
0x58: {  	p0 =	sne.s32 s1, $0x1F00;
	_ =	sdelay $0x4  }
0x59: {  	v4 =	vld.idx.msk [tilespmem:v2+s24+$0x0], $0xffff  }
0x5a: {  	v3 =	vld.idx.msk [tilespmem:v3+s2+$0x0], $0xffff;
	_ =	sdelay $0x5  }
0x5b: {  	v3 =	vadd.f32 v4, v3;
	_ =	sdelay $0x1  }
0x5c: {  	v4 =	vmul.f32 $2.000000030e-01, v3  }
0x5d: {  	vm0 =	vgt.f32 v3, $0.0e+00  }
0x5e: {  	v3 =	vsel vm0, v3, v4  }
0x5f: {  	v3 =	vmul.f32 $1.442695020e+00, v3;
	_ =	sdelay $0x1  }
0x60: {  	(erf) = vpow2.f32 v3;
	_ =	sdelay $0x8  }
0x61: {  	v3 =	vpop (erf)  }
0x62: {  	[tilespmem:s0+$0xABE0] =	vst v3  }
.Ltmp2:
0x63: {  	[tilespmem:v2+s28+$0x0] =	vst.idx.add.f32.msk $0xffff, v3;
	(pc) =	sbr.rel @p0 .LBB2_6-.Ltmp2, $4  }
0x64: {  	s0 =	sshra.s32 s1, $0x2;
	[tilespmem:v2+s29+$0x0] =	vst.idx.add.f32.msk $0xffff, v1  }
0x65: {  	v2 =	vld [tilespmem:s0+$0xA410]  }
0x66: {  	v3 =	vld [tilespmem:s0+$0x9C40]  }
0x67: {  	s1 =	sadd.s32 $0x40, s1  }
0x68: {  	_ =	sdelay $0x5  }
0x69: {  	v4 =	vld.idx.msk [tilespmem:v2+s24+$0x0], $0xffff  }
0x6a: {  	v3 =	vld.idx.msk [tilespmem:v3+s2+$0x0], $0xffff;
	_ =	sdelay $0x4  }
0x6b: {  	v3 =	vadd.f32 v4, v3;
	_ =	sdelay $0x1  }
0x6c: {  	v4 =	vmul.f32 $2.000000030e-01, v3  }
0x6d: {  	vm0 =	vgt.f32 v3, $0.0e+00  }
0x6e: {  	v3 =	vsel vm0, v3, v4  }
0x6f: {  	v3 =	vmul.f32 $1.442695020e+00, v3;
	_ =	sdelay $0x1  }
0x70: {  	(erf) = vpow2.f32 v3;
	_ =	sdelay $0x8  }
0x71: {  	v3 =	vpop (erf)  }
0x72: {  	[tilespmem:s0+$0xABE0] =	vst v3  }
0x73: {  	[tilespmem:v2+s28+$0x0] =	vst.idx.add.f32.msk $0xffff, v3  }
0x74: {  	s3 =	simm.s32 $0x0;
	[tilespmem:v2+s29+$0x0] =	vst.idx.add.f32.msk $0xffff, v1  }
0x75: {  	[hbm4b:s10+s3] =	stream.linear.scatter [tilespmem:s30], [sflag:$0x1], $0x7D0, $0x38;
	[tilespmem:$0xB3B0] =	vst v63  }
0x76: {  	_ =	swait.ge [sflag:s23], $0x7D0  }
0x77: {  	[sflag:s23] =	ssyncset.done $0x0  }
0x78: {  	[sflag:s23] =	ssyncadd.s32 $0xFFFFF830  }
0x79: {  	[tilespmem:s25], [sflag:$0x1] =	stream.linear.gather [hbm4b:s11+s3], $0x7D0, $0x38;
	[tilespmem:$0xB3B0] =	vst v63  }
0x7a: {  	_ =	swait.ge [sflag:s23], $0x7D0  }
0x7b: {  	[sflag:s23] =	ssyncset.done $0x0  }
0x7c: {  	[sflag:s23] =	ssyncadd.s32 $0xFFFFF830  }
0x7d: {  	[tilespmem:s26], [sflag:$0x1] =	stream.linear.gather [hbm4b:s12+s3], $0x7D0, $0x38;
	[tilespmem:$0xB3B0] =	vst v63  }
0x7e: {  	_ =	swait.ge [sflag:s23], $0x7D0  }
0x7f: {  	[sflag:s23] =	ssyncset.done $0x0  }
0x80: {  	s0 =	simm.s32 $0x0;
	[sflag:s23] =	ssyncadd.s32 $0xFFFFF830  }
0x81: {  	v2 =	vld [tilespmem:s0+$0xA410]  }
0x82: {  	v3 =	vld [tilespmem:s0+$0x9C40]  }
0x83: {  	s1 =	simm.s32 $0x40  }
.LBB2_8:
0x84: {  	p0 =	sne.s32 s1, $0x1F00;
	_ =	sdelay $0x4  }
0x85: {  	v4 =	vld.idx.msk [tilespmem:v2+s24+$0x0], $0xffff  }
0x86: {  	v3 =	vld.idx.msk [tilespmem:v3+s2+$0x0], $0xffff;
	_ =	sdelay $0x5  }
0x87: {  	v3 =	vadd.f32 v4, v3;
	_ =	sdelay $0x1  }
0x88: {  	v4 =	vmul.f32 $2.000000030e-01, v3  }
0x89: {  	vm0 =	vgt.f32 v3, $0.0e+00  }
0x8a: {  	v3 =	vsel vm0, v3, v4  }
0x8b: {  	v3 =	vmul.f32 $1.442695020e+00, v3;
	_ =	sdelay $0x1  }
0x8c: {  	(erf) = vpow2.f32 v3;
	_ =	sdelay $0x8  }
0x8d: {  	v3 =	vpop (erf)  }
0x8e: {  	[tilespmem:s0+$0xABE0] =	vst v3  }
.Ltmp3:
0x8f: {  	[tilespmem:v2+s28+$0x0] =	vst.idx.add.f32.msk $0xffff, v3;
	(pc) =	sbr.rel @p0 .LBB2_8-.Ltmp3, $4  }
0x90: {  	s0 =	sshra.s32 s1, $0x2;
	[tilespmem:v2+s29+$0x0] =	vst.idx.add.f32.msk $0xffff, v1  }
0x91: {  	v2 =	vld [tilespmem:s0+$0xA410]  }
0x92: {  	v3 =	vld [tilespmem:s0+$0x9C40]  }
0x93: {  	s1 =	sadd.s32 $0x40, s1  }
0x94: {  	_ =	sdelay $0x5  }
0x95: {  	v4 =	vld.idx.msk [tilespmem:v2+s24+$0x0], $0xffff  }
0x96: {  	v3 =	vld.idx.msk [tilespmem:v3+s2+$0x0], $0xffff;
	_ =	sdelay $0x4  }
0x97: {  	v3 =	vadd.f32 v4, v3;
	_ =	sdelay $0x1  }
0x98: {  	v4 =	vmul.f32 $2.000000030e-01, v3  }
0x99: {  	vm0 =	vgt.f32 v3, $0.0e+00  }
0x9a: {  	v3 =	vsel vm0, v3, v4  }
0x9b: {  	v3 =	vmul.f32 $1.442695020e+00, v3;
	_ =	sdelay $0x1  }
0x9c: {  	(erf) = vpow2.f32 v3;
	_ =	sdelay $0x8  }
0x9d: {  	v3 =	vpop (erf)  }
0x9e: {  	[tilespmem:s0+$0xABE0] =	vst v3  }
0x9f: {  	[tilespmem:v2+s28+$0x0] =	vst.idx.add.f32.msk $0xffff, v3  }
0xa0: {  	s3 =	simm.s32 $0x0;
	[tilespmem:v2+s29+$0x0] =	vst.idx.add.f32.msk $0xffff, v1  }
0xa1: {  	[hbm4b:s13+s3] =	stream.linear.scatter [tilespmem:s30], [sflag:$0x1], $0x7D0, $0x38;
	[tilespmem:$0xB3B0] =	vst v63  }
0xa2: {  	_ =	swait.ge [sflag:s23], $0x7D0  }
0xa3: {  	[sflag:s23] =	ssyncset.done $0x0  }
0xa4: {  	[sflag:s23] =	ssyncadd.s32 $0xFFFFF830  }
0xa5: {  	[tilespmem:s25], [sflag:$0x1] =	stream.linear.gather [hbm4b:s14+s3], $0x7D0, $0x38;
	[tilespmem:$0xB3B0] =	vst v63  }
0xa6: {  	_ =	swait.ge [sflag:s23], $0x7D0  }
0xa7: {  	[sflag:s23] =	ssyncset.done $0x0  }
0xa8: {  	[sflag:s23] =	ssyncadd.s32 $0xFFFFF830  }
0xa9: {  	[tilespmem:s26], [sflag:$0x1] =	stream.linear.gather [hbm4b:s15+s3], $0x7D0, $0x38;
	[tilespmem:$0xB3B0] =	vst v63  }
0xaa: {  	_ =	swait.ge [sflag:s23], $0x7D0  }
0xab: {  	[sflag:s23] =	ssyncset.done $0x0  }
0xac: {  	s0 =	simm.s32 $0x0;
	[sflag:s23] =	ssyncadd.s32 $0xFFFFF830  }
0xad: {  	v2 =	vld [tilespmem:s0+$0xA410]  }
0xae: {  	v3 =	vld [tilespmem:s0+$0x9C40]  }
0xaf: {  	s1 =	simm.s32 $0x40  }
.LBB2_10:
0xb0: {  	p0 =	sne.s32 s1, $0x1F00;
	_ =	sdelay $0x4  }
0xb1: {  	v4 =	vld.idx.msk [tilespmem:v2+s24+$0x0], $0xffff  }
0xb2: {  	v3 =	vld.idx.msk [tilespmem:v3+s2+$0x0], $0xffff;
	_ =	sdelay $0x5  }
0xb3: {  	v3 =	vadd.f32 v4, v3;
	_ =	sdelay $0x1  }
0xb4: {  	v4 =	vmul.f32 $2.000000030e-01, v3  }
0xb5: {  	vm0 =	vgt.f32 v3, $0.0e+00  }
0xb6: {  	v3 =	vsel vm0, v3, v4  }
0xb7: {  	v3 =	vmul.f32 $1.442695020e+00, v3;
	_ =	sdelay $0x1  }
0xb8: {  	(erf) = vpow2.f32 v3;
	_ =	sdelay $0x8  }
0xb9: {  	v3 =	vpop (erf)  }
0xba: {  	[tilespmem:s0+$0xABE0] =	vst v3  }
.Ltmp4:
0xbb: {  	[tilespmem:v2+s28+$0x0] =	vst.idx.add.f32.msk $0xffff, v3;
	(pc) =	sbr.rel @p0 .LBB2_10-.Ltmp4, $4  }
0xbc: {  	s0 =	sshra.s32 s1, $0x2;
	[tilespmem:v2+s29+$0x0] =	vst.idx.add.f32.msk $0xffff, v1  }
0xbd: {  	v2 =	vld [tilespmem:s0+$0xA410]  }
0xbe: {  	v3 =	vld [tilespmem:s0+$0x9C40]  }
0xbf: {  	s1 =	sadd.s32 $0x40, s1  }
0xc0: {  	_ =	sdelay $0x5  }
0xc1: {  	v4 =	vld.idx.msk [tilespmem:v2+s24+$0x0], $0xffff  }
0xc2: {  	v3 =	vld.idx.msk [tilespmem:v3+s2+$0x0], $0xffff;
	_ =	sdelay $0x4  }
0xc3: {  	v3 =	vadd.f32 v4, v3;
	_ =	sdelay $0x1  }
0xc4: {  	v4 =	vmul.f32 $2.000000030e-01, v3  }
0xc5: {  	vm0 =	vgt.f32 v3, $0.0e+00  }
0xc6: {  	v3 =	vsel vm0, v3, v4  }
0xc7: {  	v3 =	vmul.f32 $1.442695020e+00, v3;
	_ =	sdelay $0x1  }
0xc8: {  	(erf) = vpow2.f32 v3;
	_ =	sdelay $0x8  }
0xc9: {  	v3 =	vpop (erf)  }
0xca: {  	[tilespmem:s0+$0xABE0] =	vst v3  }
0xcb: {  	[tilespmem:v2+s28+$0x0] =	vst.idx.add.f32.msk $0xffff, v3  }
0xcc: {  	s3 =	simm.s32 $0x0;
	[tilespmem:v2+s29+$0x0] =	vst.idx.add.f32.msk $0xffff, v1  }
0xcd: {  	[hbm4b:s16+s3] =	stream.linear.scatter [tilespmem:s30], [sflag:$0x1], $0x7D0, $0x38;
	[tilespmem:$0xB3B0] =	vst v63  }
0xce: {  	_ =	swait.ge [sflag:s23], $0x7D0  }
0xcf: {  	[sflag:s23] =	ssyncset.done $0x0  }
0xd0: {  	[sflag:s23] =	ssyncadd.s32 $0xFFFFF830  }
0xd1: {  	[tilespmem:s25], [sflag:$0x1] =	stream.linear.gather [hbm4b:s17+s3], $0x7D0, $0x38;
	[tilespmem:$0xB3B0] =	vst v63  }
0xd2: {  	_ =	swait.ge [sflag:s23], $0x7D0  }
0xd3: {  	[sflag:s23] =	ssyncset.done $0x0  }
0xd4: {  	[sflag:s23] =	ssyncadd.s32 $0xFFFFF830  }
0xd5: {  	[tilespmem:s26], [sflag:$0x1] =	stream.linear.gather [hbm4b:s18+s3], $0x7D0, $0x38;
	[tilespmem:$0xB3B0] =	vst v63  }
0xd6: {  	_ =	swait.ge [sflag:s23], $0x7D0  }
0xd7: {  	[sflag:s23] =	ssyncset.done $0x0  }
0xd8: {  	s0 =	simm.s32 $0x0;
	[sflag:s23] =	ssyncadd.s32 $0xFFFFF830  }
0xd9: {  	v2 =	vld [tilespmem:s0+$0xA410]  }
0xda: {  	v3 =	vld [tilespmem:s0+$0x9C40]  }
0xdb: {  	s1 =	simm.s32 $0x40  }
.LBB2_12:
0xdc: {  	p0 =	sne.s32 s1, $0x1F00;
	_ =	sdelay $0x4  }
0xdd: {  	v4 =	vld.idx.msk [tilespmem:v2+s24+$0x0], $0xffff  }
0xde: {  	v3 =	vld.idx.msk [tilespmem:v3+s2+$0x0], $0xffff;
	_ =	sdelay $0x5  }
0xdf: {  	v3 =	vadd.f32 v4, v3;
	_ =	sdelay $0x1  }
0xe0: {  	v4 =	vmul.f32 $2.000000030e-01, v3  }
0xe1: {  	vm0 =	vgt.f32 v3, $0.0e+00  }
0xe2: {  	v3 =	vsel vm0, v3, v4  }
0xe3: {  	v3 =	vmul.f32 $1.442695020e+00, v3;
	_ =	sdelay $0x1  }
0xe4: {  	(erf) = vpow2.f32 v3;
	_ =	sdelay $0x8  }
0xe5: {  	v3 =	vpop (erf)  }
0xe6: {  	[tilespmem:s0+$0xABE0] =	vst v3  }
.Ltmp5:
0xe7: {  	[tilespmem:v2+s28+$0x0] =	vst.idx.add.f32.msk $0xffff, v3;
	(pc) =	sbr.rel @p0 .LBB2_12-.Ltmp5, $4  }
0xe8: {  	s0 =	sshra.s32 s1, $0x2;
	[tilespmem:v2+s29+$0x0] =	vst.idx.add.f32.msk $0xffff, v1  }
0xe9: {  	v2 =	vld [tilespmem:s0+$0xA410]  }
0xea: {  	v3 =	vld [tilespmem:s0+$0x9C40]  }
0xeb: {  	s1 =	sadd.s32 $0x40, s1  }
0xec: {  	_ =	sdelay $0x5  }
0xed: {  	v4 =	vld.idx.msk [tilespmem:v2+s24+$0x0], $0xffff  }
0xee: {  	v3 =	vld.idx.msk [tilespmem:v3+s2+$0x0], $0xffff;
	_ =	sdelay $0x4  }
0xef: {  	v3 =	vadd.f32 v4, v3;
	_ =	sdelay $0x1  }
0xf0: {  	v4 =	vmul.f32 $2.000000030e-01, v3  }
0xf1: {  	vm0 =	vgt.f32 v3, $0.0e+00  }
0xf2: {  	v3 =	vsel vm0, v3, v4  }
0xf3: {  	v3 =	vmul.f32 $1.442695020e+00, v3;
	_ =	sdelay $0x1  }
0xf4: {  	(erf) = vpow2.f32 v3;
	_ =	sdelay $0x8  }
0xf5: {  	v3 =	vpop (erf)  }
0xf6: {  	[tilespmem:s0+$0xABE0] =	vst v3  }
0xf7: {  	[tilespmem:v2+s28+$0x0] =	vst.idx.add.f32.msk $0xffff, v3  }
0xf8: {  	[tilespmem:v2+s29+$0x0] =	vst.idx.add.f32.msk $0xffff, v1  }
0xf9: {  	[hbm4b:s19+s2] =	stream.linear.scatter [tilespmem:s30], [sflag:$0x1], $0x7D0, $0x38;
	[tilespmem:$0xB3B0] =	vst v63  }
0xfa: {  	_ =	swait.ge [sflag:s23], $0x7D0  }
0xfb: {  	[sflag:s23] =	ssyncset.done $0x0  }
0xfc: {  	[sflag:s23] =	ssyncadd.s32 $0xFFFFF830  }
0xfd: {  	[hbm4b:s20+s2] =	stream.linear.scatter [tilespmem:s28], [sflag:$0x1], $0x2710, $0x38;
	[tilespmem:$0xB3B0] =	vst v63  }
0xfe: {  	s31 =	sadd.s32 $0x1, s31;
	_ =	swait.ge [sflag:s23], $0x2710  }
0xff: {  	p0 =	sne.s32 s31, s22;
	[sflag:s23] =	ssyncset.done $0x0  }
.Ltmp6:
0x100: {  	[sflag:s23] =	ssyncadd.s32 $0xFFFFD8F0;
	(pc) =	sbr.rel @p0 .LBB2_1-.Ltmp6, $4  }
0x101: {  	[hbm4b:s21+s2] =	stream.linear.scatter [tilespmem:s29], [sflag:$0x1], $0x2710, $0x38;
	[tilespmem:$0xB3B0] =	vst v63  }
0x102: {  	_ =	swait.ge [sflag:s23], $0x2710  }
0x103: {  	[sflag:s23] =	ssyncset.done $0x0  }
0x104: {  	[sflag:s23] =	ssyncadd.s32 $0xFFFFD8F0  }
0x105: {  	_ =	sfence.sel $0x180000  }
0x106: {  	[bflag:$0x0] =	sbarrier.arrive $0xFFFF  }
0x107: {  	_ =	strace $0x90000047  }
0x108: {  	s0 =	stileid.u32;
	[bflag:$0x2] =	sbarrier.arrive $0xFFFF  }
0x109: {  	p0 =	sne.s32 s0, $0x0;
	s0 =	rddreg [dreg:$0x1]  }
0x10a: {  	s0 =	sadd.s32 @!p0 $0x100000, s0  }
0x10b: {  	[sflag:s0] =	ssyncadd.tile.s32 @!p0 $0x1;
	_ =	shalt  }
.Lfunc_end2:
_tile_overlayer_lowered:
.L_overlay_start_2:
0x10c: {  	(tag) =	ssettag $0x2  }
0x10d: {  	s0 =	rddreg [dreg:$0x0];
	s2 =	stileid.u32  }
0x10e: {  	s1 =	rddreg [dreg:$0x1];
	p0 =	sne.s32 s2, $0x0  }
0x10f: {  	s3 =	rddreg [dreg:$0x2];
	[bflag:$0x3] =	sbarrier.arrive $0xFFFF;
	s2 =	simm.s32 @!p0 $0x1C01  }
0x110: {  	[timem:s3], [sflag:s2] =	dma.local @!p0 [hbm:s0], s1  }
0x111: {  	s0 =	simm.s32 @!p0 $0x1  }
0x112: {  	_ =	swait.ge @!p0 [sflag:s0], s1  }
0x113: {  	s1 =	ssub.s32 @!p0 $0x0, s1;
	[sflag:s0] =	ssyncset.done @!p0 $0x0  }
0x114: {  	[sflag:s0] =	ssyncadd.s32 @!p0 s1  }
0x115: {  	[bflag:$0x3] =	sbarrier.arrive $0xFFFF  }
0x116: {  	_ =	shalt  }

</sc_bundles>
